<compile_context>
chip_gen: v7x
topology: tpu7x:2x2x1
jax: 0.10.2.dev20260603
libtpu: 0.0.44.dev20260713+nightly
codegen_flags: <defaults>
</compile_context>

<pallas_src>
import jax
import jax.numpy as jnp
from jax import lax
from jax.experimental import pallas as pl
from jax.experimental.pallas import tpu as pltpu
from jax.experimental.pallas import tpu_sc as plsc

B = 4
N = 4096
M = 1024
C = 64
NSAMPLE = 32
R2 = 0.3 * 0.3
L = 16
NCHUNK = N // L
NTILES = 32
M_PER_TILE = (B * M) // NTILES
TILES_PER_BATCH = M // M_PER_TILE
G = 4
NGROUP = M_PER_TILE // G
GR = G * NSAMPLE


def _sc_body(xyz_hbm, newxyz_hbm, feat_hbm, outxyz_hbm, outfeat_hbm,
             xyz_v, newxyz_v, selbuf, idxbuf, xyzout_v, rowsbuf,
             gsem0, gsem1, osem0, osem1, xsem):
    wid = lax.axis_index("s") * 2 + lax.axis_index("c")
    b = wid // TILES_PER_BATCH
    m0 = (wid % TILES_PER_BATCH) * M_PER_TILE

    pltpu.sync_copy(xyz_hbm.at[b], xyz_v)
    for coord in range(3):
        pltpu.sync_copy(
            newxyz_hbm.at[b, pl.ds(coord * M + m0, M_PER_TILE)],
            newxyz_v.at[pl.ds(coord * M_PER_TILE, M_PER_TILE)])

    iota = lax.iota(jnp.int32, L)
    zeros16 = jnp.zeros((L,), jnp.int32)
    r2 = jnp.float32(R2)

    def per_centroid(ml, _):
        mlv = jnp.full((L,), ml, jnp.int32)
        qx = plsc.load_gather(newxyz_v, [mlv])
        qy = plsc.load_gather(newxyz_v, [mlv + M_PER_TILE])
        qz = plsc.load_gather(newxyz_v, [mlv + 2 * M_PER_TILE])

        def cond(carry):
            j, cnt = carry
            return jnp.logical_and(j < NCHUNK, cnt < NSAMPLE)

        def step(carry):
            j, cnt = carry
            off = pl.multiple_of(j * L, 2 * L)
            pa = [xyz_v[pl.ds(off + coord * N, L)] for coord in range(3)]
            pb = [xyz_v[pl.ds(off + coord * N + L, L)] for coord in range(3)]
            da = [pa[0] - qx, pa[1] - qy, pa[2] - qz]
            db = [pb[0] - qx, pb[1] - qy, pb[2] - qz]
            d2a = da[0] * da[0] + da[1] * da[1] + da[2] * da[2]
            d2b = db[0] * db[0] + db[1] * db[1] + db[2] * db[2]
            mska = d2a < r2
            mskb = d2b < r2
            popa = jnp.max(plsc.all_reduce_population_count(mska))
            popb = jnp.max(plsc.all_reduce_population_count(mskb))
            idxv = j * L + iota
            plsc.store_compressed(selbuf.at[pl.ds(cnt, L)], idxv, mask=mska)
            plsc.store_compressed(selbuf.at[pl.ds(cnt + popa, L)],
                                  idxv + L, mask=mskb)
            return j + 2, cnt + popa + popb

        _, cnt = lax.while_loop(cond, step, (jnp.int32(0), jnp.int32(0)))

        s0 = selbuf[pl.ds(0, L)]
        s1 = selbuf[pl.ds(L, L)]
        cv = jnp.full((L,), cnt, jnp.int32)
        first = plsc.load_gather(selbuf, [zeros16])
        first = jnp.where(cv > 0, first, jnp.full((L,), N - 1, jnp.int32))
        sel0 = jnp.where(iota < cv, s0, first)
        sel1 = jnp.where(iota + L < cv, s1, first)

        o = ml * NSAMPLE
        for coord, q in ((0, qx), (1, qy), (2, qz)):
            g0 = plsc.load_gather(xyz_v, [sel0 + coord * N])
            g1 = plsc.load_gather(xyz_v, [sel1 + coord * N])
            xyzout_v[coord, pl.ds(o, L)] = g0 - q
            xyzout_v[coord, pl.ds(o + L, L)] = g1 - q

        idxbuf[pl.ds(ml * NSAMPLE, L)] = sel0 + b * N
        idxbuf[pl.ds(ml * NSAMPLE + L, L)] = sel1 + b * N
        return _

    lax.fori_loop(0, M_PER_TILE, per_centroid, 0)

    xyzdma = pltpu.async_copy(
        xyzout_v, outxyz_hbm.at[b, :, pl.ds(m0 * NSAMPLE, M_PER_TILE * NSAMPLE)],
        xsem)

    rows = (rowsbuf.at[0], rowsbuf.at[1])
    gsems = (gsem0, gsem1)
    osems = (osem0, osem1)

    def gather(g, p):
        return pltpu.async_copy(
            feat_hbm.at[idxbuf.at[pl.ds(g * GR, GR)]], rows[p], gsems[p])

    def flush(g, p):
        return pltpu.async_copy(
            rows[p],
            outfeat_hbm.at[b, pl.ds((m0 + g * G) * NSAMPLE, GR)],
            osems[p])

    gdma = [gather(0, 0), None]
    fdma = [None, None]
    for g in range(NGROUP):
        p = g & 1
        q = p ^ 1
        if g + 1 < NGROUP:
            if fdma[q] is not None:
                fdma[q].wait()
            gdma[q] = gather(g + 1, q)
        gdma[p].wait()
        fdma[p] = flush(g, p)
    fdma[0].wait()
    fdma[1].wait()
    xyzdma.wait()


@jax.jit
def _run(xyz_t, newxyz_t, feat_rows):
    mesh = plsc.VectorSubcoreMesh(core_axis_name="c", subcore_axis_name="s")
    f = pl.kernel(
        _sc_body,
        out_type=(
            jax.ShapeDtypeStruct((B, 3, M * NSAMPLE), jnp.float32),
            jax.ShapeDtypeStruct((B, M * NSAMPLE, C), jnp.float32),
        ),
        mesh=mesh,
        compiler_params=pltpu.CompilerParams(
            needs_layout_passes=False, use_tc_tiling_on_sc=False),
        scratch_types=[
            pltpu.VMEM((3 * N,), jnp.float32),
            pltpu.VMEM((3 * M_PER_TILE,), jnp.float32),
            pltpu.VMEM((80,), jnp.int32),
            pltpu.VMEM((M_PER_TILE * NSAMPLE,), jnp.int32),
            pltpu.VMEM((3, M_PER_TILE * NSAMPLE), jnp.float32),
            pltpu.VMEM((2, GR, C), jnp.float32),
            pltpu.SemaphoreType.DMA,
            pltpu.SemaphoreType.DMA,
            pltpu.SemaphoreType.DMA,
            pltpu.SemaphoreType.DMA,
            pltpu.SemaphoreType.DMA,
        ],
    )
    return f(xyz_t, newxyz_t, feat_rows)


def kernel(xyz, new_xyz, features):
    xyz_t = jnp.transpose(xyz, (0, 2, 1)).reshape(B, 3 * N)
    newxyz_t = jnp.transpose(new_xyz, (0, 2, 1)).reshape(B, 3 * M)
    feat_rows = jnp.transpose(features, (0, 2, 1)).reshape(B * N, C)
    out_xyz, out_feat = _run(xyz_t, newxyz_t, feat_rows)
    out_xyz = out_xyz.reshape(B, 3, M, NSAMPLE)
    grouped_feat = jnp.transpose(
        out_feat.reshape(B, M, NSAMPLE, C), (0, 3, 1, 2))
    return jnp.concatenate([out_xyz, grouped_feat], axis=1)

# --- scband reference (transcript-rebuilt; emitter-appended) ---
"""Pipeline reference for scband-query-and-group-3315714753182 (READ-ONLY COPY).

The authoritative reference and input builder live on the scoring server;
editing this copy changes nothing except your own understanding.
"""

import jax, jax.numpy as jnp
import numpy as np

RADIUS = 0.3
NSAMPLE = 32


def setup_inputs(seed: int = 0) -> dict:
    key = jax.random.key(seed)
    k1, k2, k3 = jax.random.split(key, 3)
    xyz = jax.random.uniform(k1, (4, 4096, 3), dtype=jnp.float32)
    new_xyz = jax.random.uniform(k2, (4, 1024, 3), dtype=jnp.float32)
    features = jax.random.normal(k3, (4, 64, 4096), dtype=jnp.float32)
    return {"xyz": xyz, "new_xyz": new_xyz, "features": features}


def _query_ball_point(new_xyz, xyz):
    B, M, _ = new_xyz.shape
    N = xyz.shape[1]
    diff = new_xyz[:, :, None, :] - xyz[:, None, :, :]
    dist2 = jnp.sum(diff ** 2, axis=-1)
    mask = dist2 < (RADIUS * RADIUS)
    arange_n = jnp.broadcast_to(jnp.arange(N, dtype=jnp.int32)[None, None, :], (B, M, N))
    arange_masked = jnp.where(mask, arange_n, jnp.full_like(arange_n, N + 1))
    sorted_indices = jnp.sort(arange_masked, axis=2)
    first_nsample = sorted_indices[:, :, :NSAMPLE]
    invalid_mask = first_nsample >= N
    first_valid = jnp.broadcast_to(first_nsample[:, :, 0:1], first_nsample.shape)
    first_nsample = jnp.where(invalid_mask, first_valid, first_nsample)
    return first_nsample


def _group_points(points, idx):
    # points: (B, C, N), idx: (B, M, nsample) -> (B, C, M, nsample)
    B, C, N = points.shape
    _, M, ns = idx.shape
    flat = idx.reshape(B, 1, M * ns)
    flat = jnp.broadcast_to(flat, (B, C, M * ns))
    gathered = jnp.take_along_axis(points, flat, axis=2)
    return gathered.reshape(B, C, M, ns)


def reference(xyz, new_xyz, features):
    idx = _query_ball_point(new_xyz, xyz)
    xyz_trans = jnp.transpose(xyz, (0, 2, 1))
    grouped_xyz = _group_points(xyz_trans, idx)
    grouped_xyz = grouped_xyz - jnp.transpose(new_xyz, (0, 2, 1))[:, :, :, None]
    grouped_features = _group_points(features, idx)
    new_features = jnp.concatenate([grouped_xyz, grouped_features], axis=1)
    return new_features

if __name__ == "__main__":
    import jax
    _d = setup_inputs()
    print(jax.jit(kernel)(*tuple(_d.values())))

</pallas_src>

<mosaic_0001>
#map = affine_map<(d0, d1) -> (0, 0)>
#map1 = affine_map<(d0, d1) -> (0, 0, 0)>
module attributes {stable_mosaic.version = 14 : i64} {
  func.func @_sc_body(%arg0: i32, %arg1: i32, %arg2: memref<4x12288xf32, #tpu.memory_space<hbm>>, %arg3: memref<4x3072xf32, #tpu.memory_space<hbm>>, %arg4: memref<16384x64xf32, #tpu.memory_space<hbm>>, %arg5: memref<4x3x32768xf32, #tpu.memory_space<hbm>>, %arg6: memref<4x32768x64xf32, #tpu.memory_space<hbm>>, %arg7: memref<12288xf32, #tpu.memory_space<vmem>>, %arg8: memref<384xf32, #tpu.memory_space<vmem>>, %arg9: memref<80xi32, #tpu.memory_space<vmem>>, %arg10: memref<4096xi32, #tpu.memory_space<vmem>>, %arg11: memref<3x4096xf32, #tpu.memory_space<vmem>>, %arg12: memref<2x128x64xf32, #tpu.memory_space<vmem>>, %arg13: memref<!tpu.dma_semaphore, #tpu.memory_space<semaphore_mem>>, %arg14: memref<!tpu.dma_semaphore, #tpu.memory_space<semaphore_mem>>, %arg15: memref<!tpu.dma_semaphore, #tpu.memory_space<semaphore_mem>>, %arg16: memref<!tpu.dma_semaphore, #tpu.memory_space<semaphore_mem>>, %arg17: memref<!tpu.dma_semaphore, #tpu.memory_space<semaphore_mem>>) attributes {dimension_semantics = [#tpu.dimension_semantics<core_parallel>, #tpu.dimension_semantics<subcore_parallel>], iteration_bounds = array<i64: 2, 16>, scalar_prefetch = 0 : i64, scratch_operands = 11 : i64, tpu.core_type = #tpu.core_type<sc_vector_subcore>, window_params = [{transform_indices = #map}, {transform_indices = #map}, {transform_indices = #map}, {transform_indices = #map1}, {transform_indices = #map1}]} {
    %mul3A = arith.constant 2 : i32
    %mul3A_0 = arith.muli %arg1, %mul3A : i32
    %add3A = arith.addi %mul3A_0, %arg0 : i32
    %jit3A = arith.constant 8 : i32
    %div3A = arith.divsi %add3A, %jit3A : i32
    %sign3A = arith.constant 0 : i32
    %sign3A_1 = arith.cmpi sgt, %add3A, %sign3A : i32
    %sign3A_2 = arith.extui %sign3A_1 : i1 to i32
    %sign3A_3 = arith.constant 0 : i32
    %sign3A_4 = arith.cmpi slt, %add3A, %sign3A_3 : i32
    %sign3A_5 = arith.extui %sign3A_4 : i1 to i32
    %sign3A_6 = arith.subi %sign3A_2, %sign3A_5 : i32
    %sign3A_7 = arith.constant 0 : i32
    %sign3A_8 = arith.cmpi sgt, %jit3A, %sign3A_7 : i32
    %sign3A_9 = arith.extui %sign3A_8 : i1 to i32
    %sign3A_10 = arith.constant 0 : i32
    %sign3A_11 = arith.cmpi slt, %jit3A, %sign3A_10 : i32
    %sign3A_12 = arith.extui %sign3A_11 : i1 to i32
    %sign3A_13 = arith.subi %sign3A_9, %sign3A_12 : i32
    %ne3A = arith.cmpi ne, %sign3A_6, %sign3A_13 : i32
    %rem3A = arith.remsi %add3A, %jit3A : i32
    %ne3A_14 = arith.constant 0 : i32
    %ne3A_15 = arith.cmpi ne, %rem3A, %ne3A_14 : i32
    %and3A = arith.andi %ne3A, %ne3A_15 : i1
    %sub3A = arith.constant 1 : i32
    %sub3A_16 = arith.subi %div3A, %sub3A : i32
    %select_n3A = arith.select %and3A, %sub3A_16, %div3A : i32
    %jit3A_17 = arith.constant 8 : i32
    %eq3A = arith.constant 0 : i32
    %eq3A_18 = arith.cmpi eq, %jit3A_17, %eq3A : i32
    %jit3A_19 = arith.constant 1 : i32
    %select_n3A_20 = arith.select %eq3A_18, %jit3A_19, %jit3A_17 : i32
    %rem3A_21 = arith.remsi %add3A, %select_n3A_20 : i32
    %ne3A_22 = arith.constant 0 : i32
    %ne3A_23 = arith.cmpi ne, %rem3A_21, %ne3A_22 : i32
    %lt3A = arith.constant 0 : i32
    %lt3A_24 = arith.cmpi slt, %rem3A_21, %lt3A : i32
    %lt3A_25 = arith.constant 0 : i32
    %lt3A_26 = arith.cmpi slt, %select_n3A_20, %lt3A_25 : i32
    %ne3A_27 = arith.xori %lt3A_24, %lt3A_26 : i1
    %and3A_28 = arith.andi %ne3A_27, %ne3A_23 : i1
    %add3A_29 = arith.addi %rem3A_21, %select_n3A_20 : i32
    %select_n3A_30 = arith.select %and3A_28, %add3A_29, %rem3A_21 : i32
    %mul3A_31 = arith.constant 128 : i32
    %mul3A_32 = arith.muli %select_n3A_30, %mul3A_31 : i32
    "tpu.region"() ({
      %run_scoped3A = tpu.sem_alloc : memref<!tpu.dma_semaphore, #tpu.memory_space<semaphore_mem>>
      %dma_start3A_1787 = arith.constant 0 : i32
      %dma_start3A_1788 = tpu.memref_slice %arg2[%select_n3A, %dma_start3A_1787] : memref<4x12288xf32, #tpu.memory_space<hbm>> -> memref<1x12288xf32, #tpu.memory_space<hbm>>
      %dma_start3A_1789 = tpu.memref_squeeze %dma_start3A_1788 : memref<1x12288xf32, #tpu.memory_space<hbm>> -> memref<12288xf32, #tpu.memory_space<hbm>>
      %dma_start3A_1790 = arith.constant 0 : i32
      %dma_start3A_1791 = tpu.memref_slice %arg2[%select_n3A, %dma_start3A_1790] : memref<4x12288xf32, #tpu.memory_space<hbm>> -> memref<1x12288xf32, #tpu.memory_space<hbm>>
      %dma_start3A_1792 = tpu.memref_squeeze %dma_start3A_1791 : memref<1x12288xf32, #tpu.memory_space<hbm>> -> memref<12288xf32, #tpu.memory_space<hbm>>
      tpu.enqueue_dma source(%dma_start3A_1792 : memref<12288xf32, #tpu.memory_space<hbm>>) target(%arg7 : memref<12288xf32, #tpu.memory_space<vmem>>) target_semaphore(%run_scoped3A : memref<!tpu.dma_semaphore, #tpu.memory_space<semaphore_mem>>)
      %dma_wait3A_1793 = arith.constant 0 : i32
      %dma_wait3A_1794 = tpu.memref_slice %arg2[%select_n3A, %dma_wait3A_1793] : memref<4x12288xf32, #tpu.memory_space<hbm>> -> memref<1x12288xf32, #tpu.memory_space<hbm>>
      %dma_wait3A_1795 = tpu.memref_squeeze %dma_wait3A_1794 : memref<1x12288xf32, #tpu.memory_space<hbm>> -> memref<12288xf32, #tpu.memory_space<hbm>>
      %dma_wait3A_1796 = arith.constant 0 : i32
      %dma_wait3A_1797 = tpu.memref_slice %arg2[%select_n3A, %dma_wait3A_1796] : memref<4x12288xf32, #tpu.memory_space<hbm>> -> memref<1x12288xf32, #tpu.memory_space<hbm>>
      %dma_wait3A_1798 = tpu.memref_squeeze %dma_wait3A_1797 : memref<1x12288xf32, #tpu.memory_space<hbm>> -> memref<12288xf32, #tpu.memory_space<hbm>>
      tpu.wait_dma2 semaphore(%run_scoped3A : memref<!tpu.dma_semaphore, #tpu.memory_space<semaphore_mem>>) src(%dma_wait3A_1798 : memref<12288xf32, #tpu.memory_space<hbm>>) dst(%arg7 : memref<12288xf32, #tpu.memory_space<vmem>>)
      tpu.yield
    }) : () -> ()
    %add3A_33 = arith.constant 0 : i32
    %add3A_34 = arith.addi %add3A_33, %mul3A_32 : i32
    "tpu.region"() ({
      %run_scoped3A = tpu.sem_alloc : memref<!tpu.dma_semaphore, #tpu.memory_space<semaphore_mem>>
      %dma_start3A_1787 = arith.constant 0 : i32
      %dma_start3A_1788 = tpu.memref_slice %arg8[%dma_start3A_1787] : memref<384xf32, #tpu.memory_space<vmem>> -> memref<128xf32, #tpu.memory_space<vmem>>
      %dma_start3A_1789 = tpu.memref_slice %arg3[%select_n3A, %add3A_34] : memref<4x3072xf32, #tpu.memory_space<hbm>> -> memref<1x128xf32, #tpu.memory_space<hbm>>
      %dma_start3A_1790 = tpu.memref_squeeze %dma_start3A_1789 : memref<1x128xf32, #tpu.memory_space<hbm>> -> memref<128xf32, #tpu.memory_space<hbm>>
      %dma_start3A_1791 = arith.constant 0 : i32
      %dma_start3A_1792 = tpu.memref_slice %arg8[%dma_start3A_1791] : memref<384xf32, #tpu.memory_space<vmem>> -> memref<128xf32, #tpu.memory_space<vmem>>
      %dma_start3A_1793 = tpu.memref_slice %arg3[%select_n3A, %add3A_34] : memref<4x3072xf32, #tpu.memory_space<hbm>> -> memref<1x128xf32, #tpu.memory_space<hbm>>
      %dma_start3A_1794 = tpu.memref_squeeze %dma_start3A_1793 : memref<1x128xf32, #tpu.memory_space<hbm>> -> memref<128xf32, #tpu.memory_space<hbm>>
      tpu.enqueue_dma source(%dma_start3A_1794 : memref<128xf32, #tpu.memory_space<hbm>>) target(%dma_start3A_1792 : memref<128xf32, #tpu.memory_space<vmem>>) target_semaphore(%run_scoped3A : memref<!tpu.dma_semaphore, #tpu.memory_space<semaphore_mem>>)
      %dma_wait3A_1795 = arith.constant 0 : i32
      %dma_wait3A_1796 = tpu.memref_slice %arg8[%dma_wait3A_1795] : memref<384xf32, #tpu.memory_space<vmem>> -> memref<128xf32, #tpu.memory_space<vmem>>
      %dma_wait3A_1797 = tpu.memref_slice %arg3[%select_n3A, %add3A_34] : memref<4x3072xf32, #tpu.memory_space<hbm>> -> memref<1x128xf32, #tpu.memory_space<hbm>>
      %dma_wait3A_1798 = tpu.memref_squeeze %dma_wait3A_1797 : memref<1x128xf32, #tpu.memory_space<hbm>> -> memref<128xf32, #tpu.memory_space<hbm>>
      %dma_wait3A_1799 = arith.constant 0 : i32
      %dma_wait3A_1800 = tpu.memref_slice %arg8[%dma_wait3A_1799] : memref<384xf32, #tpu.memory_space<vmem>> -> memref<128xf32, #tpu.memory_space<vmem>>
      %dma_wait3A_1801 = tpu.memref_slice %arg3[%select_n3A, %add3A_34] : memref<4x3072xf32, #tpu.memory_space<hbm>> -> memref<1x128xf32, #tpu.memory_space<hbm>>
      %dma_wait3A_1802 = tpu.memref_squeeze %dma_wait3A_1801 : memref<1x128xf32, #tpu.memory_space<hbm>> -> memref<128xf32, #tpu.memory_space<hbm>>
      tpu.wait_dma2 semaphore(%run_scoped3A : memref<!tpu.dma_semaphore, #tpu.memory_space<semaphore_mem>>) src(%dma_wait3A_1802 : memref<128xf32, #tpu.memory_space<hbm>>) dst(%dma_wait3A_1800 : memref<128xf32, #tpu.memory_space<vmem>>)
      tpu.yield
    }) : () -> ()
    %add3A_35 = arith.constant 1024 : i32
    %add3A_36 = arith.addi %add3A_35, %mul3A_32 : i32
    "tpu.region"() ({
      %run_scoped3A = tpu.sem_alloc : memref<!tpu.dma_semaphore, #tpu.memory_space<semaphore_mem>>
      %dma_start3A_1787 = arith.constant 128 : i32
      %dma_start3A_1788 = tpu.memref_slice %arg8[%dma_start3A_1787] : memref<384xf32, #tpu.memory_space<vmem>> -> memref<128xf32, #tpu.memory_space<vmem>>
      %dma_start3A_1789 = tpu.memref_slice %arg3[%select_n3A, %add3A_36] : memref<4x3072xf32, #tpu.memory_space<hbm>> -> memref<1x128xf32, #tpu.memory_space<hbm>>
      %dma_start3A_1790 = tpu.memref_squeeze %dma_start3A_1789 : memref<1x128xf32, #tpu.memory_space<hbm>> -> memref<128xf32, #tpu.memory_space<hbm>>
      %dma_start3A_1791 = arith.constant 128 : i32
      %dma_start3A_1792 = tpu.memref_slice %arg8[%dma_start3A_1791] : memref<384xf32, #tpu.memory_space<vmem>> -> memref<128xf32, #tpu.memory_space<vmem>>
      %dma_start3A_1793 = tpu.memref_slice %arg3[%select_n3A, %add3A_36] : memref<4x3072xf32, #tpu.memory_space<hbm>> -> memref<1x128xf32, #tpu.memory_space<hbm>>
      %dma_start3A_1794 = tpu.memref_squeeze %dma_start3A_1793 : memref<1x128xf32, #tpu.memory_space<hbm>> -> memref<128xf32, #tpu.memory_space<hbm>>
      tpu.enqueue_dma source(%dma_start3A_1794 : memref<128xf32, #tpu.memory_space<hbm>>) target(%dma_start3A_1792 : memref<128xf32, #tpu.memory_space<vmem>>) target_semaphore(%run_scoped3A : memref<!tpu.dma_semaphore, #tpu.memory_space<semaphore_mem>>)
      %dma_wait3A_1795 = arith.constant 128 : i32
      %dma_wait3A_1796 = tpu.memref_slice %arg8[%dma_wait3A_1795] : memref<384xf32, #tpu.memory_space<vmem>> -> memref<128xf32, #tpu.memory_space<vmem>>
      %dma_wait3A_1797 = tpu.memref_slice %arg3[%select_n3A, %add3A_36] : memref<4x3072xf32, #tpu.memory_space<hbm>> -> memref<1x128xf32, #tpu.memory_space<hbm>>
      %dma_wait3A_1798 = tpu.memref_squeeze %dma_wait3A_1797 : memref<1x128xf32, #tpu.memory_space<hbm>> -> memref<128xf32, #tpu.memory_space<hbm>>
      %dma_wait3A_1799 = arith.constant 128 : i32
      %dma_wait3A_1800 = tpu.memref_slice %arg8[%dma_wait3A_1799] : memref<384xf32, #tpu.memory_space<vmem>> -> memref<128xf32, #tpu.memory_space<vmem>>
      %dma_wait3A_1801 = tpu.memref_slice %arg3[%select_n3A, %add3A_36] : memref<4x3072xf32, #tpu.memory_space<hbm>> -> memref<1x128xf32, #tpu.memory_space<hbm>>
      %dma_wait3A_1802 = tpu.memref_squeeze %dma_wait3A_1801 : memref<1x128xf32, #tpu.memory_space<hbm>> -> memref<128xf32, #tpu.memory_space<hbm>>
      tpu.wait_dma2 semaphore(%run_scoped3A : memref<!tpu.dma_semaphore, #tpu.memory_space<semaphore_mem>>) src(%dma_wait3A_1802 : memref<128xf32, #tpu.memory_space<hbm>>) dst(%dma_wait3A_1800 : memref<128xf32, #tpu.memory_space<vmem>>)
      tpu.yield
    }) : () -> ()
    %add3A_37 = arith.constant 2048 : i32
    %add3A_38 = arith.addi %add3A_37, %mul3A_32 : i32
    "tpu.region"() ({
      %run_scoped3A = tpu.sem_alloc : memref<!tpu.dma_semaphore, #tpu.memory_space<semaphore_mem>>
      %dma_start3A_1787 = arith.constant 256 : i32
      %dma_start3A_1788 = tpu.memref_slice %arg8[%dma_start3A_1787] : memref<384xf32, #tpu.memory_space<vmem>> -> memref<128xf32, #tpu.memory_space<vmem>>
      %dma_start3A_1789 = tpu.memref_slice %arg3[%select_n3A, %add3A_38] : memref<4x3072xf32, #tpu.memory_space<hbm>> -> memref<1x128xf32, #tpu.memory_space<hbm>>
      %dma_start3A_1790 = tpu.memref_squeeze %dma_start3A_1789 : memref<1x128xf32, #tpu.memory_space<hbm>> -> memref<128xf32, #tpu.memory_space<hbm>>
      %dma_start3A_1791 = arith.constant 256 : i32
      %dma_start3A_1792 = tpu.memref_slice %arg8[%dma_start3A_1791] : memref<384xf32, #tpu.memory_space<vmem>> -> memref<128xf32, #tpu.memory_space<vmem>>
      %dma_start3A_1793 = tpu.memref_slice %arg3[%select_n3A, %add3A_38] : memref<4x3072xf32, #tpu.memory_space<hbm>> -> memref<1x128xf32, #tpu.memory_space<hbm>>
      %dma_start3A_1794 = tpu.memref_squeeze %dma_start3A_1793 : memref<1x128xf32, #tpu.memory_space<hbm>> -> memref<128xf32, #tpu.memory_space<hbm>>
      tpu.enqueue_dma source(%dma_start3A_1794 : memref<128xf32, #tpu.memory_space<hbm>>) target(%dma_start3A_1792 : memref<128xf32, #tpu.memory_space<vmem>>) target_semaphore(%run_scoped3A : memref<!tpu.dma_semaphore, #tpu.memory_space<semaphore_mem>>)
      %dma_wait3A_1795 = arith.constant 256 : i32
      %dma_wait3A_1796 = tpu.memref_slice %arg8[%dma_wait3A_1795] : memref<384xf32, #tpu.memory_space<vmem>> -> memref<128xf32, #tpu.memory_space<vmem>>
      %dma_wait3A_1797 = tpu.memref_slice %arg3[%select_n3A, %add3A_38] : memref<4x3072xf32, #tpu.memory_space<hbm>> -> memref<1x128xf32, #tpu.memory_space<hbm>>
      %dma_wait3A_1798 = tpu.memref_squeeze %dma_wait3A_1797 : memref<1x128xf32, #tpu.memory_space<hbm>> -> memref<128xf32, #tpu.memory_space<hbm>>
      %dma_wait3A_1799 = arith.constant 256 : i32
      %dma_wait3A_1800 = tpu.memref_slice %arg8[%dma_wait3A_1799] : memref<384xf32, #tpu.memory_space<vmem>> -> memref<128xf32, #tpu.memory_space<vmem>>
      %dma_wait3A_1801 = tpu.memref_slice %arg3[%select_n3A, %add3A_38] : memref<4x3072xf32, #tpu.memory_space<hbm>> -> memref<1x128xf32, #tpu.memory_space<hbm>>
      %dma_wait3A_1802 = tpu.memref_squeeze %dma_wait3A_1801 : memref<1x128xf32, #tpu.memory_space<hbm>> -> memref<128xf32, #tpu.memory_space<hbm>>
      tpu.wait_dma2 semaphore(%run_scoped3A : memref<!tpu.dma_semaphore, #tpu.memory_space<semaphore_mem>>) src(%dma_wait3A_1802 : memref<128xf32, #tpu.memory_space<hbm>>) dst(%dma_wait3A_1800 : memref<128xf32, #tpu.memory_space<vmem>>)
      tpu.yield
    }) : () -> ()
    %iota3A = tpu.iota {dimensions = array<i32: 0>} : vector<16xi32>
    %broadcast_in_dim3A = arith.constant 0 : i32
    %broadcast_in_dim3A_39 = vector.broadcast %broadcast_in_dim3A : i32 to vector<16xi32>
    %scan3A = arith.constant 9.000000e-02 : f32
    %scan3A_40 = arith.constant 0 : i32
    %scan3A_41 = arith.constant 0 : i32
    %scan3A_42 = arith.constant 128 : i32
    %scan3A_43 = arith.addi %scan3A_41, %scan3A_42 : i32
    %scan3A_44 = arith.constant 1 : i32
    %scan3A_45 = scf.for %scan3A_1787 = %scan3A_41 to %scan3A_43 step %scan3A_44 iter_args(%scan3A_1788 = %scan3A_40) -> (i32)  : i32 {
      %broadcast_in_dim3A_1789 = vector.broadcast %scan3A_1787 : i32 to vector<16xi32>
      %gather3A = tpu.vector_load_idx %arg8[%broadcast_in_dim3A_1789] : memref<384xf32, #tpu.memory_space<vmem>>[vector<16xi32>], vector<16xf32>,
      %add3A_1790 = arith.constant 128 : i32
      %add3A_1791 = vector.broadcast %add3A_1790 : i32 to vector<16xi32>
      %add3A_1792 = arith.addi %broadcast_in_dim3A_1789, %add3A_1791 : vector<16xi32>
      %gather3A_1793 = tpu.vector_load_idx %arg8[%add3A_1792] : memref<384xf32, #tpu.memory_space<vmem>>[vector<16xi32>], vector<16xf32>,
      %add3A_1794 = arith.constant 256 : i32
      %add3A_1795 = vector.broadcast %add3A_1794 : i32 to vector<16xi32>
      %add3A_1796 = arith.addi %broadcast_in_dim3A_1789, %add3A_1795 : vector<16xi32>
      %gather3A_1797 = tpu.vector_load_idx %arg8[%add3A_1796] : memref<384xf32, #tpu.memory_space<vmem>>[vector<16xi32>], vector<16xf32>,
      %while3A = arith.constant 0 : i32
      %while3A_1798 = arith.constant 0 : i32
      %while3A_1799:2 = scf.while (%while3A_1896 = %while3A, %while3A_1897 = %while3A_1798) : (i32, i32) -> (i32, i32) {
        %lt3A_1898 = arith.constant 256 : i32
        %lt3A_1899 = arith.cmpi slt, %while3A_1896, %lt3A_1898 : i32
        %lt3A_1900 = arith.constant 32 : i32
        %lt3A_1901 = arith.cmpi slt, %while3A_1897, %lt3A_1900 : i32
        %and3A_1902 = arith.andi %lt3A_1899, %lt3A_1901 : i1
        scf.condition(%and3A_1902) %while3A_1896, %while3A_1897 : i32, i32
      } do {
      ^bb0(%while3A_1896: i32, %while3A_1897: i32):
        %mul3A_1898 = arith.constant 16 : i32
        %mul3A_1899 = arith.muli %while3A_1896, %mul3A_1898 : i32
        %multiple_of3A = tpu.assume_multiple %mul3A_1899, 32 : i32
        %add3A_1900 = arith.constant 0 : i32
        %add3A_1901 = arith.addi %multiple_of3A, %add3A_1900 : i32
        %get3A_1902 = arith.index_cast %add3A_1901 : i32 to index
        %get3A_1903 = tpu.vector_load %arg7[%get3A_1902] {strides = array<i32>} : memref<12288xf32, #tpu.memory_space<vmem>>, vector<16xf32>,
        %add3A_1904 = arith.constant 4096 : i32
        %add3A_1905 = arith.addi %multiple_of3A, %add3A_1904 : i32
        %get3A_1906 = arith.index_cast %add3A_1905 : i32 to index
        %get3A_1907 = tpu.vector_load %arg7[%get3A_1906] {strides = array<i32>} : memref<12288xf32, #tpu.memory_space<vmem>>, vector<16xf32>,
        %add3A_1908 = arith.constant 8192 : i32
        %add3A_1909 = arith.addi %multiple_of3A, %add3A_1908 : i32
        %get3A_1910 = arith.index_cast %add3A_1909 : i32 to index
        %get3A_1911 = tpu.vector_load %arg7[%get3A_1910] {strides = array<i32>} : memref<12288xf32, #tpu.memory_space<vmem>>, vector<16xf32>,
        %add3A_1912 = arith.constant 0 : i32
        %add3A_1913 = arith.addi %multiple_of3A, %add3A_1912 : i32
        %add3A_1914 = arith.constant 16 : i32
        %add3A_1915 = arith.addi %add3A_1913, %add3A_1914 : i32
        %get3A_1916 = arith.index_cast %add3A_1915 : i32 to index
        %get3A_1917 = tpu.vector_load %arg7[%get3A_1916] {strides = array<i32>} : memref<12288xf32, #tpu.memory_space<vmem>>, vector<16xf32>,
        %add3A_1918 = arith.constant 4096 : i32
        %add3A_1919 = arith.addi %multiple_of3A, %add3A_1918 : i32
        %add3A_1920 = arith.constant 16 : i32
        %add3A_1921 = arith.addi %add3A_1919, %add3A_1920 : i32
        %get3A_1922 = arith.index_cast %add3A_1921 : i32 to index
        %get3A_1923 = tpu.vector_load %arg7[%get3A_1922] {strides = array<i32>} : memref<12288xf32, #tpu.memory_space<vmem>>, vector<16xf32>,
        %add3A_1924 = arith.constant 8192 : i32
        %add3A_1925 = arith.addi %multiple_of3A, %add3A_1924 : i32
        %add3A_1926 = arith.constant 16 : i32
        %add3A_1927 = arith.addi %add3A_1925, %add3A_1926 : i32
        %get3A_1928 = arith.index_cast %add3A_1927 : i32 to index
        %get3A_1929 = tpu.vector_load %arg7[%get3A_1928] {strides = array<i32>} : memref<12288xf32, #tpu.memory_space<vmem>>, vector<16xf32>,
        %sub3A_1930 = arith.subf %get3A_1903, %gather3A : vector<16xf32>
        %sub3A_1931 = arith.subf %get3A_1907, %gather3A_1793 : vector<16xf32>
        %sub3A_1932 = arith.subf %get3A_1911, %gather3A_1797 : vector<16xf32>
        %sub3A_1933 = arith.subf %get3A_1917, %gather3A : vector<16xf32>
        %sub3A_1934 = arith.subf %get3A_1923, %gather3A_1793 : vector<16xf32>
        %sub3A_1935 = arith.subf %get3A_1929, %gather3A_1797 : vector<16xf32>
        %mul3A_1936 = arith.mulf %sub3A_1930, %sub3A_1930 : vector<16xf32>
        %mul3A_1937 = arith.mulf %sub3A_1931, %sub3A_1931 : vector<16xf32>
        %add3A_1938 = arith.addf %mul3A_1936, %mul3A_1937 : vector<16xf32>
        %mul3A_1939 = arith.mulf %sub3A_1932, %sub3A_1932 : vector<16xf32>
        %add3A_1940 = arith.addf %add3A_1938, %mul3A_1939 : vector<16xf32>
        %mul3A_1941 = arith.mulf %sub3A_1933, %sub3A_1933 : vector<16xf32>
        %mul3A_1942 = arith.mulf %sub3A_1934, %sub3A_1934 : vector<16xf32>
        %add3A_1943 = arith.addf %mul3A_1941, %mul3A_1942 : vector<16xf32>
        %mul3A_1944 = arith.mulf %sub3A_1935, %sub3A_1935 : vector<16xf32>
        %add3A_1945 = arith.addf %add3A_1943, %mul3A_1944 : vector<16xf32>
        %lt3A_1946 = vector.broadcast %scan3A : f32 to vector<16xf32>
        %lt3A_1947 = arith.cmpf olt, %add3A_1940, %lt3A_1946 : vector<16xf32>
        %lt3A_1948 = vector.broadcast %scan3A : f32 to vector<16xf32>
        %lt3A_1949 = arith.cmpf olt, %add3A_1945, %lt3A_1948 : vector<16xf32>
        %all_reduce_population_count3A = tpu.all_reduce %lt3A_1947 {dim = 0 : i64, kind = #tpu.reduction_kind<sum>} : vector<16xi1> -> vector<16xi32>
        %reduce_max3A = arith.constant true
        %reduce_max3A_1950 = vector.broadcast %reduce_max3A : i1 to vector<16xi1>
        %reduce_max3A_1951 = arith.constant -2147483648 : i32
        %reduce_max3A_1952 = vector.broadcast %reduce_max3A_1951 : i32 to vector<16xi32>
        %reduce_max3A_1953 = arith.xori %all_reduce_population_count3A, %reduce_max3A_1952 : vector<16xi32>
        %reduce_max3A_1954 = tpu.scan <max>, %reduce_max3A_1953 masked %reduce_max3A_1950 : vector<16xi32>, vector<16xi1> -> vector<16xi32>
        %reduce_max3A_1955 = arith.xori %reduce_max3A_1954, %reduce_max3A_1952 : vector<16xi32>
        %reduce_max3A_1956 = vector.extract %reduce_max3A_1955[15] : i32 from vector<16xi32>
        %all_reduce_population_count3A_1957 = tpu.all_reduce %lt3A_1949 {dim = 0 : i64, kind = #tpu.reduction_kind<sum>} : vector<16xi1> -> vector<16xi32>
        %reduce_max3A_1958 = arith.constant true
        %reduce_max3A_1959 = vector.broadcast %reduce_max3A_1958 : i1 to vector<16xi1>
        %reduce_max3A_1960 = arith.constant -2147483648 : i32
        %reduce_max3A_1961 = vector.broadcast %reduce_max3A_1960 : i32 to vector<16xi32>
        %reduce_max3A_1962 = arith.xori %all_reduce_population_count3A_1957, %reduce_max3A_1961 : vector<16xi32>
        %reduce_max3A_1963 = tpu.scan <max>, %reduce_max3A_1962 masked %reduce_max3A_1959 : vector<16xi32>, vector<16xi1> -> vector<16xi32>
        %reduce_max3A_1964 = arith.xori %reduce_max3A_1963, %reduce_max3A_1961 : vector<16xi32>
        %reduce_max3A_1965 = vector.extract %reduce_max3A_1964[15] : i32 from vector<16xi32>
        %mul3A_1966 = arith.constant 16 : i32
        %mul3A_1967 = arith.muli %while3A_1896, %mul3A_1966 : i32
        %add3A_1968 = vector.broadcast %mul3A_1967 : i32 to vector<16xi32>
        %add3A_1969 = arith.addi %add3A_1968, %iota3A : vector<16xi32>
        %swap3A_1970 = arith.index_cast %while3A_1897 : i32 to index
        %swap3A_1971 = tpu.vector_load %arg9[%swap3A_1970] masked %lt3A_1947 {strides = array<i32>} : memref<80xi32, #tpu.memory_space<vmem>>, vector<16xi32>, vector<16xi1>
        tpu.vector_store %arg9[%swap3A_1970], %add3A_1969 masked %lt3A_1947 {strides = array<i32>} : memref<80xi32, #tpu.memory_space<vmem>>, vector<16xi32>, vector<16xi1>
        %add3A_1972 = arith.addi %while3A_1897, %reduce_max3A_1956 : i32
        %add3A_1973 = arith.constant 16 : i32
        %add3A_1974 = vector.broadcast %add3A_1973 : i32 to vector<16xi32>
        %add3A_1975 = arith.addi %add3A_1969, %add3A_1974 : vector<16xi32>
        %swap3A_1976 = arith.index_cast %add3A_1972 : i32 to index
        %swap3A_1977 = tpu.vector_load %arg9[%swap3A_1976] masked %lt3A_1949 {strides = array<i32>} : memref<80xi32, #tpu.memory_space<vmem>>, vector<16xi32>, vector<16xi1>
        tpu.vector_store %arg9[%swap3A_1976], %add3A_1975 masked %lt3A_1949 {strides = array<i32>} : memref<80xi32, #tpu.memory_space<vmem>>, vector<16xi32>, vector<16xi1>
        %add3A_1978 = arith.constant 2 : i32
        %add3A_1979 = arith.addi %while3A_1896, %add3A_1978 : i32
        %add3A_1980 = arith.addi %while3A_1897, %reduce_max3A_1956 : i32
        %add3A_1981 = arith.addi %add3A_1980, %reduce_max3A_1965 : i32
        scf.yield %add3A_1979, %add3A_1981 : i32, i32
      }
      %get3A = arith.constant 0 : index
      %get3A_1800 = tpu.vector_load %arg9[%get3A] {strides = array<i32>} : memref<80xi32, #tpu.memory_space<vmem>>, vector<16xi32>,
      %get3A_1801 = arith.constant 16 : index
      %get3A_1802 = tpu.vector_load %arg9[%get3A_1801] {strides = array<i32>} : memref<80xi32, #tpu.memory_space<vmem>>, vector<16xi32>,
      %broadcast_in_dim3A_1803 = vector.broadcast %while3A_1799#1 : i32 to vector<16xi32>
      %gather3A_1804 = tpu.vector_load_idx %arg9[%broadcast_in_dim3A_39] : memref<80xi32, #tpu.memory_space<vmem>>[vector<16xi32>], vector<16xi32>,
      %gt3A = arith.constant 0 : i32
      %gt3A_1805 = vector.broadcast %gt3A : i32 to vector<16xi32>
      %gt3A_1806 = arith.cmpi sgt, %broadcast_in_dim3A_1803, %gt3A_1805 : vector<16xi32>
      %broadcast_in_dim3A_1807 = arith.constant 4095 : i32
      %broadcast_in_dim3A_1808 = vector.broadcast %broadcast_in_dim3A_1807 : i32 to vector<16xi32>
      %select_n3A_1809 = arith.select %gt3A_1806, %gather3A_1804, %broadcast_in_dim3A_1808 : vector<16xi1>, vector<16xi32>
      %lt3A_1810 = arith.cmpi slt, %iota3A, %broadcast_in_dim3A_1803 : vector<16xi32>
      %select_n3A_1811 = arith.select %lt3A_1810, %get3A_1800, %select_n3A_1809 : vector<16xi1>, vector<16xi32>
      %add3A_1812 = arith.constant 16 : i32
      %add3A_1813 = vector.broadcast %add3A_1812 : i32 to vector<16xi32>
      %add3A_1814 = arith.addi %iota3A, %add3A_1813 : vector<16xi32>
      %lt3A_1815 = arith.cmpi slt, %add3A_1814, %broadcast_in_dim3A_1803 : vector<16xi32>
      %select_n3A_1816 = arith.select %lt3A_1815, %get3A_1802, %select_n3A_1809 : vector<16xi1>, vector<16xi32>
      %mul3A_1817 = arith.constant 32 : i32
      %mul3A_1818 = arith.muli %scan3A_1787, %mul3A_1817 : i32
      %add3A_1819 = arith.constant 0 : i32
      %add3A_1820 = vector.broadcast %add3A_1819 : i32 to vector<16xi32>
      %add3A_1821 = arith.addi %select_n3A_1811, %add3A_1820 : vector<16xi32>
      %gather3A_1822 = tpu.vector_load_idx %arg7[%add3A_1821] : memref<12288xf32, #tpu.memory_space<vmem>>[vector<16xi32>], vector<16xf32>,
      %add3A_1823 = arith.constant 0 : i32
      %add3A_1824 = vector.broadcast %add3A_1823 : i32 to vector<16xi32>
      %add3A_1825 = arith.addi %select_n3A_1816, %add3A_1824 : vector<16xi32>
      %gather3A_1826 = tpu.vector_load_idx %arg7[%add3A_1825] : memref<12288xf32, #tpu.memory_space<vmem>>[vector<16xi32>], vector<16xf32>,
      %sub3A_1827 = arith.subf %gather3A_1822, %gather3A : vector<16xf32>
      %swap3A = arith.constant 0 : i32
      %swap3A_1828 = arith.index_cast %swap3A : i32 to index
      %swap3A_1829 = arith.index_cast %mul3A_1818 : i32 to index
      %swap3A_1830 = tpu.vector_load %arg11[%swap3A_1828, %swap3A_1829] {strides = array<i32>} : memref<3x4096xf32, #tpu.memory_space<vmem>>, vector<16xf32>,
      tpu.vector_store %arg11[%swap3A_1828, %swap3A_1829], %sub3A_1827 {strides = array<i32>} : memref<3x4096xf32, #tpu.memory_space<vmem>>, vector<16xf32>,
      %sub3A_1831 = arith.subf %gather3A_1826, %gather3A : vector<16xf32>
      %add3A_1832 = arith.constant 16 : i32
      %add3A_1833 = arith.addi %mul3A_1818, %add3A_1832 : i32
      %swap3A_1834 = arith.constant 0 : i32
      %swap3A_1835 = arith.index_cast %swap3A_1834 : i32 to index
      %swap3A_1836 = arith.index_cast %add3A_1833 : i32 to index
      %swap3A_1837 = tpu.vector_load %arg11[%swap3A_1835, %swap3A_1836] {strides = array<i32>} : memref<3x4096xf32, #tpu.memory_space<vmem>>, vector<16xf32>,
      tpu.vector_store %arg11[%swap3A_1835, %swap3A_1836], %sub3A_1831 {strides = array<i32>} : memref<3x4096xf32, #tpu.memory_space<vmem>>, vector<16xf32>,
      %add3A_1838 = arith.constant 4096 : i32
      %add3A_1839 = vector.broadcast %add3A_1838 : i32 to vector<16xi32>
      %add3A_1840 = arith.addi %select_n3A_1811, %add3A_1839 : vector<16xi32>
      %gather3A_1841 = tpu.vector_load_idx %arg7[%add3A_1840] : memref<12288xf32, #tpu.memory_space<vmem>>[vector<16xi32>], vector<16xf32>,
      %add3A_1842 = arith.constant 4096 : i32
      %add3A_1843 = vector.broadcast %add3A_1842 : i32 to vector<16xi32>
      %add3A_1844 = arith.addi %select_n3A_1816, %add3A_1843 : vector<16xi32>
      %gather3A_1845 = tpu.vector_load_idx %arg7[%add3A_1844] : memref<12288xf32, #tpu.memory_space<vmem>>[vector<16xi32>], vector<16xf32>,
      %sub3A_1846 = arith.subf %gather3A_1841, %gather3A_1793 : vector<16xf32>
      %swap3A_1847 = arith.constant 1 : i32
      %swap3A_1848 = arith.index_cast %swap3A_1847 : i32 to index
      %swap3A_1849 = arith.index_cast %mul3A_1818 : i32 to index
      %swap3A_1850 = tpu.vector_load %arg11[%swap3A_1848, %swap3A_1849] {strides = array<i32>} : memref<3x4096xf32, #tpu.memory_space<vmem>>, vector<16xf32>,
      tpu.vector_store %arg11[%swap3A_1848, %swap3A_1849], %sub3A_1846 {strides = array<i32>} : memref<3x4096xf32, #tpu.memory_space<vmem>>, vector<16xf32>,
      %sub3A_1851 = arith.subf %gather3A_1845, %gather3A_1793 : vector<16xf32>
      %add3A_1852 = arith.constant 16 : i32
      %add3A_1853 = arith.addi %mul3A_1818, %add3A_1852 : i32
      %swap3A_1854 = arith.constant 1 : i32
      %swap3A_1855 = arith.index_cast %swap3A_1854 : i32 to index
      %swap3A_1856 = arith.index_cast %add3A_1853 : i32 to index
      %swap3A_1857 = tpu.vector_load %arg11[%swap3A_1855, %swap3A_1856] {strides = array<i32>} : memref<3x4096xf32, #tpu.memory_space<vmem>>, vector<16xf32>,
      tpu.vector_store %arg11[%swap3A_1855, %swap3A_1856], %sub3A_1851 {strides = array<i32>} : memref<3x4096xf32, #tpu.memory_space<vmem>>, vector<16xf32>,
      %add3A_1858 = arith.constant 8192 : i32
      %add3A_1859 = vector.broadcast %add3A_1858 : i32 to vector<16xi32>
      %add3A_1860 = arith.addi %select_n3A_1811, %add3A_1859 : vector<16xi32>
      %gather3A_1861 = tpu.vector_load_idx %arg7[%add3A_1860] : memref<12288xf32, #tpu.memory_space<vmem>>[vector<16xi32>], vector<16xf32>,
      %add3A_1862 = arith.constant 8192 : i32
      %add3A_1863 = vector.broadcast %add3A_1862 : i32 to vector<16xi32>
      %add3A_1864 = arith.addi %select_n3A_1816, %add3A_1863 : vector<16xi32>
      %gather3A_1865 = tpu.vector_load_idx %arg7[%add3A_1864] : memref<12288xf32, #tpu.memory_space<vmem>>[vector<16xi32>], vector<16xf32>,
      %sub3A_1866 = arith.subf %gather3A_1861, %gather3A_1797 : vector<16xf32>
      %swap3A_1867 = arith.constant 2 : i32
      %swap3A_1868 = arith.index_cast %swap3A_1867 : i32 to index
      %swap3A_1869 = arith.index_cast %mul3A_1818 : i32 to index
      %swap3A_1870 = tpu.vector_load %arg11[%swap3A_1868, %swap3A_1869] {strides = array<i32>} : memref<3x4096xf32, #tpu.memory_space<vmem>>, vector<16xf32>,
      tpu.vector_store %arg11[%swap3A_1868, %swap3A_1869], %sub3A_1866 {strides = array<i32>} : memref<3x4096xf32, #tpu.memory_space<vmem>>, vector<16xf32>,
      %sub3A_1871 = arith.subf %gather3A_1865, %gather3A_1797 : vector<16xf32>
      %add3A_1872 = arith.constant 16 : i32
      %add3A_1873 = arith.addi %mul3A_1818, %add3A_1872 : i32
      %swap3A_1874 = arith.constant 2 : i32
      %swap3A_1875 = arith.index_cast %swap3A_1874 : i32 to index
      %swap3A_1876 = arith.index_cast %add3A_1873 : i32 to index
      %swap3A_1877 = tpu.vector_load %arg11[%swap3A_1875, %swap3A_1876] {strides = array<i32>} : memref<3x4096xf32, #tpu.memory_space<vmem>>, vector<16xf32>,
      tpu.vector_store %arg11[%swap3A_1875, %swap3A_1876], %sub3A_1871 {strides = array<i32>} : memref<3x4096xf32, #tpu.memory_space<vmem>>, vector<16xf32>,
      %mul3A_1878 = arith.constant 4096 : i32
      %mul3A_1879 = arith.muli %select_n3A, %mul3A_1878 : i32
      %add3A_1880 = vector.broadcast %mul3A_1879 : i32 to vector<16xi32>
      %add3A_1881 = arith.addi %select_n3A_1811, %add3A_1880 : vector<16xi32>
      %mul3A_1882 = arith.constant 32 : i32
      %mul3A_1883 = arith.muli %scan3A_1787, %mul3A_1882 : i32
      %swap3A_1884 = arith.index_cast %mul3A_1883 : i32 to index
      %swap3A_1885 = tpu.vector_load %arg10[%swap3A_1884] {strides = array<i32>} : memref<4096xi32, #tpu.memory_space<vmem>>, vector<16xi32>,
      tpu.vector_store %arg10[%swap3A_1884], %add3A_1881 {strides = array<i32>} : memref<4096xi32, #tpu.memory_space<vmem>>, vector<16xi32>,
      %mul3A_1886 = arith.constant 4096 : i32
      %mul3A_1887 = arith.muli %select_n3A, %mul3A_1886 : i32
      %add3A_1888 = vector.broadcast %mul3A_1887 : i32 to vector<16xi32>
      %add3A_1889 = arith.addi %select_n3A_1816, %add3A_1888 : vector<16xi32>
      %mul3A_1890 = arith.constant 32 : i32
      %mul3A_1891 = arith.muli %scan3A_1787, %mul3A_1890 : i32
      %add3A_1892 = arith.constant 16 : i32
      %add3A_1893 = arith.addi %mul3A_1891, %add3A_1892 : i32
      %swap3A_1894 = arith.index_cast %add3A_1893 : i32 to index
      %swap3A_1895 = tpu.vector_load %arg10[%swap3A_1894] {strides = array<i32>} : memref<4096xi32, #tpu.memory_space<vmem>>, vector<16xi32>,
      tpu.vector_store %arg10[%swap3A_1894], %add3A_1889 {strides = array<i32>} : memref<4096xi32, #tpu.memory_space<vmem>>, vector<16xi32>,
      scf.yield %while3A_1799#0 : i32
    }
    %scan3A_46 = arith.constant 128 : i32
    %mul3A_47 = arith.constant 32 : i32
    %mul3A_48 = arith.muli %mul3A_32, %mul3A_47 : i32
    %dma_start3A = arith.constant 0 : i32
    %dma_start3A_49 = tpu.memref_slice %arg5[%select_n3A, %dma_start3A, %mul3A_48] : memref<4x3x32768xf32, #tpu.memory_space<hbm>> -> memref<1x3x4096xf32, #tpu.memory_space<hbm>>
    %dma_start3A_50 = tpu.memref_squeeze %dma_start3A_49 : memref<1x3x4096xf32, #tpu.memory_space<hbm>> -> memref<3x4096xf32, #tpu.memory_space<hbm>>
    %dma_start3A_51 = arith.constant 0 : i32
    %dma_start3A_52 = tpu.memref_slice %arg5[%select_n3A, %dma_start3A_51, %mul3A_48] : memref<4x3x32768xf32, #tpu.memory_space<hbm>> -> memref<1x3x4096xf32, #tpu.memory_space<hbm>>
    %dma_start3A_53 = tpu.memref_squeeze %dma_start3A_52 : memref<1x3x4096xf32, #tpu.memory_space<hbm>> -> memref<3x4096xf32, #tpu.memory_space<hbm>>
    tpu.enqueue_dma source(%arg11 : memref<3x4096xf32, #tpu.memory_space<vmem>>) target(%dma_start3A_53 : memref<3x4096xf32, #tpu.memory_space<hbm>>) target_semaphore(%arg17 : memref<!tpu.dma_semaphore, #tpu.memory_space<semaphore_mem>>)
    %dma_start3A_54 = arith.constant 0 : i32
    %dma_start3A_55 = arith.constant 0 : i32
    %dma_start3A_56 = arith.constant 0 : i32
    %dma_start3A_57 = tpu.memref_slice %arg12[%dma_start3A_54, %dma_start3A_55, %dma_start3A_56] : memref<2x128x64xf32, #tpu.memory_space<vmem>> -> memref<1x128x64xf32, #tpu.memory_space<vmem>>
    %dma_start3A_58 = tpu.memref_squeeze %dma_start3A_57 : memref<1x128x64xf32, #tpu.memory_space<vmem>> -> memref<128x64xf32, #tpu.memory_space<vmem>>
    %dma_start3A_59 = arith.constant 0 : i32
    %dma_start3A_60 = tpu.memref_slice %arg10[%dma_start3A_59] : memref<4096xi32, #tpu.memory_space<vmem>> -> memref<128xi32, #tpu.memory_space<vmem>>
    %dma_start3A_61 = arith.constant 0 : i32
    %dma_start3A_62 = arith.constant 0 : i32
    %dma_start3A_63 = tpu.memref_slice %arg4[%dma_start3A_61, %dma_start3A_62] : memref<16384x64xf32, #tpu.memory_space<hbm>> -> memref<16384x64xf32, #tpu.memory_space<hbm>>
    tpu.enqueue_indirect_dma source(%dma_start3A_63 : memref<16384x64xf32, #tpu.memory_space<hbm>>) target(%dma_start3A_58 : memref<128x64xf32, #tpu.memory_space<vmem>>) offsets(%dma_start3A_60 : memref<128xi32, #tpu.memory_space<vmem>>) semaphore(%arg13 : memref<!tpu.dma_semaphore, #tpu.memory_space<semaphore_mem>>)
    %dma_start3A_64 = arith.constant 1 : i32
    %dma_start3A_65 = arith.constant 0 : i32
    %dma_start3A_66 = arith.constant 0 : i32
    %dma_start3A_67 = tpu.memref_slice %arg12[%dma_start3A_64, %dma_start3A_65, %dma_start3A_66] : memref<2x128x64xf32, #tpu.memory_space<vmem>> -> memref<1x128x64xf32, #tpu.memory_space<vmem>>
    %dma_start3A_68 = tpu.memref_squeeze %dma_start3A_67 : memref<1x128x64xf32, #tpu.memory_space<vmem>> -> memref<128x64xf32, #tpu.memory_space<vmem>>
    %dma_start3A_69 = arith.constant 128 : i32
    %dma_start3A_70 = tpu.memref_slice %arg10[%dma_start3A_69] : memref<4096xi32, #tpu.memory_space<vmem>> -> memref<128xi32, #tpu.memory_space<vmem>>
    %dma_start3A_71 = arith.constant 0 : i32
    %dma_start3A_72 = arith.constant 0 : i32
    %dma_start3A_73 = tpu.memref_slice %arg4[%dma_start3A_71, %dma_start3A_72] : memref<16384x64xf32, #tpu.memory_space<hbm>> -> memref<16384x64xf32, #tpu.memory_space<hbm>>
    tpu.enqueue_indirect_dma source(%dma_start3A_73 : memref<16384x64xf32, #tpu.memory_space<hbm>>) target(%dma_start3A_68 : memref<128x64xf32, #tpu.memory_space<vmem>>) offsets(%dma_start3A_70 : memref<128xi32, #tpu.memory_space<vmem>>) semaphore(%arg14 : memref<!tpu.dma_semaphore, #tpu.memory_space<semaphore_mem>>)
    %dma_wait3A = arith.constant 0 : i32
    %dma_wait3A_74 = arith.constant 0 : i32
    %dma_wait3A_75 = arith.constant 0 : i32
    %dma_wait3A_76 = tpu.memref_slice %arg12[%dma_wait3A, %dma_wait3A_74, %dma_wait3A_75] : memref<2x128x64xf32, #tpu.memory_space<vmem>> -> memref<1x128x64xf32, #tpu.memory_space<vmem>>
    %dma_wait3A_77 = tpu.memref_squeeze %dma_wait3A_76 : memref<1x128x64xf32, #tpu.memory_space<vmem>> -> memref<128x64xf32, #tpu.memory_space<vmem>>
    %dma_wait3A_78 = arith.constant 0 : i32
    %dma_wait3A_79 = tpu.memref_slice %arg10[%dma_wait3A_78] : memref<4096xi32, #tpu.memory_space<vmem>> -> memref<128xi32, #tpu.memory_space<vmem>>
    %dma_wait3A_80 = arith.constant 0 : i32
    %dma_wait3A_81 = arith.constant 0 : i32
    %dma_wait3A_82 = tpu.memref_slice %arg4[%dma_wait3A_80, %dma_wait3A_81] : memref<16384x64xf32, #tpu.memory_space<hbm>> -> memref<16384x64xf32, #tpu.memory_space<hbm>>
    tpu.wait_indirect_dma semaphore(%arg13 : memref<!tpu.dma_semaphore, #tpu.memory_space<semaphore_mem>>) src(%dma_wait3A_82 : memref<16384x64xf32, #tpu.memory_space<hbm>>) dst(%dma_wait3A_77 : memref<128x64xf32, #tpu.memory_space<vmem>>)
    %add3A_83 = arith.constant 0 : i32
    %add3A_84 = arith.addi %mul3A_32, %add3A_83 : i32
    %mul3A_85 = arith.constant 32 : i32
    %mul3A_86 = arith.muli %add3A_84, %mul3A_85 : i32
    %dma_start3A_87 = arith.constant 0 : i32
    %dma_start3A_88 = arith.constant 0 : i32
    %dma_start3A_89 = arith.constant 0 : i32
    %dma_start3A_90 = tpu.memref_slice %arg12[%dma_start3A_87, %dma_start3A_88, %dma_start3A_89] : memref<2x128x64xf32, #tpu.memory_space<vmem>> -> memref<1x128x64xf32, #tpu.memory_space<vmem>>
    %dma_start3A_91 = tpu.memref_squeeze %dma_start3A_90 : memref<1x128x64xf32, #tpu.memory_space<vmem>> -> memref<128x64xf32, #tpu.memory_space<vmem>>
    %dma_start3A_92 = arith.constant 0 : i32
    %dma_start3A_93 = tpu.memref_slice %arg6[%select_n3A, %mul3A_86, %dma_start3A_92] : memref<4x32768x64xf32, #tpu.memory_space<hbm>> -> memref<1x128x64xf32, #tpu.memory_space<hbm>>
    %dma_start3A_94 = tpu.memref_squeeze %dma_start3A_93 : memref<1x128x64xf32, #tpu.memory_space<hbm>> -> memref<128x64xf32, #tpu.memory_space<hbm>>
    %dma_start3A_95 = arith.constant 0 : i32
    %dma_start3A_96 = tpu.memref_slice %arg6[%select_n3A, %mul3A_86, %dma_start3A_95] : memref<4x32768x64xf32, #tpu.memory_space<hbm>> -> memref<1x128x64xf32, #tpu.memory_space<hbm>>
    %dma_start3A_97 = tpu.memref_squeeze %dma_start3A_96 : memref<1x128x64xf32, #tpu.memory_space<hbm>> -> memref<128x64xf32, #tpu.memory_space<hbm>>
    %dma_start3A_98 = arith.constant 0 : i32
    %dma_start3A_99 = arith.constant 0 : i32
    %dma_start3A_100 = tpu.memref_slice %arg12[%dma_start3A_87, %dma_start3A_98, %dma_start3A_99] : memref<2x128x64xf32, #tpu.memory_space<vmem>> -> memref<1x128x64xf32, #tpu.memory_space<vmem>>
    %dma_start3A_101 = tpu.memref_squeeze %dma_start3A_100 : memref<1x128x64xf32, #tpu.memory_space<vmem>> -> memref<128x64xf32, #tpu.memory_space<vmem>>
    tpu.enqueue_dma source(%dma_start3A_101 : memref<128x64xf32, #tpu.memory_space<vmem>>) target(%dma_start3A_97 : memref<128x64xf32, #tpu.memory_space<hbm>>) target_semaphore(%arg15 : memref<!tpu.dma_semaphore, #tpu.memory_space<semaphore_mem>>)
    %dma_wait3A_102 = arith.constant 0 : i32
    %dma_wait3A_103 = arith.constant 0 : i32
    %dma_wait3A_104 = arith.constant 0 : i32
    %dma_wait3A_105 = tpu.memref_slice %arg12[%dma_wait3A_102, %dma_wait3A_103, %dma_wait3A_104] : memref<2x128x64xf32, #tpu.memory_space<vmem>> -> memref<1x128x64xf32, #tpu.memory_space<vmem>>
    %dma_wait3A_106 = tpu.memref_squeeze %dma_wait3A_105 : memref<1x128x64xf32, #tpu.memory_space<vmem>> -> memref<128x64xf32, #tpu.memory_space<vmem>>
    %dma_wait3A_107 = arith.constant 0 : i32
    %dma_wait3A_108 = tpu.memref_slice %arg6[%select_n3A, %mul3A_86, %dma_wait3A_107] : memref<4x32768x64xf32, #tpu.memory_space<hbm>> -> memref<1x128x64xf32, #tpu.memory_space<hbm>>
    %dma_wait3A_109 = tpu.memref_squeeze %dma_wait3A_108 : memref<1x128x64xf32, #tpu.memory_space<hbm>> -> memref<128x64xf32, #tpu.memory_space<hbm>>
    %dma_wait3A_110 = arith.constant 0 : i32
    %dma_wait3A_111 = tpu.memref_slice %arg6[%select_n3A, %mul3A_86, %dma_wait3A_110] : memref<4x32768x64xf32, #tpu.memory_space<hbm>> -> memref<1x128x64xf32, #tpu.memory_space<hbm>>
    %dma_wait3A_112 = tpu.memref_squeeze %dma_wait3A_111 : memref<1x128x64xf32, #tpu.memory_space<hbm>> -> memref<128x64xf32, #tpu.memory_space<hbm>>
    %dma_wait3A_113 = arith.constant 0 : i32
    %dma_wait3A_114 = arith.constant 0 : i32
    %dma_wait3A_115 = tpu.memref_slice %arg12[%dma_wait3A_102, %dma_wait3A_113, %dma_wait3A_114] : memref<2x128x64xf32, #tpu.memory_space<vmem>> -> memref<1x128x64xf32, #tpu.memory_space<vmem>>
    %dma_wait3A_116 = tpu.memref_squeeze %dma_wait3A_115 : memref<1x128x64xf32, #tpu.memory_space<vmem>> -> memref<128x64xf32, #tpu.memory_space<vmem>>
    tpu.wait_dma2 semaphore(%arg15 : memref<!tpu.dma_semaphore, #tpu.memory_space<semaphore_mem>>) src(%dma_wait3A_116 : memref<128x64xf32, #tpu.memory_space<vmem>>) dst(%dma_wait3A_112 : memref<128x64xf32, #tpu.memory_space<hbm>>)
    %dma_start3A_117 = arith.constant 0 : i32
    %dma_start3A_118 = arith.constant 0 : i32
    %dma_start3A_119 = arith.constant 0 : i32
    %dma_start3A_120 = tpu.memref_slice %arg12[%dma_start3A_117, %dma_start3A_118, %dma_start3A_119] : memref<2x128x64xf32, #tpu.memory_space<vmem>> -> memref<1x128x64xf32, #tpu.memory_space<vmem>>
    %dma_start3A_121 = tpu.memref_squeeze %dma_start3A_120 : memref<1x128x64xf32, #tpu.memory_space<vmem>> -> memref<128x64xf32, #tpu.memory_space<vmem>>
    %dma_start3A_122 = arith.constant 256 : i32
    %dma_start3A_123 = tpu.memref_slice %arg10[%dma_start3A_122] : memref<4096xi32, #tpu.memory_space<vmem>> -> memref<128xi32, #tpu.memory_space<vmem>>
    %dma_start3A_124 = arith.constant 0 : i32
    %dma_start3A_125 = arith.constant 0 : i32
    %dma_start3A_126 = tpu.memref_slice %arg4[%dma_start3A_124, %dma_start3A_125] : memref<16384x64xf32, #tpu.memory_space<hbm>> -> memref<16384x64xf32, #tpu.memory_space<hbm>>
    tpu.enqueue_indirect_dma source(%dma_start3A_126 : memref<16384x64xf32, #tpu.memory_space<hbm>>) target(%dma_start3A_121 : memref<128x64xf32, #tpu.memory_space<vmem>>) offsets(%dma_start3A_123 : memref<128xi32, #tpu.memory_space<vmem>>) semaphore(%arg13 : memref<!tpu.dma_semaphore, #tpu.memory_space<semaphore_mem>>)
    %dma_wait3A_127 = arith.constant 1 : i32
    %dma_wait3A_128 = arith.constant 0 : i32
    %dma_wait3A_129 = arith.constant 0 : i32
    %dma_wait3A_130 = tpu.memref_slice %arg12[%dma_wait3A_127, %dma_wait3A_128, %dma_wait3A_129] : memref<2x128x64xf32, #tpu.memory_space<vmem>> -> memref<1x128x64xf32, #tpu.memory_space<vmem>>
    %dma_wait3A_131 = tpu.memref_squeeze %dma_wait3A_130 : memref<1x128x64xf32, #tpu.memory_space<vmem>> -> memref<128x64xf32, #tpu.memory_space<vmem>>
    %dma_wait3A_132 = arith.constant 128 : i32
    %dma_wait3A_133 = tpu.memref_slice %arg10[%dma_wait3A_132] : memref<4096xi32, #tpu.memory_space<vmem>> -> memref<128xi32, #tpu.memory_space<vmem>>
    %dma_wait3A_134 = arith.constant 0 : i32
    %dma_wait3A_135 = arith.constant 0 : i32
    %dma_wait3A_136 = tpu.memref_slice %arg4[%dma_wait3A_134, %dma_wait3A_135] : memref<16384x64xf32, #tpu.memory_space<hbm>> -> memref<16384x64xf32, #tpu.memory_space<hbm>>
    tpu.wait_indirect_dma semaphore(%arg14 : memref<!tpu.dma_semaphore, #tpu.memory_space<semaphore_mem>>) src(%dma_wait3A_136 : memref<16384x64xf32, #tpu.memory_space<hbm>>) dst(%dma_wait3A_131 : memref<128x64xf32, #tpu.memory_space<vmem>>)
    %add3A_137 = arith.constant 4 : i32
    %add3A_138 = arith.addi %mul3A_32, %add3A_137 : i32
    %mul3A_139 = arith.constant 32 : i32
    %mul3A_140 = arith.muli %add3A_138, %mul3A_139 : i32
    %dma_start3A_141 = arith.constant 1 : i32
    %dma_start3A_142 = arith.constant 0 : i32
    %dma_start3A_143 = arith.constant 0 : i32
    %dma_start3A_144 = tpu.memref_slice %arg12[%dma_start3A_141, %dma_start3A_142, %dma_start3A_143] : memref<2x128x64xf32, #tpu.memory_space<vmem>> -> memref<1x128x64xf32, #tpu.memory_space<vmem>>
    %dma_start3A_145 = tpu.memref_squeeze %dma_start3A_144 : memref<1x128x64xf32, #tpu.memory_space<vmem>> -> memref<128x64xf32, #tpu.memory_space<vmem>>
    %dma_start3A_146 = arith.constant 0 : i32
    %dma_start3A_147 = tpu.memref_slice %arg6[%select_n3A, %mul3A_140, %dma_start3A_146] : memref<4x32768x64xf32, #tpu.memory_space<hbm>> -> memref<1x128x64xf32, #tpu.memory_space<hbm>>
    %dma_start3A_148 = tpu.memref_squeeze %dma_start3A_147 : memref<1x128x64xf32, #tpu.memory_space<hbm>> -> memref<128x64xf32, #tpu.memory_space<hbm>>
    %dma_start3A_149 = arith.constant 0 : i32
    %dma_start3A_150 = tpu.memref_slice %arg6[%select_n3A, %mul3A_140, %dma_start3A_149] : memref<4x32768x64xf32, #tpu.memory_space<hbm>> -> memref<1x128x64xf32, #tpu.memory_space<hbm>>
    %dma_start3A_151 = tpu.memref_squeeze %dma_start3A_150 : memref<1x128x64xf32, #tpu.memory_space<hbm>> -> memref<128x64xf32, #tpu.memory_space<hbm>>
    %dma_start3A_152 = arith.constant 0 : i32
    %dma_start3A_153 = arith.constant 0 : i32
    %dma_start3A_154 = tpu.memref_slice %arg12[%dma_start3A_141, %dma_start3A_152, %dma_start3A_153] : memref<2x128x64xf32, #tpu.memory_space<vmem>> -> memref<1x128x64xf32, #tpu.memory_space<vmem>>
    %dma_start3A_155 = tpu.memref_squeeze %dma_start3A_154 : memref<1x128x64xf32, #tpu.memory_space<vmem>> -> memref<128x64xf32, #tpu.memory_space<vmem>>
    tpu.enqueue_dma source(%dma_start3A_155 : memref<128x64xf32, #tpu.memory_space<vmem>>) target(%dma_start3A_151 : memref<128x64xf32, #tpu.memory_space<hbm>>) target_semaphore(%arg16 : memref<!tpu.dma_semaphore, #tpu.memory_space<semaphore_mem>>)
    %dma_wait3A_156 = arith.constant 1 : i32
    %dma_wait3A_157 = arith.constant 0 : i32
    %dma_wait3A_158 = arith.constant 0 : i32
    %dma_wait3A_159 = tpu.memref_slice %arg12[%dma_wait3A_156, %dma_wait3A_157, %dma_wait3A_158] : memref<2x128x64xf32, #tpu.memory_space<vmem>> -> memref<1x128x64xf32, #tpu.memory_space<vmem>>
    %dma_wait3A_160 = tpu.memref_squeeze %dma_wait3A_159 : memref<1x128x64xf32, #tpu.memory_space<vmem>> -> memref<128x64xf32, #tpu.memory_space<vmem>>
    %dma_wait3A_161 = arith.constant 0 : i32
    %dma_wait3A_162 = tpu.memref_slice %arg6[%select_n3A, %mul3A_140, %dma_wait3A_161] : memref<4x32768x64xf32, #tpu.memory_space<hbm>> -> memref<1x128x64xf32, #tpu.memory_space<hbm>>
    %dma_wait3A_163 = tpu.memref_squeeze %dma_wait3A_162 : memref<1x128x64xf32, #tpu.memory_space<hbm>> -> memref<128x64xf32, #tpu.memory_space<hbm>>
    %dma_wait3A_164 = arith.constant 0 : i32
    %dma_wait3A_165 = tpu.memref_slice %arg6[%select_n3A, %mul3A_140, %dma_wait3A_164] : memref<4x32768x64xf32, #tpu.memory_space<hbm>> -> memref<1x128x64xf32, #tpu.memory_space<hbm>>
    %dma_wait3A_166 = tpu.memref_squeeze %dma_wait3A_165 : memref<1x128x64xf32, #tpu.memory_space<hbm>> -> memref<128x64xf32, #tpu.memory_space<hbm>>
    %dma_wait3A_167 = arith.constant 0 : i32
    %dma_wait3A_168 = arith.constant 0 : i32
    %dma_wait3A_169 = tpu.memref_slice %arg12[%dma_wait3A_156, %dma_wait3A_167, %dma_wait3A_168] : memref<2x128x64xf32, #tpu.memory_space<vmem>> -> memref<1x128x64xf32, #tpu.memory_space<vmem>>
    %dma_wait3A_170 = tpu.memref_squeeze %dma_wait3A_169 : memref<1x128x64xf32, #tpu.memory_space<vmem>> -> memref<128x64xf32, #tpu.memory_space<vmem>>
    tpu.wait_dma2 semaphore(%arg16 : memref<!tpu.dma_semaphore, #tpu.memory_space<semaphore_mem>>) src(%dma_wait3A_170 : memref<128x64xf32, #tpu.memory_space<vmem>>) dst(%dma_wait3A_166 : memref<128x64xf32, #tpu.memory_space<hbm>>)
    %dma_start3A_171 = arith.constant 1 : i32
    %dma_start3A_172 = arith.constant 0 : i32
    %dma_start3A_173 = arith.constant 0 : i32
    %dma_start3A_174 = tpu.memref_slice %arg12[%dma_start3A_171, %dma_start3A_172, %dma_start3A_173] : memref<2x128x64xf32, #tpu.memory_space<vmem>> -> memref<1x128x64xf32, #tpu.memory_space<vmem>>
    %dma_start3A_175 = tpu.memref_squeeze %dma_start3A_174 : memref<1x128x64xf32, #tpu.memory_space<vmem>> -> memref<128x64xf32, #tpu.memory_space<vmem>>
    %dma_start3A_176 = arith.constant 384 : i32
    %dma_start3A_177 = tpu.memref_slice %arg10[%dma_start3A_176] : memref<4096xi32, #tpu.memory_space<vmem>> -> memref<128xi32, #tpu.memory_space<vmem>>
    %dma_start3A_178 = arith.constant 0 : i32
    %dma_start3A_179 = arith.constant 0 : i32
    %dma_start3A_180 = tpu.memref_slice %arg4[%dma_start3A_178, %dma_start3A_179] : memref<16384x64xf32, #tpu.memory_space<hbm>> -> memref<16384x64xf32, #tpu.memory_space<hbm>>
    tpu.enqueue_indirect_dma source(%dma_start3A_180 : memref<16384x64xf32, #tpu.memory_space<hbm>>) target(%dma_start3A_175 : memref<128x64xf32, #tpu.memory_space<vmem>>) offsets(%dma_start3A_177 : memref<128xi32, #tpu.memory_space<vmem>>) semaphore(%arg14 : memref<!tpu.dma_semaphore, #tpu.memory_space<semaphore_mem>>)
    %dma_wait3A_181 = arith.constant 0 : i32
    %dma_wait3A_182 = arith.constant 0 : i32
    %dma_wait3A_183 = arith.constant 0 : i32
    %dma_wait3A_184 = tpu.memref_slice %arg12[%dma_wait3A_181, %dma_wait3A_182, %dma_wait3A_183] : memref<2x128x64xf32, #tpu.memory_space<vmem>> -> memref<1x128x64xf32, #tpu.memory_space<vmem>>
    %dma_wait3A_185 = tpu.memref_squeeze %dma_wait3A_184 : memref<1x128x64xf32, #tpu.memory_space<vmem>> -> memref<128x64xf32, #tpu.memory_space<vmem>>
    %dma_wait3A_186 = arith.constant 256 : i32
    %dma_wait3A_187 = tpu.memref_slice %arg10[%dma_wait3A_186] : memref<4096xi32, #tpu.memory_space<vmem>> -> memref<128xi32, #tpu.memory_space<vmem>>
    %dma_wait3A_188 = arith.constant 0 : i32
    %dma_wait3A_189 = arith.constant 0 : i32
    %dma_wait3A_190 = tpu.memref_slice %arg4[%dma_wait3A_188, %dma_wait3A_189] : memref<16384x64xf32, #tpu.memory_space<hbm>> -> memref<16384x64xf32, #tpu.memory_space<hbm>>
    tpu.wait_indirect_dma semaphore(%arg13 : memref<!tpu.dma_semaphore, #tpu.memory_space<semaphore_mem>>) src(%dma_wait3A_190 : memref<16384x64xf32, #tpu.memory_space<hbm>>) dst(%dma_wait3A_185 : memref<128x64xf32, #tpu.memory_space<vmem>>)
    %add3A_191 = arith.constant 8 : i32
    %add3A_192 = arith.addi %mul3A_32, %add3A_191 : i32
    %mul3A_193 = arith.constant 32 : i32
    %mul3A_194 = arith.muli %add3A_192, %mul3A_193 : i32
    %dma_start3A_195 = arith.constant 0 : i32
    %dma_start3A_196 = arith.constant 0 : i32
    %dma_start3A_197 = arith.constant 0 : i32
    %dma_start3A_198 = tpu.memref_slice %arg12[%dma_start3A_195, %dma_start3A_196, %dma_start3A_197] : memref<2x128x64xf32, #tpu.memory_space<vmem>> -> memref<1x128x64xf32, #tpu.memory_space<vmem>>
    %dma_start3A_199 = tpu.memref_squeeze %dma_start3A_198 : memref<1x128x64xf32, #tpu.memory_space<vmem>> -> memref<128x64xf32, #tpu.memory_space<vmem>>
    %dma_start3A_200 = arith.constant 0 : i32
    %dma_start3A_201 = tpu.memref_slice %arg6[%select_n3A, %mul3A_194, %dma_start3A_200] : memref<4x32768x64xf32, #tpu.memory_space<hbm>> -> memref<1x128x64xf32, #tpu.memory_space<hbm>>
    %dma_start3A_202 = tpu.memref_squeeze %dma_start3A_201 : memref<1x128x64xf32, #tpu.memory_space<hbm>> -> memref<128x64xf32, #tpu.memory_space<hbm>>
    %dma_start3A_203 = arith.constant 0 : i32
    %dma_start3A_204 = tpu.memref_slice %arg6[%select_n3A, %mul3A_194, %dma_start3A_203] : memref<4x32768x64xf32, #tpu.memory_space<hbm>> -> memref<1x128x64xf32, #tpu.memory_space<hbm>>
    %dma_start3A_205 = tpu.memref_squeeze %dma_start3A_204 : memref<1x128x64xf32, #tpu.memory_space<hbm>> -> memref<128x64xf32, #tpu.memory_space<hbm>>
    %dma_start3A_206 = arith.constant 0 : i32
    %dma_start3A_207 = arith.constant 0 : i32
    %dma_start3A_208 = tpu.memref_slice %arg12[%dma_start3A_195, %dma_start3A_206, %dma_start3A_207] : memref<2x128x64xf32, #tpu.memory_space<vmem>> -> memref<1x128x64xf32, #tpu.memory_space<vmem>>
    %dma_start3A_209 = tpu.memref_squeeze %dma_start3A_208 : memref<1x128x64xf32, #tpu.memory_space<vmem>> -> memref<128x64xf32, #tpu.memory_space<vmem>>
    tpu.enqueue_dma source(%dma_start3A_209 : memref<128x64xf32, #tpu.memory_space<vmem>>) target(%dma_start3A_205 : memref<128x64xf32, #tpu.memory_space<hbm>>) target_semaphore(%arg15 : memref<!tpu.dma_semaphore, #tpu.memory_space<semaphore_mem>>)
    %dma_wait3A_210 = arith.constant 0 : i32
    %dma_wait3A_211 = arith.constant 0 : i32
    %dma_wait3A_212 = arith.constant 0 : i32
    %dma_wait3A_213 = tpu.memref_slice %arg12[%dma_wait3A_210, %dma_wait3A_211, %dma_wait3A_212] : memref<2x128x64xf32, #tpu.memory_space<vmem>> -> memref<1x128x64xf32, #tpu.memory_space<vmem>>
    %dma_wait3A_214 = tpu.memref_squeeze %dma_wait3A_213 : memref<1x128x64xf32, #tpu.memory_space<vmem>> -> memref<128x64xf32, #tpu.memory_space<vmem>>
    %dma_wait3A_215 = arith.constant 0 : i32
    %dma_wait3A_216 = tpu.memref_slice %arg6[%select_n3A, %mul3A_194, %dma_wait3A_215] : memref<4x32768x64xf32, #tpu.memory_space<hbm>> -> memref<1x128x64xf32, #tpu.memory_space<hbm>>
    %dma_wait3A_217 = tpu.memref_squeeze %dma_wait3A_216 : memref<1x128x64xf32, #tpu.memory_space<hbm>> -> memref<128x64xf32, #tpu.memory_space<hbm>>
    %dma_wait3A_218 = arith.constant 0 : i32
    %dma_wait3A_219 = tpu.memref_slice %arg6[%select_n3A, %mul3A_194, %dma_wait3A_218] : memref<4x32768x64xf32, #tpu.memory_space<hbm>> -> memref<1x128x64xf32, #tpu.memory_space<hbm>>
    %dma_wait3A_220 = tpu.memref_squeeze %dma_wait3A_219 : memref<1x128x64xf32, #tpu.memory_space<hbm>> -> memref<128x64xf32, #tpu.memory_space<hbm>>
    %dma_wait3A_221 = arith.constant 0 : i32
    %dma_wait3A_222 = arith.constant 0 : i32
    %dma_wait3A_223 = tpu.memref_slice %arg12[%dma_wait3A_210, %dma_wait3A_221, %dma_wait3A_222] : memref<2x128x64xf32, #tpu.memory_space<vmem>> -> memref<1x128x64xf32, #tpu.memory_space<vmem>>
    %dma_wait3A_224 = tpu.memref_squeeze %dma_wait3A_223 : memref<1x128x64xf32, #tpu.memory_space<vmem>> -> memref<128x64xf32, #tpu.memory_space<vmem>>
    tpu.wait_dma2 semaphore(%arg15 : memref<!tpu.dma_semaphore, #tpu.memory_space<semaphore_mem>>) src(%dma_wait3A_224 : memref<128x64xf32, #tpu.memory_space<vmem>>) dst(%dma_wait3A_220 : memref<128x64xf32, #tpu.memory_space<hbm>>)
    %dma_start3A_225 = arith.constant 0 : i32
    %dma_start3A_226 = arith.constant 0 : i32
    %dma_start3A_227 = arith.constant 0 : i32
    %dma_start3A_228 = tpu.memref_slice %arg12[%dma_start3A_225, %dma_start3A_226, %dma_start3A_227] : memref<2x128x64xf32, #tpu.memory_space<vmem>> -> memref<1x128x64xf32, #tpu.memory_space<vmem>>
    %dma_start3A_229 = tpu.memref_squeeze %dma_start3A_228 : memref<1x128x64xf32, #tpu.memory_space<vmem>> -> memref<128x64xf32, #tpu.memory_space<vmem>>
    %dma_start3A_230 = arith.constant 512 : i32
    %dma_start3A_231 = tpu.memref_slice %arg10[%dma_start3A_230] : memref<4096xi32, #tpu.memory_space<vmem>> -> memref<128xi32, #tpu.memory_space<vmem>>
    %dma_start3A_232 = arith.constant 0 : i32
    %dma_start3A_233 = arith.constant 0 : i32
    %dma_start3A_234 = tpu.memref_slice %arg4[%dma_start3A_232, %dma_start3A_233] : memref<16384x64xf32, #tpu.memory_space<hbm>> -> memref<16384x64xf32, #tpu.memory_space<hbm>>
    tpu.enqueue_indirect_dma source(%dma_start3A_234 : memref<16384x64xf32, #tpu.memory_space<hbm>>) target(%dma_start3A_229 : memref<128x64xf32, #tpu.memory_space<vmem>>) offsets(%dma_start3A_231 : memref<128xi32, #tpu.memory_space<vmem>>) semaphore(%arg13 : memref<!tpu.dma_semaphore, #tpu.memory_space<semaphore_mem>>)
    %dma_wait3A_235 = arith.constant 1 : i32
    %dma_wait3A_236 = arith.constant 0 : i32
    %dma_wait3A_237 = arith.constant 0 : i32
    %dma_wait3A_238 = tpu.memref_slice %arg12[%dma_wait3A_235, %dma_wait3A_236, %dma_wait3A_237] : memref<2x128x64xf32, #tpu.memory_space<vmem>> -> memref<1x128x64xf32, #tpu.memory_space<vmem>>
    %dma_wait3A_239 = tpu.memref_squeeze %dma_wait3A_238 : memref<1x128x64xf32, #tpu.memory_space<vmem>> -> memref<128x64xf32, #tpu.memory_space<vmem>>
    %dma_wait3A_240 = arith.constant 384 : i32
    %dma_wait3A_241 = tpu.memref_slice %arg10[%dma_wait3A_240] : memref<4096xi32, #tpu.memory_space<vmem>> -> memref<128xi32, #tpu.memory_space<vmem>>
    %dma_wait3A_242 = arith.constant 0 : i32
    %dma_wait3A_243 = arith.constant 0 : i32
    %dma_wait3A_244 = tpu.memref_slice %arg4[%dma_wait3A_242, %dma_wait3A_243] : memref<16384x64xf32, #tpu.memory_space<hbm>> -> memref<16384x64xf32, #tpu.memory_space<hbm>>
    tpu.wait_indirect_dma semaphore(%arg14 : memref<!tpu.dma_semaphore, #tpu.memory_space<semaphore_mem>>) src(%dma_wait3A_244 : memref<16384x64xf32, #tpu.memory_space<hbm>>) dst(%dma_wait3A_239 : memref<128x64xf32, #tpu.memory_space<vmem>>)
    %add3A_245 = arith.constant 12 : i32
    %add3A_246 = arith.addi %mul3A_32, %add3A_245 : i32
    %mul3A_247 = arith.constant 32 : i32
    %mul3A_248 = arith.muli %add3A_246, %mul3A_247 : i32
    %dma_start3A_249 = arith.constant 1 : i32
    %dma_start3A_250 = arith.constant 0 : i32
    %dma_start3A_251 = arith.constant 0 : i32
    %dma_start3A_252 = tpu.memref_slice %arg12[%dma_start3A_249, %dma_start3A_250, %dma_start3A_251] : memref<2x128x64xf32, #tpu.memory_space<vmem>> -> memref<1x128x64xf32, #tpu.memory_space<vmem>>
    %dma_start3A_253 = tpu.memref_squeeze %dma_start3A_252 : memref<1x128x64xf32, #tpu.memory_space<vmem>> -> memref<128x64xf32, #tpu.memory_space<vmem>>
    %dma_start3A_254 = arith.constant 0 : i32
    %dma_start3A_255 = tpu.memref_slice %arg6[%select_n3A, %mul3A_248, %dma_start3A_254] : memref<4x32768x64xf32, #tpu.memory_space<hbm>> -> memref<1x128x64xf32, #tpu.memory_space<hbm>>
    %dma_start3A_256 = tpu.memref_squeeze %dma_start3A_255 : memref<1x128x64xf32, #tpu.memory_space<hbm>> -> memref<128x64xf32, #tpu.memory_space<hbm>>
    %dma_start3A_257 = arith.constant 0 : i32
    %dma_start3A_258 = tpu.memref_slice %arg6[%select_n3A, %mul3A_248, %dma_start3A_257] : memref<4x32768x64xf32, #tpu.memory_space<hbm>> -> memref<1x128x64xf32, #tpu.memory_space<hbm>>
    %dma_start3A_259 = tpu.memref_squeeze %dma_start3A_258 : memref<1x128x64xf32, #tpu.memory_space<hbm>> -> memref<128x64xf32, #tpu.memory_space<hbm>>
    %dma_start3A_260 = arith.constant 0 : i32
    %dma_start3A_261 = arith.constant 0 : i32
    %dma_start3A_262 = tpu.memref_slice %arg12[%dma_start3A_249, %dma_start3A_260, %dma_start3A_261] : memref<2x128x64xf32, #tpu.memory_space<vmem>> -> memref<1x128x64xf32, #tpu.memory_space<vmem>>
    %dma_start3A_263 = tpu.memref_squeeze %dma_start3A_262 : memref<1x128x64xf32, #tpu.memory_space<vmem>> -> memref<128x64xf32, #tpu.memory_space<vmem>>
    tpu.enqueue_dma source(%dma_start3A_263 : memref<128x64xf32, #tpu.memory_space<vmem>>) target(%dma_start3A_259 : memref<128x64xf32, #tpu.memory_space<hbm>>) target_semaphore(%arg16 : memref<!tpu.dma_semaphore, #tpu.memory_space<semaphore_mem>>)
    %dma_wait3A_264 = arith.constant 1 : i32
    %dma_wait3A_265 = arith.constant 0 : i32
    %dma_wait3A_266 = arith.constant 0 : i32
    %dma_wait3A_267 = tpu.memref_slice %arg12[%dma_wait3A_264, %dma_wait3A_265, %dma_wait3A_266] : memref<2x128x64xf32, #tpu.memory_space<vmem>> -> memref<1x128x64xf32, #tpu.memory_space<vmem>>
    %dma_wait3A_268 = tpu.memref_squeeze %dma_wait3A_267 : memref<1x128x64xf32, #tpu.memory_space<vmem>> -> memref<128x64xf32, #tpu.memory_space<vmem>>
    %dma_wait3A_269 = arith.constant 0 : i32
    %dma_wait3A_270 = tpu.memref_slice %arg6[%select_n3A, %mul3A_248, %dma_wait3A_269] : memref<4x32768x64xf32, #tpu.memory_space<hbm>> -> memref<1x128x64xf32, #tpu.memory_space<hbm>>
    %dma_wait3A_271 = tpu.memref_squeeze %dma_wait3A_270 : memref<1x128x64xf32, #tpu.memory_space<hbm>> -> memref<128x64xf32, #tpu.memory_space<hbm>>
    %dma_wait3A_272 = arith.constant 0 : i32
    %dma_wait3A_273 = tpu.memref_slice %arg6[%select_n3A, %mul3A_248, %dma_wait3A_272] : memref<4x32768x64xf32, #tpu.memory_space<hbm>> -> memref<1x128x64xf32, #tpu.memory_space<hbm>>
    %dma_wait3A_274 = tpu.memref_squeeze %dma_wait3A_273 : memref<1x128x64xf32, #tpu.memory_space<hbm>> -> memref<128x64xf32, #tpu.memory_space<hbm>>
    %dma_wait3A_275 = arith.constant 0 : i32
    %dma_wait3A_276 = arith.constant 0 : i32
    %dma_wait3A_277 = tpu.memref_slice %arg12[%dma_wait3A_264, %dma_wait3A_275, %dma_wait3A_276] : memref<2x128x64xf32, #tpu.memory_space<vmem>> -> memref<1x128x64xf32, #tpu.memory_space<vmem>>
    %dma_wait3A_278 = tpu.memref_squeeze %dma_wait3A_277 : memref<1x128x64xf32, #tpu.memory_space<vmem>> -> memref<128x64xf32, #tpu.memory_space<vmem>>
    tpu.wait_dma2 semaphore(%arg16 : memref<!tpu.dma_semaphore, #tpu.memory_space<semaphore_mem>>) src(%dma_wait3A_278 : memref<128x64xf32, #tpu.memory_space<vmem>>) dst(%dma_wait3A_274 : memref<128x64xf32, #tpu.memory_space<hbm>>)
    %dma_start3A_279 = arith.constant 1 : i32
    %dma_start3A_280 = arith.constant 0 : i32
    %dma_start3A_281 = arith.constant 0 : i32
    %dma_start3A_282 = tpu.memref_slice %arg12[%dma_start3A_279, %dma_start3A_280, %dma_start3A_281] : memref<2x128x64xf32, #tpu.memory_space<vmem>> -> memref<1x128x64xf32, #tpu.memory_space<vmem>>
    %dma_start3A_283 = tpu.memref_squeeze %dma_start3A_282 : memref<1x128x64xf32, #tpu.memory_space<vmem>> -> memref<128x64xf32, #tpu.memory_space<vmem>>
    %dma_start3A_284 = arith.constant 640 : i32
    %dma_start3A_285 = tpu.memref_slice %arg10[%dma_start3A_284] : memref<4096xi32, #tpu.memory_space<vmem>> -> memref<128xi32, #tpu.memory_space<vmem>>
    %dma_start3A_286 = arith.constant 0 : i32
    %dma_start3A_287 = arith.constant 0 : i32
    %dma_start3A_288 = tpu.memref_slice %arg4[%dma_start3A_286, %dma_start3A_287] : memref<16384x64xf32, #tpu.memory_space<hbm>> -> memref<16384x64xf32, #tpu.memory_space<hbm>>
    tpu.enqueue_indirect_dma source(%dma_start3A_288 : memref<16384x64xf32, #tpu.memory_space<hbm>>) target(%dma_start3A_283 : memref<128x64xf32, #tpu.memory_space<vmem>>) offsets(%dma_start3A_285 : memref<128xi32, #tpu.memory_space<vmem>>) semaphore(%arg14 : memref<!tpu.dma_semaphore, #tpu.memory_space<semaphore_mem>>)
    %dma_wait3A_289 = arith.constant 0 : i32
    %dma_wait3A_290 = arith.constant 0 : i32
    %dma_wait3A_291 = arith.constant 0 : i32
    %dma_wait3A_292 = tpu.memref_slice %arg12[%dma_wait3A_289, %dma_wait3A_290, %dma_wait3A_291] : memref<2x128x64xf32, #tpu.memory_space<vmem>> -> memref<1x128x64xf32, #tpu.memory_space<vmem>>
    %dma_wait3A_293 = tpu.memref_squeeze %dma_wait3A_292 : memref<1x128x64xf32, #tpu.memory_space<vmem>> -> memref<128x64xf32, #tpu.memory_space<vmem>>
    %dma_wait3A_294 = arith.constant 512 : i32
    %dma_wait3A_295 = tpu.memref_slice %arg10[%dma_wait3A_294] : memref<4096xi32, #tpu.memory_space<vmem>> -> memref<128xi32, #tpu.memory_space<vmem>>
    %dma_wait3A_296 = arith.constant 0 : i32
    %dma_wait3A_297 = arith.constant 0 : i32
    %dma_wait3A_298 = tpu.memref_slice %arg4[%dma_wait3A_296, %dma_wait3A_297] : memref<16384x64xf32, #tpu.memory_space<hbm>> -> memref<16384x64xf32, #tpu.memory_space<hbm>>
    tpu.wait_indirect_dma semaphore(%arg13 : memref<!tpu.dma_semaphore, #tpu.memory_space<semaphore_mem>>) src(%dma_wait3A_298 : memref<16384x64xf32, #tpu.memory_space<hbm>>) dst(%dma_wait3A_293 : memref<128x64xf32, #tpu.memory_space<vmem>>)
    %add3A_299 = arith.constant 16 : i32
    %add3A_300 = arith.addi %mul3A_32, %add3A_299 : i32
    %mul3A_301 = arith.constant 32 : i32
    %mul3A_302 = arith.muli %add3A_300, %mul3A_301 : i32
    %dma_start3A_303 = arith.constant 0 : i32
    %dma_start3A_304 = arith.constant 0 : i32
    %dma_start3A_305 = arith.constant 0 : i32
    %dma_start3A_306 = tpu.memref_slice %arg12[%dma_start3A_303, %dma_start3A_304, %dma_start3A_305] : memref<2x128x64xf32, #tpu.memory_space<vmem>> -> memref<1x128x64xf32, #tpu.memory_space<vmem>>
    %dma_start3A_307 = tpu.memref_squeeze %dma_start3A_306 : memref<1x128x64xf32, #tpu.memory_space<vmem>> -> memref<128x64xf32, #tpu.memory_space<vmem>>
    %dma_start3A_308 = arith.constant 0 : i32
    %dma_start3A_309 = tpu.memref_slice %arg6[%select_n3A, %mul3A_302, %dma_start3A_308] : memref<4x32768x64xf32, #tpu.memory_space<hbm>> -> memref<1x128x64xf32, #tpu.memory_space<hbm>>
    %dma_start3A_310 = tpu.memref_squeeze %dma_start3A_309 : memref<1x128x64xf32, #tpu.memory_space<hbm>> -> memref<128x64xf32, #tpu.memory_space<hbm>>
    %dma_start3A_311 = arith.constant 0 : i32
    %dma_start3A_312 = tpu.memref_slice %arg6[%select_n3A, %mul3A_302, %dma_start3A_311] : memref<4x32768x64xf32, #tpu.memory_space<hbm>> -> memref<1x128x64xf32, #tpu.memory_space<hbm>>
    %dma_start3A_313 = tpu.memref_squeeze %dma_start3A_312 : memref<1x128x64xf32, #tpu.memory_space<hbm>> -> memref<128x64xf32, #tpu.memory_space<hbm>>
    %dma_start3A_314 = arith.constant 0 : i32
    %dma_start3A_315 = arith.constant 0 : i32
    %dma_start3A_316 = tpu.memref_slice %arg12[%dma_start3A_303, %dma_start3A_314, %dma_start3A_315] : memref<2x128x64xf32, #tpu.memory_space<vmem>> -> memref<1x128x64xf32, #tpu.memory_space<vmem>>
    %dma_start3A_317 = tpu.memref_squeeze %dma_start3A_316 : memref<1x128x64xf32, #tpu.memory_space<vmem>> -> memref<128x64xf32, #tpu.memory_space<vmem>>
    tpu.enqueue_dma source(%dma_start3A_317 : memref<128x64xf32, #tpu.memory_space<vmem>>) target(%dma_start3A_313 : memref<128x64xf32, #tpu.memory_space<hbm>>) target_semaphore(%arg15 : memref<!tpu.dma_semaphore, #tpu.memory_space<semaphore_mem>>)
    %dma_wait3A_318 = arith.constant 0 : i32
    %dma_wait3A_319 = arith.constant 0 : i32
    %dma_wait3A_320 = arith.constant 0 : i32
    %dma_wait3A_321 = tpu.memref_slice %arg12[%dma_wait3A_318, %dma_wait3A_319, %dma_wait3A_320] : memref<2x128x64xf32, #tpu.memory_space<vmem>> -> memref<1x128x64xf32, #tpu.memory_space<vmem>>
    %dma_wait3A_322 = tpu.memref_squeeze %dma_wait3A_321 : memref<1x128x64xf32, #tpu.memory_space<vmem>> -> memref<128x64xf32, #tpu.memory_space<vmem>>
    %dma_wait3A_323 = arith.constant 0 : i32
    %dma_wait3A_324 = tpu.memref_slice %arg6[%select_n3A, %mul3A_302, %dma_wait3A_323] : memref<4x32768x64xf32, #tpu.memory_space<hbm>> -> memref<1x128x64xf32, #tpu.memory_space<hbm>>
    %dma_wait3A_325 = tpu.memref_squeeze %dma_wait3A_324 : memref<1x128x64xf32, #tpu.memory_space<hbm>> -> memref<128x64xf32, #tpu.memory_space<hbm>>
    %dma_wait3A_326 = arith.constant 0 : i32
    %dma_wait3A_327 = tpu.memref_slice %arg6[%select_n3A, %mul3A_302, %dma_wait3A_326] : memref<4x32768x64xf32, #tpu.memory_space<hbm>> -> memref<1x128x64xf32, #tpu.memory_space<hbm>>
    %dma_wait3A_328 = tpu.memref_squeeze %dma_wait3A_327 : memref<1x128x64xf32, #tpu.memory_space<hbm>> -> memref<128x64xf32, #tpu.memory_space<hbm>>
    %dma_wait3A_329 = arith.constant 0 : i32
    %dma_wait3A_330 = arith.constant 0 : i32
    %dma_wait3A_331 = tpu.memref_slice %arg12[%dma_wait3A_318, %dma_wait3A_329, %dma_wait3A_330] : memref<2x128x64xf32, #tpu.memory_space<vmem>> -> memref<1x128x64xf32, #tpu.memory_space<vmem>>
    %dma_wait3A_332 = tpu.memref_squeeze %dma_wait3A_331 : memref<1x128x64xf32, #tpu.memory_space<vmem>> -> memref<128x64xf32, #tpu.memory_space<vmem>>
    tpu.wait_dma2 semaphore(%arg15 : memref<!tpu.dma_semaphore, #tpu.memory_space<semaphore_mem>>) src(%dma_wait3A_332 : memref<128x64xf32, #tpu.memory_space<vmem>>) dst(%dma_wait3A_328 : memref<128x64xf32, #tpu.memory_space<hbm>>)
    %dma_start3A_333 = arith.constant 0 : i32
    %dma_start3A_334 = arith.constant 0 : i32
    %dma_start3A_335 = arith.constant 0 : i32
    %dma_start3A_336 = tpu.memref_slice %arg12[%dma_start3A_333, %dma_start3A_334, %dma_start3A_335] : memref<2x128x64xf32, #tpu.memory_space<vmem>> -> memref<1x128x64xf32, #tpu.memory_space<vmem>>
    %dma_start3A_337 = tpu.memref_squeeze %dma_start3A_336 : memref<1x128x64xf32, #tpu.memory_space<vmem>> -> memref<128x64xf32, #tpu.memory_space<vmem>>
    %dma_start3A_338 = arith.constant 768 : i32
    %dma_start3A_339 = tpu.memref_slice %arg10[%dma_start3A_338] : memref<4096xi32, #tpu.memory_space<vmem>> -> memref<128xi32, #tpu.memory_space<vmem>>
    %dma_start3A_340 = arith.constant 0 : i32
    %dma_start3A_341 = arith.constant 0 : i32
    %dma_start3A_342 = tpu.memref_slice %arg4[%dma_start3A_340, %dma_start3A_341] : memref<16384x64xf32, #tpu.memory_space<hbm>> -> memref<16384x64xf32, #tpu.memory_space<hbm>>
    tpu.enqueue_indirect_dma source(%dma_start3A_342 : memref<16384x64xf32, #tpu.memory_space<hbm>>) target(%dma_start3A_337 : memref<128x64xf32, #tpu.memory_space<vmem>>) offsets(%dma_start3A_339 : memref<128xi32, #tpu.memory_space<vmem>>) semaphore(%arg13 : memref<!tpu.dma_semaphore, #tpu.memory_space<semaphore_mem>>)
    %dma_wait3A_343 = arith.constant 1 : i32
    %dma_wait3A_344 = arith.constant 0 : i32
    %dma_wait3A_345 = arith.constant 0 : i32
    %dma_wait3A_346 = tpu.memref_slice %arg12[%dma_wait3A_343, %dma_wait3A_344, %dma_wait3A_345] : memref<2x128x64xf32, #tpu.memory_space<vmem>> -> memref<1x128x64xf32, #tpu.memory_space<vmem>>
    %dma_wait3A_347 = tpu.memref_squeeze %dma_wait3A_346 : memref<1x128x64xf32, #tpu.memory_space<vmem>> -> memref<128x64xf32, #tpu.memory_space<vmem>>
    %dma_wait3A_348 = arith.constant 640 : i32
    %dma_wait3A_349 = tpu.memref_slice %arg10[%dma_wait3A_348] : memref<4096xi32, #tpu.memory_space<vmem>> -> memref<128xi32, #tpu.memory_space<vmem>>
    %dma_wait3A_350 = arith.constant 0 : i32
    %dma_wait3A_351 = arith.constant 0 : i32
    %dma_wait3A_352 = tpu.memref_slice %arg4[%dma_wait3A_350, %dma_wait3A_351] : memref<16384x64xf32, #tpu.memory_space<hbm>> -> memref<16384x64xf32, #tpu.memory_space<hbm>>
    tpu.wait_indirect_dma semaphore(%arg14 : memref<!tpu.dma_semaphore, #tpu.memory_space<semaphore_mem>>) src(%dma_wait3A_352 : memref<16384x64xf32, #tpu.memory_space<hbm>>) dst(%dma_wait3A_347 : memref<128x64xf32, #tpu.memory_space<vmem>>)
    %add3A_353 = arith.constant 20 : i32
    %add3A_354 = arith.addi %mul3A_32, %add3A_353 : i32
    %mul3A_355 = arith.constant 32 : i32
    %mul3A_356 = arith.muli %add3A_354, %mul3A_355 : i32
    %dma_start3A_357 = arith.constant 1 : i32
    %dma_start3A_358 = arith.constant 0 : i32
    %dma_start3A_359 = arith.constant 0 : i32
    %dma_start3A_360 = tpu.memref_slice %arg12[%dma_start3A_357, %dma_start3A_358, %dma_start3A_359] : memref<2x128x64xf32, #tpu.memory_space<vmem>> -> memref<1x128x64xf32, #tpu.memory_space<vmem>>
    %dma_start3A_361 = tpu.memref_squeeze %dma_start3A_360 : memref<1x128x64xf32, #tpu.memory_space<vmem>> -> memref<128x64xf32, #tpu.memory_space<vmem>>
    %dma_start3A_362 = arith.constant 0 : i32
    %dma_start3A_363 = tpu.memref_slice %arg6[%select_n3A, %mul3A_356, %dma_start3A_362] : memref<4x32768x64xf32, #tpu.memory_space<hbm>> -> memref<1x128x64xf32, #tpu.memory_space<hbm>>
    %dma_start3A_364 = tpu.memref_squeeze %dma_start3A_363 : memref<1x128x64xf32, #tpu.memory_space<hbm>> -> memref<128x64xf32, #tpu.memory_space<hbm>>
    %dma_start3A_365 = arith.constant 0 : i32
    %dma_start3A_366 = tpu.memref_slice %arg6[%select_n3A, %mul3A_356, %dma_start3A_365] : memref<4x32768x64xf32, #tpu.memory_space<hbm>> -> memref<1x128x64xf32, #tpu.memory_space<hbm>>
    %dma_start3A_367 = tpu.memref_squeeze %dma_start3A_366 : memref<1x128x64xf32, #tpu.memory_space<hbm>> -> memref<128x64xf32, #tpu.memory_space<hbm>>
    %dma_start3A_368 = arith.constant 0 : i32
    %dma_start3A_369 = arith.constant 0 : i32
    %dma_start3A_370 = tpu.memref_slice %arg12[%dma_start3A_357, %dma_start3A_368, %dma_start3A_369] : memref<2x128x64xf32, #tpu.memory_space<vmem>> -> memref<1x128x64xf32, #tpu.memory_space<vmem>>
    %dma_start3A_371 = tpu.memref_squeeze %dma_start3A_370 : memref<1x128x64xf32, #tpu.memory_space<vmem>> -> memref<128x64xf32, #tpu.memory_space<vmem>>
    tpu.enqueue_dma source(%dma_start3A_371 : memref<128x64xf32, #tpu.memory_space<vmem>>) target(%dma_start3A_367 : memref<128x64xf32, #tpu.memory_space<hbm>>) target_semaphore(%arg16 : memref<!tpu.dma_semaphore, #tpu.memory_space<semaphore_mem>>)
    %dma_wait3A_372 = arith.constant 1 : i32
    %dma_wait3A_373 = arith.constant 0 : i32
    %dma_wait3A_374 = arith.constant 0 : i32
    %dma_wait3A_375 = tpu.memref_slice %arg12[%dma_wait3A_372, %dma_wait3A_373, %dma_wait3A_374] : memref<2x128x64xf32, #tpu.memory_space<vmem>> -> memref<1x128x64xf32, #tpu.memory_space<vmem>>
    %dma_wait3A_376 = tpu.memref_squeeze %dma_wait3A_375 : memref<1x128x64xf32, #tpu.memory_space<vmem>> -> memref<128x64xf32, #tpu.memory_space<vmem>>
    %dma_wait3A_377 = arith.constant 0 : i32
    %dma_wait3A_378 = tpu.memref_slice %arg6[%select_n3A, %mul3A_356, %dma_wait3A_377] : memref<4x32768x64xf32, #tpu.memory_space<hbm>> -> memref<1x128x64xf32, #tpu.memory_space<hbm>>
    %dma_wait3A_379 = tpu.memref_squeeze %dma_wait3A_378 : memref<1x128x64xf32, #tpu.memory_space<hbm>> -> memref<128x64xf32, #tpu.memory_space<hbm>>
    %dma_wait3A_380 = arith.constant 0 : i32
    %dma_wait3A_381 = tpu.memref_slice %arg6[%select_n3A, %mul3A_356, %dma_wait3A_380] : memref<4x32768x64xf32, #tpu.memory_space<hbm>> -> memref<1x128x64xf32, #tpu.memory_space<hbm>>
    %dma_wait3A_382 = tpu.memref_squeeze %dma_wait3A_381 : memref<1x128x64xf32, #tpu.memory_space<hbm>> -> memref<128x64xf32, #tpu.memory_space<hbm>>
    %dma_wait3A_383 = arith.constant 0 : i32
    %dma_wait3A_384 = arith.constant 0 : i32
    %dma_wait3A_385 = tpu.memref_slice %arg12[%dma_wait3A_372, %dma_wait3A_383, %dma_wait3A_384] : memref<2x128x64xf32, #tpu.memory_space<vmem>> -> memref<1x128x64xf32, #tpu.memory_space<vmem>>
    %dma_wait3A_386 = tpu.memref_squeeze %dma_wait3A_385 : memref<1x128x64xf32, #tpu.memory_space<vmem>> -> memref<128x64xf32, #tpu.memory_space<vmem>>
    tpu.wait_dma2 semaphore(%arg16 : memref<!tpu.dma_semaphore, #tpu.memory_space<semaphore_mem>>) src(%dma_wait3A_386 : memref<128x64xf32, #tpu.memory_space<vmem>>) dst(%dma_wait3A_382 : memref<128x64xf32, #tpu.memory_space<hbm>>)
    %dma_start3A_387 = arith.constant 1 : i32
    %dma_start3A_388 = arith.constant 0 : i32
    %dma_start3A_389 = arith.constant 0 : i32
    %dma_start3A_390 = tpu.memref_slice %arg12[%dma_start3A_387, %dma_start3A_388, %dma_start3A_389] : memref<2x128x64xf32, #tpu.memory_space<vmem>> -> memref<1x128x64xf32, #tpu.memory_space<vmem>>
    %dma_start3A_391 = tpu.memref_squeeze %dma_start3A_390 : memref<1x128x64xf32, #tpu.memory_space<vmem>> -> memref<128x64xf32, #tpu.memory_space<vmem>>
    %dma_start3A_392 = arith.constant 896 : i32
    %dma_start3A_393 = tpu.memref_slice %arg10[%dma_start3A_392] : memref<4096xi32, #tpu.memory_space<vmem>> -> memref<128xi32, #tpu.memory_space<vmem>>
    %dma_start3A_394 = arith.constant 0 : i32
    %dma_start3A_395 = arith.constant 0 : i32
    %dma_start3A_396 = tpu.memref_slice %arg4[%dma_start3A_394, %dma_start3A_395] : memref<16384x64xf32, #tpu.memory_space<hbm>> -> memref<16384x64xf32, #tpu.memory_space<hbm>>
    tpu.enqueue_indirect_dma source(%dma_start3A_396 : memref<16384x64xf32, #tpu.memory_space<hbm>>) target(%dma_start3A_391 : memref<128x64xf32, #tpu.memory_space<vmem>>) offsets(%dma_start3A_393 : memref<128xi32, #tpu.memory_space<vmem>>) semaphore(%arg14 : memref<!tpu.dma_semaphore, #tpu.memory_space<semaphore_mem>>)
    %dma_wait3A_397 = arith.constant 0 : i32
    %dma_wait3A_398 = arith.constant 0 : i32
    %dma_wait3A_399 = arith.constant 0 : i32
    %dma_wait3A_400 = tpu.memref_slice %arg12[%dma_wait3A_397, %dma_wait3A_398, %dma_wait3A_399] : memref<2x128x64xf32, #tpu.memory_space<vmem>> -> memref<1x128x64xf32, #tpu.memory_space<vmem>>
    %dma_wait3A_401 = tpu.memref_squeeze %dma_wait3A_400 : memref<1x128x64xf32, #tpu.memory_space<vmem>> -> memref<128x64xf32, #tpu.memory_space<vmem>>
    %dma_wait3A_402 = arith.constant 768 : i32
    %dma_wait3A_403 = tpu.memref_slice %arg10[%dma_wait3A_402] : memref<4096xi32, #tpu.memory_space<vmem>> -> memref<128xi32, #tpu.memory_space<vmem>>
    %dma_wait3A_404 = arith.constant 0 : i32
    %dma_wait3A_405 = arith.constant 0 : i32
    %dma_wait3A_406 = tpu.memref_slice %arg4[%dma_wait3A_404, %dma_wait3A_405] : memref<16384x64xf32, #tpu.memory_space<hbm>> -> memref<16384x64xf32, #tpu.memory_space<hbm>>
    tpu.wait_indirect_dma semaphore(%arg13 : memref<!tpu.dma_semaphore, #tpu.memory_space<semaphore_mem>>) src(%dma_wait3A_406 : memref<16384x64xf32, #tpu.memory_space<hbm>>) dst(%dma_wait3A_401 : memref<128x64xf32, #tpu.memory_space<vmem>>)
    %add3A_407 = arith.constant 24 : i32
    %add3A_408 = arith.addi %mul3A_32, %add3A_407 : i32
    %mul3A_409 = arith.constant 32 : i32
    %mul3A_410 = arith.muli %add3A_408, %mul3A_409 : i32
    %dma_start3A_411 = arith.constant 0 : i32
    %dma_start3A_412 = arith.constant 0 : i32
    %dma_start3A_413 = arith.constant 0 : i32
    %dma_start3A_414 = tpu.memref_slice %arg12[%dma_start3A_411, %dma_start3A_412, %dma_start3A_413] : memref<2x128x64xf32, #tpu.memory_space<vmem>> -> memref<1x128x64xf32, #tpu.memory_space<vmem>>
    %dma_start3A_415 = tpu.memref_squeeze %dma_start3A_414 : memref<1x128x64xf32, #tpu.memory_space<vmem>> -> memref<128x64xf32, #tpu.memory_space<vmem>>
    %dma_start3A_416 = arith.constant 0 : i32
    %dma_start3A_417 = tpu.memref_slice %arg6[%select_n3A, %mul3A_410, %dma_start3A_416] : memref<4x32768x64xf32, #tpu.memory_space<hbm>> -> memref<1x128x64xf32, #tpu.memory_space<hbm>>
    %dma_start3A_418 = tpu.memref_squeeze %dma_start3A_417 : memref<1x128x64xf32, #tpu.memory_space<hbm>> -> memref<128x64xf32, #tpu.memory_space<hbm>>
    %dma_start3A_419 = arith.constant 0 : i32
    %dma_start3A_420 = tpu.memref_slice %arg6[%select_n3A, %mul3A_410, %dma_start3A_419] : memref<4x32768x64xf32, #tpu.memory_space<hbm>> -> memref<1x128x64xf32, #tpu.memory_space<hbm>>
    %dma_start3A_421 = tpu.memref_squeeze %dma_start3A_420 : memref<1x128x64xf32, #tpu.memory_space<hbm>> -> memref<128x64xf32, #tpu.memory_space<hbm>>
    %dma_start3A_422 = arith.constant 0 : i32
    %dma_start3A_423 = arith.constant 0 : i32
    %dma_start3A_424 = tpu.memref_slice %arg12[%dma_start3A_411, %dma_start3A_422, %dma_start3A_423] : memref<2x128x64xf32, #tpu.memory_space<vmem>> -> memref<1x128x64xf32, #tpu.memory_space<vmem>>
    %dma_start3A_425 = tpu.memref_squeeze %dma_start3A_424 : memref<1x128x64xf32, #tpu.memory_space<vmem>> -> memref<128x64xf32, #tpu.memory_space<vmem>>
    tpu.enqueue_dma source(%dma_start3A_425 : memref<128x64xf32, #tpu.memory_space<vmem>>) target(%dma_start3A_421 : memref<128x64xf32, #tpu.memory_space<hbm>>) target_semaphore(%arg15 : memref<!tpu.dma_semaphore, #tpu.memory_space<semaphore_mem>>)
    %dma_wait3A_426 = arith.constant 0 : i32
    %dma_wait3A_427 = arith.constant 0 : i32
    %dma_wait3A_428 = arith.constant 0 : i32
    %dma_wait3A_429 = tpu.memref_slice %arg12[%dma_wait3A_426, %dma_wait3A_427, %dma_wait3A_428] : memref<2x128x64xf32, #tpu.memory_space<vmem>> -> memref<1x128x64xf32, #tpu.memory_space<vmem>>
    %dma_wait3A_430 = tpu.memref_squeeze %dma_wait3A_429 : memref<1x128x64xf32, #tpu.memory_space<vmem>> -> memref<128x64xf32, #tpu.memory_space<vmem>>
    %dma_wait3A_431 = arith.constant 0 : i32
    %dma_wait3A_432 = tpu.memref_slice %arg6[%select_n3A, %mul3A_410, %dma_wait3A_431] : memref<4x32768x64xf32, #tpu.memory_space<hbm>> -> memref<1x128x64xf32, #tpu.memory_space<hbm>>
    %dma_wait3A_433 = tpu.memref_squeeze %dma_wait3A_432 : memref<1x128x64xf32, #tpu.memory_space<hbm>> -> memref<128x64xf32, #tpu.memory_space<hbm>>
    %dma_wait3A_434 = arith.constant 0 : i32
    %dma_wait3A_435 = tpu.memref_slice %arg6[%select_n3A, %mul3A_410, %dma_wait3A_434] : memref<4x32768x64xf32, #tpu.memory_space<hbm>> -> memref<1x128x64xf32, #tpu.memory_space<hbm>>
    %dma_wait3A_436 = tpu.memref_squeeze %dma_wait3A_435 : memref<1x128x64xf32, #tpu.memory_space<hbm>> -> memref<128x64xf32, #tpu.memory_space<hbm>>
    %dma_wait3A_437 = arith.constant 0 : i32
    %dma_wait3A_438 = arith.constant 0 : i32
    %dma_wait3A_439 = tpu.memref_slice %arg12[%dma_wait3A_426, %dma_wait3A_437, %dma_wait3A_438] : memref<2x128x64xf32, #tpu.memory_space<vmem>> -> memref<1x128x64xf32, #tpu.memory_space<vmem>>
    %dma_wait3A_440 = tpu.memref_squeeze %dma_wait3A_439 : memref<1x128x64xf32, #tpu.memory_space<vmem>> -> memref<128x64xf32, #tpu.memory_space<vmem>>
    tpu.wait_dma2 semaphore(%arg15 : memref<!tpu.dma_semaphore, #tpu.memory_space<semaphore_mem>>) src(%dma_wait3A_440 : memref<128x64xf32, #tpu.memory_space<vmem>>) dst(%dma_wait3A_436 : memref<128x64xf32, #tpu.memory_space<hbm>>)
    %dma_start3A_441 = arith.constant 0 : i32
    %dma_start3A_442 = arith.constant 0 : i32
    %dma_start3A_443 = arith.constant 0 : i32
    %dma_start3A_444 = tpu.memref_slice %arg12[%dma_start3A_441, %dma_start3A_442, %dma_start3A_443] : memref<2x128x64xf32, #tpu.memory_space<vmem>> -> memref<1x128x64xf32, #tpu.memory_space<vmem>>
    %dma_start3A_445 = tpu.memref_squeeze %dma_start3A_444 : memref<1x128x64xf32, #tpu.memory_space<vmem>> -> memref<128x64xf32, #tpu.memory_space<vmem>>
    %dma_start3A_446 = arith.constant 1024 : i32
    %dma_start3A_447 = tpu.memref_slice %arg10[%dma_start3A_446] : memref<4096xi32, #tpu.memory_space<vmem>> -> memref<128xi32, #tpu.memory_space<vmem>>
    %dma_start3A_448 = arith.constant 0 : i32
    %dma_start3A_449 = arith.constant 0 : i32
    %dma_start3A_450 = tpu.memref_slice %arg4[%dma_start3A_448, %dma_start3A_449] : memref<16384x64xf32, #tpu.memory_space<hbm>> -> memref<16384x64xf32, #tpu.memory_space<hbm>>
    tpu.enqueue_indirect_dma source(%dma_start3A_450 : memref<16384x64xf32, #tpu.memory_space<hbm>>) target(%dma_start3A_445 : memref<128x64xf32, #tpu.memory_space<vmem>>) offsets(%dma_start3A_447 : memref<128xi32, #tpu.memory_space<vmem>>) semaphore(%arg13 : memref<!tpu.dma_semaphore, #tpu.memory_space<semaphore_mem>>)
    %dma_wait3A_451 = arith.constant 1 : i32
    %dma_wait3A_452 = arith.constant 0 : i32
    %dma_wait3A_453 = arith.constant 0 : i32
    %dma_wait3A_454 = tpu.memref_slice %arg12[%dma_wait3A_451, %dma_wait3A_452, %dma_wait3A_453] : memref<2x128x64xf32, #tpu.memory_space<vmem>> -> memref<1x128x64xf32, #tpu.memory_space<vmem>>
    %dma_wait3A_455 = tpu.memref_squeeze %dma_wait3A_454 : memref<1x128x64xf32, #tpu.memory_space<vmem>> -> memref<128x64xf32, #tpu.memory_space<vmem>>
    %dma_wait3A_456 = arith.constant 896 : i32
    %dma_wait3A_457 = tpu.memref_slice %arg10[%dma_wait3A_456] : memref<4096xi32, #tpu.memory_space<vmem>> -> memref<128xi32, #tpu.memory_space<vmem>>
    %dma_wait3A_458 = arith.constant 0 : i32
    %dma_wait3A_459 = arith.constant 0 : i32
    %dma_wait3A_460 = tpu.memref_slice %arg4[%dma_wait3A_458, %dma_wait3A_459] : memref<16384x64xf32, #tpu.memory_space<hbm>> -> memref<16384x64xf32, #tpu.memory_space<hbm>>
    tpu.wait_indirect_dma semaphore(%arg14 : memref<!tpu.dma_semaphore, #tpu.memory_space<semaphore_mem>>) src(%dma_wait3A_460 : memref<16384x64xf32, #tpu.memory_space<hbm>>) dst(%dma_wait3A_455 : memref<128x64xf32, #tpu.memory_space<vmem>>)
    %add3A_461 = arith.constant 28 : i32
    %add3A_462 = arith.addi %mul3A_32, %add3A_461 : i32
    %mul3A_463 = arith.constant 32 : i32
    %mul3A_464 = arith.muli %add3A_462, %mul3A_463 : i32
    %dma_start3A_465 = arith.constant 1 : i32
    %dma_start3A_466 = arith.constant 0 : i32
    %dma_start3A_467 = arith.constant 0 : i32
    %dma_start3A_468 = tpu.memref_slice %arg12[%dma_start3A_465, %dma_start3A_466, %dma_start3A_467] : memref<2x128x64xf32, #tpu.memory_space<vmem>> -> memref<1x128x64xf32, #tpu.memory_space<vmem>>
    %dma_start3A_469 = tpu.memref_squeeze %dma_start3A_468 : memref<1x128x64xf32, #tpu.memory_space<vmem>> -> memref<128x64xf32, #tpu.memory_space<vmem>>
    %dma_start3A_470 = arith.constant 0 : i32
    %dma_start3A_471 = tpu.memref_slice %arg6[%select_n3A, %mul3A_464, %dma_start3A_470] : memref<4x32768x64xf32, #tpu.memory_space<hbm>> -> memref<1x128x64xf32, #tpu.memory_space<hbm>>
    %dma_start3A_472 = tpu.memref_squeeze %dma_start3A_471 : memref<1x128x64xf32, #tpu.memory_space<hbm>> -> memref<128x64xf32, #tpu.memory_space<hbm>>
    %dma_start3A_473 = arith.constant 0 : i32
    %dma_start3A_474 = tpu.memref_slice %arg6[%select_n3A, %mul3A_464, %dma_start3A_473] : memref<4x32768x64xf32, #tpu.memory_space<hbm>> -> memref<1x128x64xf32, #tpu.memory_space<hbm>>
    %dma_start3A_475 = tpu.memref_squeeze %dma_start3A_474 : memref<1x128x64xf32, #tpu.memory_space<hbm>> -> memref<128x64xf32, #tpu.memory_space<hbm>>
    %dma_start3A_476 = arith.constant 0 : i32
    %dma_start3A_477 = arith.constant 0 : i32
    %dma_start3A_478 = tpu.memref_slice %arg12[%dma_start3A_465, %dma_start3A_476, %dma_start3A_477] : memref<2x128x64xf32, #tpu.memory_space<vmem>> -> memref<1x128x64xf32, #tpu.memory_space<vmem>>
    %dma_start3A_479 = tpu.memref_squeeze %dma_start3A_478 : memref<1x128x64xf32, #tpu.memory_space<vmem>> -> memref<128x64xf32, #tpu.memory_space<vmem>>
    tpu.enqueue_dma source(%dma_start3A_479 : memref<128x64xf32, #tpu.memory_space<vmem>>) target(%dma_start3A_475 : memref<128x64xf32, #tpu.memory_space<hbm>>) target_semaphore(%arg16 : memref<!tpu.dma_semaphore, #tpu.memory_space<semaphore_mem>>)
    %dma_wait3A_480 = arith.constant 1 : i32
    %dma_wait3A_481 = arith.constant 0 : i32
    %dma_wait3A_482 = arith.constant 0 : i32
    %dma_wait3A_483 = tpu.memref_slice %arg12[%dma_wait3A_480, %dma_wait3A_481, %dma_wait3A_482] : memref<2x128x64xf32, #tpu.memory_space<vmem>> -> memref<1x128x64xf32, #tpu.memory_space<vmem>>
    %dma_wait3A_484 = tpu.memref_squeeze %dma_wait3A_483 : memref<1x128x64xf32, #tpu.memory_space<vmem>> -> memref<128x64xf32, #tpu.memory_space<vmem>>
    %dma_wait3A_485 = arith.constant 0 : i32
    %dma_wait3A_486 = tpu.memref_slice %arg6[%select_n3A, %mul3A_464, %dma_wait3A_485] : memref<4x32768x64xf32, #tpu.memory_space<hbm>> -> memref<1x128x64xf32, #tpu.memory_space<hbm>>
    %dma_wait3A_487 = tpu.memref_squeeze %dma_wait3A_486 : memref<1x128x64xf32, #tpu.memory_space<hbm>> -> memref<128x64xf32, #tpu.memory_space<hbm>>
    %dma_wait3A_488 = arith.constant 0 : i32
    %dma_wait3A_489 = tpu.memref_slice %arg6[%select_n3A, %mul3A_464, %dma_wait3A_488] : memref<4x32768x64xf32, #tpu.memory_space<hbm>> -> memref<1x128x64xf32, #tpu.memory_space<hbm>>
    %dma_wait3A_490 = tpu.memref_squeeze %dma_wait3A_489 : memref<1x128x64xf32, #tpu.memory_space<hbm>> -> memref<128x64xf32, #tpu.memory_space<hbm>>
    %dma_wait3A_491 = arith.constant 0 : i32
    %dma_wait3A_492 = arith.constant 0 : i32
    %dma_wait3A_493 = tpu.memref_slice %arg12[%dma_wait3A_480, %dma_wait3A_491, %dma_wait3A_492] : memref<2x128x64xf32, #tpu.memory_space<vmem>> -> memref<1x128x64xf32, #tpu.memory_space<vmem>>
    %dma_wait3A_494 = tpu.memref_squeeze %dma_wait3A_493 : memref<1x128x64xf32, #tpu.memory_space<vmem>> -> memref<128x64xf32, #tpu.memory_space<vmem>>
    tpu.wait_dma2 semaphore(%arg16 : memref<!tpu.dma_semaphore, #tpu.memory_space<semaphore_mem>>) src(%dma_wait3A_494 : memref<128x64xf32, #tpu.memory_space<vmem>>) dst(%dma_wait3A_490 : memref<128x64xf32, #tpu.memory_space<hbm>>)
    %dma_start3A_495 = arith.constant 1 : i32
    %dma_start3A_496 = arith.constant 0 : i32
    %dma_start3A_497 = arith.constant 0 : i32
    %dma_start3A_498 = tpu.memref_slice %arg12[%dma_start3A_495, %dma_start3A_496, %dma_start3A_497] : memref<2x128x64xf32, #tpu.memory_space<vmem>> -> memref<1x128x64xf32, #tpu.memory_space<vmem>>
    %dma_start3A_499 = tpu.memref_squeeze %dma_start3A_498 : memref<1x128x64xf32, #tpu.memory_space<vmem>> -> memref<128x64xf32, #tpu.memory_space<vmem>>
    %dma_start3A_500 = arith.constant 1152 : i32
    %dma_start3A_501 = tpu.memref_slice %arg10[%dma_start3A_500] : memref<4096xi32, #tpu.memory_space<vmem>> -> memref<128xi32, #tpu.memory_space<vmem>>
    %dma_start3A_502 = arith.constant 0 : i32
    %dma_start3A_503 = arith.constant 0 : i32
    %dma_start3A_504 = tpu.memref_slice %arg4[%dma_start3A_502, %dma_start3A_503] : memref<16384x64xf32, #tpu.memory_space<hbm>> -> memref<16384x64xf32, #tpu.memory_space<hbm>>
    tpu.enqueue_indirect_dma source(%dma_start3A_504 : memref<16384x64xf32, #tpu.memory_space<hbm>>) target(%dma_start3A_499 : memref<128x64xf32, #tpu.memory_space<vmem>>) offsets(%dma_start3A_501 : memref<128xi32, #tpu.memory_space<vmem>>) semaphore(%arg14 : memref<!tpu.dma_semaphore, #tpu.memory_space<semaphore_mem>>)
    %dma_wait3A_505 = arith.constant 0 : i32
    %dma_wait3A_506 = arith.constant 0 : i32
    %dma_wait3A_507 = arith.constant 0 : i32
    %dma_wait3A_508 = tpu.memref_slice %arg12[%dma_wait3A_505, %dma_wait3A_506, %dma_wait3A_507] : memref<2x128x64xf32, #tpu.memory_space<vmem>> -> memref<1x128x64xf32, #tpu.memory_space<vmem>>
    %dma_wait3A_509 = tpu.memref_squeeze %dma_wait3A_508 : memref<1x128x64xf32, #tpu.memory_space<vmem>> -> memref<128x64xf32, #tpu.memory_space<vmem>>
    %dma_wait3A_510 = arith.constant 1024 : i32
    %dma_wait3A_511 = tpu.memref_slice %arg10[%dma_wait3A_510] : memref<4096xi32, #tpu.memory_space<vmem>> -> memref<128xi32, #tpu.memory_space<vmem>>
    %dma_wait3A_512 = arith.constant 0 : i32
    %dma_wait3A_513 = arith.constant 0 : i32
    %dma_wait3A_514 = tpu.memref_slice %arg4[%dma_wait3A_512, %dma_wait3A_513] : memref<16384x64xf32, #tpu.memory_space<hbm>> -> memref<16384x64xf32, #tpu.memory_space<hbm>>
    tpu.wait_indirect_dma semaphore(%arg13 : memref<!tpu.dma_semaphore, #tpu.memory_space<semaphore_mem>>) src(%dma_wait3A_514 : memref<16384x64xf32, #tpu.memory_space<hbm>>) dst(%dma_wait3A_509 : memref<128x64xf32, #tpu.memory_space<vmem>>)
    %add3A_515 = arith.constant 32 : i32
    %add3A_516 = arith.addi %mul3A_32, %add3A_515 : i32
    %mul3A_517 = arith.constant 32 : i32
    %mul3A_518 = arith.muli %add3A_516, %mul3A_517 : i32
    %dma_start3A_519 = arith.constant 0 : i32
    %dma_start3A_520 = arith.constant 0 : i32
    %dma_start3A_521 = arith.constant 0 : i32
    %dma_start3A_522 = tpu.memref_slice %arg12[%dma_start3A_519, %dma_start3A_520, %dma_start3A_521] : memref<2x128x64xf32, #tpu.memory_space<vmem>> -> memref<1x128x64xf32, #tpu.memory_space<vmem>>
    %dma_start3A_523 = tpu.memref_squeeze %dma_start3A_522 : memref<1x128x64xf32, #tpu.memory_space<vmem>> -> memref<128x64xf32, #tpu.memory_space<vmem>>
    %dma_start3A_524 = arith.constant 0 : i32
    %dma_start3A_525 = tpu.memref_slice %arg6[%select_n3A, %mul3A_518, %dma_start3A_524] : memref<4x32768x64xf32, #tpu.memory_space<hbm>> -> memref<1x128x64xf32, #tpu.memory_space<hbm>>
    %dma_start3A_526 = tpu.memref_squeeze %dma_start3A_525 : memref<1x128x64xf32, #tpu.memory_space<hbm>> -> memref<128x64xf32, #tpu.memory_space<hbm>>
    %dma_start3A_527 = arith.constant 0 : i32
    %dma_start3A_528 = tpu.memref_slice %arg6[%select_n3A, %mul3A_518, %dma_start3A_527] : memref<4x32768x64xf32, #tpu.memory_space<hbm>> -> memref<1x128x64xf32, #tpu.memory_space<hbm>>
    %dma_start3A_529 = tpu.memref_squeeze %dma_start3A_528 : memref<1x128x64xf32, #tpu.memory_space<hbm>> -> memref<128x64xf32, #tpu.memory_space<hbm>>
    %dma_start3A_530 = arith.constant 0 : i32
    %dma_start3A_531 = arith.constant 0 : i32
    %dma_start3A_532 = tpu.memref_slice %arg12[%dma_start3A_519, %dma_start3A_530, %dma_start3A_531] : memref<2x128x64xf32, #tpu.memory_space<vmem>> -> memref<1x128x64xf32, #tpu.memory_space<vmem>>
    %dma_start3A_533 = tpu.memref_squeeze %dma_start3A_532 : memref<1x128x64xf32, #tpu.memory_space<vmem>> -> memref<128x64xf32, #tpu.memory_space<vmem>>
    tpu.enqueue_dma source(%dma_start3A_533 : memref<128x64xf32, #tpu.memory_space<vmem>>) target(%dma_start3A_529 : memref<128x64xf32, #tpu.memory_space<hbm>>) target_semaphore(%arg15 : memref<!tpu.dma_semaphore, #tpu.memory_space<semaphore_mem>>)
    %dma_wait3A_534 = arith.constant 0 : i32
    %dma_wait3A_535 = arith.constant 0 : i32
    %dma_wait3A_536 = arith.constant 0 : i32
    %dma_wait3A_537 = tpu.memref_slice %arg12[%dma_wait3A_534, %dma_wait3A_535, %dma_wait3A_536] : memref<2x128x64xf32, #tpu.memory_space<vmem>> -> memref<1x128x64xf32, #tpu.memory_space<vmem>>
    %dma_wait3A_538 = tpu.memref_squeeze %dma_wait3A_537 : memref<1x128x64xf32, #tpu.memory_space<vmem>> -> memref<128x64xf32, #tpu.memory_space<vmem>>
    %dma_wait3A_539 = arith.constant 0 : i32
    %dma_wait3A_540 = tpu.memref_slice %arg6[%select_n3A, %mul3A_518, %dma_wait3A_539] : memref<4x32768x64xf32, #tpu.memory_space<hbm>> -> memref<1x128x64xf32, #tpu.memory_space<hbm>>
    %dma_wait3A_541 = tpu.memref_squeeze %dma_wait3A_540 : memref<1x128x64xf32, #tpu.memory_space<hbm>> -> memref<128x64xf32, #tpu.memory_space<hbm>>
    %dma_wait3A_542 = arith.constant 0 : i32
    %dma_wait3A_543 = tpu.memref_slice %arg6[%select_n3A, %mul3A_518, %dma_wait3A_542] : memref<4x32768x64xf32, #tpu.memory_space<hbm>> -> memref<1x128x64xf32, #tpu.memory_space<hbm>>
    %dma_wait3A_544 = tpu.memref_squeeze %dma_wait3A_543 : memref<1x128x64xf32, #tpu.memory_space<hbm>> -> memref<128x64xf32, #tpu.memory_space<hbm>>
    %dma_wait3A_545 = arith.constant 0 : i32
    %dma_wait3A_546 = arith.constant 0 : i32
    %dma_wait3A_547 = tpu.memref_slice %arg12[%dma_wait3A_534, %dma_wait3A_545, %dma_wait3A_546] : memref<2x128x64xf32, #tpu.memory_space<vmem>> -> memref<1x128x64xf32, #tpu.memory_space<vmem>>
    %dma_wait3A_548 = tpu.memref_squeeze %dma_wait3A_547 : memref<1x128x64xf32, #tpu.memory_space<vmem>> -> memref<128x64xf32, #tpu.memory_space<vmem>>
    tpu.wait_dma2 semaphore(%arg15 : memref<!tpu.dma_semaphore, #tpu.memory_space<semaphore_mem>>) src(%dma_wait3A_548 : memref<128x64xf32, #tpu.memory_space<vmem>>) dst(%dma_wait3A_544 : memref<128x64xf32, #tpu.memory_space<hbm>>)
    %dma_start3A_549 = arith.constant 0 : i32
    %dma_start3A_550 = arith.constant 0 : i32
    %dma_start3A_551 = arith.constant 0 : i32
    %dma_start3A_552 = tpu.memref_slice %arg12[%dma_start3A_549, %dma_start3A_550, %dma_start3A_551] : memref<2x128x64xf32, #tpu.memory_space<vmem>> -> memref<1x128x64xf32, #tpu.memory_space<vmem>>
    %dma_start3A_553 = tpu.memref_squeeze %dma_start3A_552 : memref<1x128x64xf32, #tpu.memory_space<vmem>> -> memref<128x64xf32, #tpu.memory_space<vmem>>
    %dma_start3A_554 = arith.constant 1280 : i32
    %dma_start3A_555 = tpu.memref_slice %arg10[%dma_start3A_554] : memref<4096xi32, #tpu.memory_space<vmem>> -> memref<128xi32, #tpu.memory_space<vmem>>
    %dma_start3A_556 = arith.constant 0 : i32
    %dma_start3A_557 = arith.constant 0 : i32
    %dma_start3A_558 = tpu.memref_slice %arg4[%dma_start3A_556, %dma_start3A_557] : memref<16384x64xf32, #tpu.memory_space<hbm>> -> memref<16384x64xf32, #tpu.memory_space<hbm>>
    tpu.enqueue_indirect_dma source(%dma_start3A_558 : memref<16384x64xf32, #tpu.memory_space<hbm>>) target(%dma_start3A_553 : memref<128x64xf32, #tpu.memory_space<vmem>>) offsets(%dma_start3A_555 : memref<128xi32, #tpu.memory_space<vmem>>) semaphore(%arg13 : memref<!tpu.dma_semaphore, #tpu.memory_space<semaphore_mem>>)
    %dma_wait3A_559 = arith.constant 1 : i32
    %dma_wait3A_560 = arith.constant 0 : i32
    %dma_wait3A_561 = arith.constant 0 : i32
    %dma_wait3A_562 = tpu.memref_slice %arg12[%dma_wait3A_559, %dma_wait3A_560, %dma_wait3A_561] : memref<2x128x64xf32, #tpu.memory_space<vmem>> -> memref<1x128x64xf32, #tpu.memory_space<vmem>>
    %dma_wait3A_563 = tpu.memref_squeeze %dma_wait3A_562 : memref<1x128x64xf32, #tpu.memory_space<vmem>> -> memref<128x64xf32, #tpu.memory_space<vmem>>
    %dma_wait3A_564 = arith.constant 1152 : i32
    %dma_wait3A_565 = tpu.memref_slice %arg10[%dma_wait3A_564] : memref<4096xi32, #tpu.memory_space<vmem>> -> memref<128xi32, #tpu.memory_space<vmem>>
    %dma_wait3A_566 = arith.constant 0 : i32
    %dma_wait3A_567 = arith.constant 0 : i32
    %dma_wait3A_568 = tpu.memref_slice %arg4[%dma_wait3A_566, %dma_wait3A_567] : memref<16384x64xf32, #tpu.memory_space<hbm>> -> memref<16384x64xf32, #tpu.memory_space<hbm>>
    tpu.wait_indirect_dma semaphore(%arg14 : memref<!tpu.dma_semaphore, #tpu.memory_space<semaphore_mem>>) src(%dma_wait3A_568 : memref<16384x64xf32, #tpu.memory_space<hbm>>) dst(%dma_wait3A_563 : memref<128x64xf32, #tpu.memory_space<vmem>>)
    %add3A_569 = arith.constant 36 : i32
    %add3A_570 = arith.addi %mul3A_32, %add3A_569 : i32
    %mul3A_571 = arith.constant 32 : i32
    %mul3A_572 = arith.muli %add3A_570, %mul3A_571 : i32
    %dma_start3A_573 = arith.constant 1 : i32
    %dma_start3A_574 = arith.constant 0 : i32
    %dma_start3A_575 = arith.constant 0 : i32
    %dma_start3A_576 = tpu.memref_slice %arg12[%dma_start3A_573, %dma_start3A_574, %dma_start3A_575] : memref<2x128x64xf32, #tpu.memory_space<vmem>> -> memref<1x128x64xf32, #tpu.memory_space<vmem>>
    %dma_start3A_577 = tpu.memref_squeeze %dma_start3A_576 : memref<1x128x64xf32, #tpu.memory_space<vmem>> -> memref<128x64xf32, #tpu.memory_space<vmem>>
    %dma_start3A_578 = arith.constant 0 : i32
    %dma_start3A_579 = tpu.memref_slice %arg6[%select_n3A, %mul3A_572, %dma_start3A_578] : memref<4x32768x64xf32, #tpu.memory_space<hbm>> -> memref<1x128x64xf32, #tpu.memory_space<hbm>>
    %dma_start3A_580 = tpu.memref_squeeze %dma_start3A_579 : memref<1x128x64xf32, #tpu.memory_space<hbm>> -> memref<128x64xf32, #tpu.memory_space<hbm>>
    %dma_start3A_581 = arith.constant 0 : i32
    %dma_start3A_582 = tpu.memref_slice %arg6[%select_n3A, %mul3A_572, %dma_start3A_581] : memref<4x32768x64xf32, #tpu.memory_space<hbm>> -> memref<1x128x64xf32, #tpu.memory_space<hbm>>
    %dma_start3A_583 = tpu.memref_squeeze %dma_start3A_582 : memref<1x128x64xf32, #tpu.memory_space<hbm>> -> memref<128x64xf32, #tpu.memory_space<hbm>>
    %dma_start3A_584 = arith.constant 0 : i32
    %dma_start3A_585 = arith.constant 0 : i32
    %dma_start3A_586 = tpu.memref_slice %arg12[%dma_start3A_573, %dma_start3A_584, %dma_start3A_585] : memref<2x128x64xf32, #tpu.memory_space<vmem>> -> memref<1x128x64xf32, #tpu.memory_space<vmem>>
    %dma_start3A_587 = tpu.memref_squeeze %dma_start3A_586 : memref<1x128x64xf32, #tpu.memory_space<vmem>> -> memref<128x64xf32, #tpu.memory_space<vmem>>
    tpu.enqueue_dma source(%dma_start3A_587 : memref<128x64xf32, #tpu.memory_space<vmem>>) target(%dma_start3A_583 : memref<128x64xf32, #tpu.memory_space<hbm>>) target_semaphore(%arg16 : memref<!tpu.dma_semaphore, #tpu.memory_space<semaphore_mem>>)
    %dma_wait3A_588 = arith.constant 1 : i32
    %dma_wait3A_589 = arith.constant 0 : i32
    %dma_wait3A_590 = arith.constant 0 : i32
    %dma_wait3A_591 = tpu.memref_slice %arg12[%dma_wait3A_588, %dma_wait3A_589, %dma_wait3A_590] : memref<2x128x64xf32, #tpu.memory_space<vmem>> -> memref<1x128x64xf32, #tpu.memory_space<vmem>>
    %dma_wait3A_592 = tpu.memref_squeeze %dma_wait3A_591 : memref<1x128x64xf32, #tpu.memory_space<vmem>> -> memref<128x64xf32, #tpu.memory_space<vmem>>
    %dma_wait3A_593 = arith.constant 0 : i32
    %dma_wait3A_594 = tpu.memref_slice %arg6[%select_n3A, %mul3A_572, %dma_wait3A_593] : memref<4x32768x64xf32, #tpu.memory_space<hbm>> -> memref<1x128x64xf32, #tpu.memory_space<hbm>>
    %dma_wait3A_595 = tpu.memref_squeeze %dma_wait3A_594 : memref<1x128x64xf32, #tpu.memory_space<hbm>> -> memref<128x64xf32, #tpu.memory_space<hbm>>
    %dma_wait3A_596 = arith.constant 0 : i32
    %dma_wait3A_597 = tpu.memref_slice %arg6[%select_n3A, %mul3A_572, %dma_wait3A_596] : memref<4x32768x64xf32, #tpu.memory_space<hbm>> -> memref<1x128x64xf32, #tpu.memory_space<hbm>>
    %dma_wait3A_598 = tpu.memref_squeeze %dma_wait3A_597 : memref<1x128x64xf32, #tpu.memory_space<hbm>> -> memref<128x64xf32, #tpu.memory_space<hbm>>
    %dma_wait3A_599 = arith.constant 0 : i32
    %dma_wait3A_600 = arith.constant 0 : i32
    %dma_wait3A_601 = tpu.memref_slice %arg12[%dma_wait3A_588, %dma_wait3A_599, %dma_wait3A_600] : memref<2x128x64xf32, #tpu.memory_space<vmem>> -> memref<1x128x64xf32, #tpu.memory_space<vmem>>
    %dma_wait3A_602 = tpu.memref_squeeze %dma_wait3A_601 : memref<1x128x64xf32, #tpu.memory_space<vmem>> -> memref<128x64xf32, #tpu.memory_space<vmem>>
    tpu.wait_dma2 semaphore(%arg16 : memref<!tpu.dma_semaphore, #tpu.memory_space<semaphore_mem>>) src(%dma_wait3A_602 : memref<128x64xf32, #tpu.memory_space<vmem>>) dst(%dma_wait3A_598 : memref<128x64xf32, #tpu.memory_space<hbm>>)
    %dma_start3A_603 = arith.constant 1 : i32
    %dma_start3A_604 = arith.constant 0 : i32
    %dma_start3A_605 = arith.constant 0 : i32
    %dma_start3A_606 = tpu.memref_slice %arg12[%dma_start3A_603, %dma_start3A_604, %dma_start3A_605] : memref<2x128x64xf32, #tpu.memory_space<vmem>> -> memref<1x128x64xf32, #tpu.memory_space<vmem>>
    %dma_start3A_607 = tpu.memref_squeeze %dma_start3A_606 : memref<1x128x64xf32, #tpu.memory_space<vmem>> -> memref<128x64xf32, #tpu.memory_space<vmem>>
    %dma_start3A_608 = arith.constant 1408 : i32
    %dma_start3A_609 = tpu.memref_slice %arg10[%dma_start3A_608] : memref<4096xi32, #tpu.memory_space<vmem>> -> memref<128xi32, #tpu.memory_space<vmem>>
    %dma_start3A_610 = arith.constant 0 : i32
    %dma_start3A_611 = arith.constant 0 : i32
    %dma_start3A_612 = tpu.memref_slice %arg4[%dma_start3A_610, %dma_start3A_611] : memref<16384x64xf32, #tpu.memory_space<hbm>> -> memref<16384x64xf32, #tpu.memory_space<hbm>>
    tpu.enqueue_indirect_dma source(%dma_start3A_612 : memref<16384x64xf32, #tpu.memory_space<hbm>>) target(%dma_start3A_607 : memref<128x64xf32, #tpu.memory_space<vmem>>) offsets(%dma_start3A_609 : memref<128xi32, #tpu.memory_space<vmem>>) semaphore(%arg14 : memref<!tpu.dma_semaphore, #tpu.memory_space<semaphore_mem>>)
    %dma_wait3A_613 = arith.constant 0 : i32
    %dma_wait3A_614 = arith.constant 0 : i32
    %dma_wait3A_615 = arith.constant 0 : i32
    %dma_wait3A_616 = tpu.memref_slice %arg12[%dma_wait3A_613, %dma_wait3A_614, %dma_wait3A_615] : memref<2x128x64xf32, #tpu.memory_space<vmem>> -> memref<1x128x64xf32, #tpu.memory_space<vmem>>
    %dma_wait3A_617 = tpu.memref_squeeze %dma_wait3A_616 : memref<1x128x64xf32, #tpu.memory_space<vmem>> -> memref<128x64xf32, #tpu.memory_space<vmem>>
    %dma_wait3A_618 = arith.constant 1280 : i32
    %dma_wait3A_619 = tpu.memref_slice %arg10[%dma_wait3A_618] : memref<4096xi32, #tpu.memory_space<vmem>> -> memref<128xi32, #tpu.memory_space<vmem>>
    %dma_wait3A_620 = arith.constant 0 : i32
    %dma_wait3A_621 = arith.constant 0 : i32
    %dma_wait3A_622 = tpu.memref_slice %arg4[%dma_wait3A_620, %dma_wait3A_621] : memref<16384x64xf32, #tpu.memory_space<hbm>> -> memref<16384x64xf32, #tpu.memory_space<hbm>>
    tpu.wait_indirect_dma semaphore(%arg13 : memref<!tpu.dma_semaphore, #tpu.memory_space<semaphore_mem>>) src(%dma_wait3A_622 : memref<16384x64xf32, #tpu.memory_space<hbm>>) dst(%dma_wait3A_617 : memref<128x64xf32, #tpu.memory_space<vmem>>)
    %add3A_623 = arith.constant 40 : i32
    %add3A_624 = arith.addi %mul3A_32, %add3A_623 : i32
    %mul3A_625 = arith.constant 32 : i32
    %mul3A_626 = arith.muli %add3A_624, %mul3A_625 : i32
    %dma_start3A_627 = arith.constant 0 : i32
    %dma_start3A_628 = arith.constant 0 : i32
    %dma_start3A_629 = arith.constant 0 : i32
    %dma_start3A_630 = tpu.memref_slice %arg12[%dma_start3A_627, %dma_start3A_628, %dma_start3A_629] : memref<2x128x64xf32, #tpu.memory_space<vmem>> -> memref<1x128x64xf32, #tpu.memory_space<vmem>>
    %dma_start3A_631 = tpu.memref_squeeze %dma_start3A_630 : memref<1x128x64xf32, #tpu.memory_space<vmem>> -> memref<128x64xf32, #tpu.memory_space<vmem>>
    %dma_start3A_632 = arith.constant 0 : i32
    %dma_start3A_633 = tpu.memref_slice %arg6[%select_n3A, %mul3A_626, %dma_start3A_632] : memref<4x32768x64xf32, #tpu.memory_space<hbm>> -> memref<1x128x64xf32, #tpu.memory_space<hbm>>
    %dma_start3A_634 = tpu.memref_squeeze %dma_start3A_633 : memref<1x128x64xf32, #tpu.memory_space<hbm>> -> memref<128x64xf32, #tpu.memory_space<hbm>>
    %dma_start3A_635 = arith.constant 0 : i32
    %dma_start3A_636 = tpu.memref_slice %arg6[%select_n3A, %mul3A_626, %dma_start3A_635] : memref<4x32768x64xf32, #tpu.memory_space<hbm>> -> memref<1x128x64xf32, #tpu.memory_space<hbm>>
    %dma_start3A_637 = tpu.memref_squeeze %dma_start3A_636 : memref<1x128x64xf32, #tpu.memory_space<hbm>> -> memref<128x64xf32, #tpu.memory_space<hbm>>
    %dma_start3A_638 = arith.constant 0 : i32
    %dma_start3A_639 = arith.constant 0 : i32
    %dma_start3A_640 = tpu.memref_slice %arg12[%dma_start3A_627, %dma_start3A_638, %dma_start3A_639] : memref<2x128x64xf32, #tpu.memory_space<vmem>> -> memref<1x128x64xf32, #tpu.memory_space<vmem>>
    %dma_start3A_641 = tpu.memref_squeeze %dma_start3A_640 : memref<1x128x64xf32, #tpu.memory_space<vmem>> -> memref<128x64xf32, #tpu.memory_space<vmem>>
    tpu.enqueue_dma source(%dma_start3A_641 : memref<128x64xf32, #tpu.memory_space<vmem>>) target(%dma_start3A_637 : memref<128x64xf32, #tpu.memory_space<hbm>>) target_semaphore(%arg15 : memref<!tpu.dma_semaphore, #tpu.memory_space<semaphore_mem>>)
    %dma_wait3A_642 = arith.constant 0 : i32
    %dma_wait3A_643 = arith.constant 0 : i32
    %dma_wait3A_644 = arith.constant 0 : i32
    %dma_wait3A_645 = tpu.memref_slice %arg12[%dma_wait3A_642, %dma_wait3A_643, %dma_wait3A_644] : memref<2x128x64xf32, #tpu.memory_space<vmem>> -> memref<1x128x64xf32, #tpu.memory_space<vmem>>
    %dma_wait3A_646 = tpu.memref_squeeze %dma_wait3A_645 : memref<1x128x64xf32, #tpu.memory_space<vmem>> -> memref<128x64xf32, #tpu.memory_space<vmem>>
    %dma_wait3A_647 = arith.constant 0 : i32
    %dma_wait3A_648 = tpu.memref_slice %arg6[%select_n3A, %mul3A_626, %dma_wait3A_647] : memref<4x32768x64xf32, #tpu.memory_space<hbm>> -> memref<1x128x64xf32, #tpu.memory_space<hbm>>
    %dma_wait3A_649 = tpu.memref_squeeze %dma_wait3A_648 : memref<1x128x64xf32, #tpu.memory_space<hbm>> -> memref<128x64xf32, #tpu.memory_space<hbm>>
    %dma_wait3A_650 = arith.constant 0 : i32
    %dma_wait3A_651 = tpu.memref_slice %arg6[%select_n3A, %mul3A_626, %dma_wait3A_650] : memref<4x32768x64xf32, #tpu.memory_space<hbm>> -> memref<1x128x64xf32, #tpu.memory_space<hbm>>
    %dma_wait3A_652 = tpu.memref_squeeze %dma_wait3A_651 : memref<1x128x64xf32, #tpu.memory_space<hbm>> -> memref<128x64xf32, #tpu.memory_space<hbm>>
    %dma_wait3A_653 = arith.constant 0 : i32
    %dma_wait3A_654 = arith.constant 0 : i32
    %dma_wait3A_655 = tpu.memref_slice %arg12[%dma_wait3A_642, %dma_wait3A_653, %dma_wait3A_654] : memref<2x128x64xf32, #tpu.memory_space<vmem>> -> memref<1x128x64xf32, #tpu.memory_space<vmem>>
    %dma_wait3A_656 = tpu.memref_squeeze %dma_wait3A_655 : memref<1x128x64xf32, #tpu.memory_space<vmem>> -> memref<128x64xf32, #tpu.memory_space<vmem>>
    tpu.wait_dma2 semaphore(%arg15 : memref<!tpu.dma_semaphore, #tpu.memory_space<semaphore_mem>>) src(%dma_wait3A_656 : memref<128x64xf32, #tpu.memory_space<vmem>>) dst(%dma_wait3A_652 : memref<128x64xf32, #tpu.memory_space<hbm>>)
    %dma_start3A_657 = arith.constant 0 : i32
    %dma_start3A_658 = arith.constant 0 : i32
    %dma_start3A_659 = arith.constant 0 : i32
    %dma_start3A_660 = tpu.memref_slice %arg12[%dma_start3A_657, %dma_start3A_658, %dma_start3A_659] : memref<2x128x64xf32, #tpu.memory_space<vmem>> -> memref<1x128x64xf32, #tpu.memory_space<vmem>>
    %dma_start3A_661 = tpu.memref_squeeze %dma_start3A_660 : memref<1x128x64xf32, #tpu.memory_space<vmem>> -> memref<128x64xf32, #tpu.memory_space<vmem>>
    %dma_start3A_662 = arith.constant 1536 : i32
    %dma_start3A_663 = tpu.memref_slice %arg10[%dma_start3A_662] : memref<4096xi32, #tpu.memory_space<vmem>> -> memref<128xi32, #tpu.memory_space<vmem>>
    %dma_start3A_664 = arith.constant 0 : i32
    %dma_start3A_665 = arith.constant 0 : i32
    %dma_start3A_666 = tpu.memref_slice %arg4[%dma_start3A_664, %dma_start3A_665] : memref<16384x64xf32, #tpu.memory_space<hbm>> -> memref<16384x64xf32, #tpu.memory_space<hbm>>
    tpu.enqueue_indirect_dma source(%dma_start3A_666 : memref<16384x64xf32, #tpu.memory_space<hbm>>) target(%dma_start3A_661 : memref<128x64xf32, #tpu.memory_space<vmem>>) offsets(%dma_start3A_663 : memref<128xi32, #tpu.memory_space<vmem>>) semaphore(%arg13 : memref<!tpu.dma_semaphore, #tpu.memory_space<semaphore_mem>>)
    %dma_wait3A_667 = arith.constant 1 : i32
    %dma_wait3A_668 = arith.constant 0 : i32
    %dma_wait3A_669 = arith.constant 0 : i32
    %dma_wait3A_670 = tpu.memref_slice %arg12[%dma_wait3A_667, %dma_wait3A_668, %dma_wait3A_669] : memref<2x128x64xf32, #tpu.memory_space<vmem>> -> memref<1x128x64xf32, #tpu.memory_space<vmem>>
    %dma_wait3A_671 = tpu.memref_squeeze %dma_wait3A_670 : memref<1x128x64xf32, #tpu.memory_space<vmem>> -> memref<128x64xf32, #tpu.memory_space<vmem>>
    %dma_wait3A_672 = arith.constant 1408 : i32
    %dma_wait3A_673 = tpu.memref_slice %arg10[%dma_wait3A_672] : memref<4096xi32, #tpu.memory_space<vmem>> -> memref<128xi32, #tpu.memory_space<vmem>>
    %dma_wait3A_674 = arith.constant 0 : i32
    %dma_wait3A_675 = arith.constant 0 : i32
    %dma_wait3A_676 = tpu.memref_slice %arg4[%dma_wait3A_674, %dma_wait3A_675] : memref<16384x64xf32, #tpu.memory_space<hbm>> -> memref<16384x64xf32, #tpu.memory_space<hbm>>
    tpu.wait_indirect_dma semaphore(%arg14 : memref<!tpu.dma_semaphore, #tpu.memory_space<semaphore_mem>>) src(%dma_wait3A_676 : memref<16384x64xf32, #tpu.memory_space<hbm>>) dst(%dma_wait3A_671 : memref<128x64xf32, #tpu.memory_space<vmem>>)
    %add3A_677 = arith.constant 44 : i32
    %add3A_678 = arith.addi %mul3A_32, %add3A_677 : i32
    %mul3A_679 = arith.constant 32 : i32
    %mul3A_680 = arith.muli %add3A_678, %mul3A_679 : i32
    %dma_start3A_681 = arith.constant 1 : i32
    %dma_start3A_682 = arith.constant 0 : i32
    %dma_start3A_683 = arith.constant 0 : i32
    %dma_start3A_684 = tpu.memref_slice %arg12[%dma_start3A_681, %dma_start3A_682, %dma_start3A_683] : memref<2x128x64xf32, #tpu.memory_space<vmem>> -> memref<1x128x64xf32, #tpu.memory_space<vmem>>
    %dma_start3A_685 = tpu.memref_squeeze %dma_start3A_684 : memref<1x128x64xf32, #tpu.memory_space<vmem>> -> memref<128x64xf32, #tpu.memory_space<vmem>>
    %dma_start3A_686 = arith.constant 0 : i32
    %dma_start3A_687 = tpu.memref_slice %arg6[%select_n3A, %mul3A_680, %dma_start3A_686] : memref<4x32768x64xf32, #tpu.memory_space<hbm>> -> memref<1x128x64xf32, #tpu.memory_space<hbm>>
    %dma_start3A_688 = tpu.memref_squeeze %dma_start3A_687 : memref<1x128x64xf32, #tpu.memory_space<hbm>> -> memref<128x64xf32, #tpu.memory_space<hbm>>
    %dma_start3A_689 = arith.constant 0 : i32
    %dma_start3A_690 = tpu.memref_slice %arg6[%select_n3A, %mul3A_680, %dma_start3A_689] : memref<4x32768x64xf32, #tpu.memory_space<hbm>> -> memref<1x128x64xf32, #tpu.memory_space<hbm>>
    %dma_start3A_691 = tpu.memref_squeeze %dma_start3A_690 : memref<1x128x64xf32, #tpu.memory_space<hbm>> -> memref<128x64xf32, #tpu.memory_space<hbm>>
    %dma_start3A_692 = arith.constant 0 : i32
    %dma_start3A_693 = arith.constant 0 : i32
    %dma_start3A_694 = tpu.memref_slice %arg12[%dma_start3A_681, %dma_start3A_692, %dma_start3A_693] : memref<2x128x64xf32, #tpu.memory_space<vmem>> -> memref<1x128x64xf32, #tpu.memory_space<vmem>>
    %dma_start3A_695 = tpu.memref_squeeze %dma_start3A_694 : memref<1x128x64xf32, #tpu.memory_space<vmem>> -> memref<128x64xf32, #tpu.memory_space<vmem>>
    tpu.enqueue_dma source(%dma_start3A_695 : memref<128x64xf32, #tpu.memory_space<vmem>>) target(%dma_start3A_691 : memref<128x64xf32, #tpu.memory_space<hbm>>) target_semaphore(%arg16 : memref<!tpu.dma_semaphore, #tpu.memory_space<semaphore_mem>>)
    %dma_wait3A_696 = arith.constant 1 : i32
    %dma_wait3A_697 = arith.constant 0 : i32
    %dma_wait3A_698 = arith.constant 0 : i32
    %dma_wait3A_699 = tpu.memref_slice %arg12[%dma_wait3A_696, %dma_wait3A_697, %dma_wait3A_698] : memref<2x128x64xf32, #tpu.memory_space<vmem>> -> memref<1x128x64xf32, #tpu.memory_space<vmem>>
    %dma_wait3A_700 = tpu.memref_squeeze %dma_wait3A_699 : memref<1x128x64xf32, #tpu.memory_space<vmem>> -> memref<128x64xf32, #tpu.memory_space<vmem>>
    %dma_wait3A_701 = arith.constant 0 : i32
    %dma_wait3A_702 = tpu.memref_slice %arg6[%select_n3A, %mul3A_680, %dma_wait3A_701] : memref<4x32768x64xf32, #tpu.memory_space<hbm>> -> memref<1x128x64xf32, #tpu.memory_space<hbm>>
    %dma_wait3A_703 = tpu.memref_squeeze %dma_wait3A_702 : memref<1x128x64xf32, #tpu.memory_space<hbm>> -> memref<128x64xf32, #tpu.memory_space<hbm>>
    %dma_wait3A_704 = arith.constant 0 : i32
    %dma_wait3A_705 = tpu.memref_slice %arg6[%select_n3A, %mul3A_680, %dma_wait3A_704] : memref<4x32768x64xf32, #tpu.memory_space<hbm>> -> memref<1x128x64xf32, #tpu.memory_space<hbm>>
    %dma_wait3A_706 = tpu.memref_squeeze %dma_wait3A_705 : memref<1x128x64xf32, #tpu.memory_space<hbm>> -> memref<128x64xf32, #tpu.memory_space<hbm>>
    %dma_wait3A_707 = arith.constant 0 : i32
    %dma_wait3A_708 = arith.constant 0 : i32
    %dma_wait3A_709 = tpu.memref_slice %arg12[%dma_wait3A_696, %dma_wait3A_707, %dma_wait3A_708] : memref<2x128x64xf32, #tpu.memory_space<vmem>> -> memref<1x128x64xf32, #tpu.memory_space<vmem>>
    %dma_wait3A_710 = tpu.memref_squeeze %dma_wait3A_709 : memref<1x128x64xf32, #tpu.memory_space<vmem>> -> memref<128x64xf32, #tpu.memory_space<vmem>>
    tpu.wait_dma2 semaphore(%arg16 : memref<!tpu.dma_semaphore, #tpu.memory_space<semaphore_mem>>) src(%dma_wait3A_710 : memref<128x64xf32, #tpu.memory_space<vmem>>) dst(%dma_wait3A_706 : memref<128x64xf32, #tpu.memory_space<hbm>>)
    %dma_start3A_711 = arith.constant 1 : i32
    %dma_start3A_712 = arith.constant 0 : i32
    %dma_start3A_713 = arith.constant 0 : i32
    %dma_start3A_714 = tpu.memref_slice %arg12[%dma_start3A_711, %dma_start3A_712, %dma_start3A_713] : memref<2x128x64xf32, #tpu.memory_space<vmem>> -> memref<1x128x64xf32, #tpu.memory_space<vmem>>
    %dma_start3A_715 = tpu.memref_squeeze %dma_start3A_714 : memref<1x128x64xf32, #tpu.memory_space<vmem>> -> memref<128x64xf32, #tpu.memory_space<vmem>>
    %dma_start3A_716 = arith.constant 1664 : i32
    %dma_start3A_717 = tpu.memref_slice %arg10[%dma_start3A_716] : memref<4096xi32, #tpu.memory_space<vmem>> -> memref<128xi32, #tpu.memory_space<vmem>>
    %dma_start3A_718 = arith.constant 0 : i32
    %dma_start3A_719 = arith.constant 0 : i32
    %dma_start3A_720 = tpu.memref_slice %arg4[%dma_start3A_718, %dma_start3A_719] : memref<16384x64xf32, #tpu.memory_space<hbm>> -> memref<16384x64xf32, #tpu.memory_space<hbm>>
    tpu.enqueue_indirect_dma source(%dma_start3A_720 : memref<16384x64xf32, #tpu.memory_space<hbm>>) target(%dma_start3A_715 : memref<128x64xf32, #tpu.memory_space<vmem>>) offsets(%dma_start3A_717 : memref<128xi32, #tpu.memory_space<vmem>>) semaphore(%arg14 : memref<!tpu.dma_semaphore, #tpu.memory_space<semaphore_mem>>)
    %dma_wait3A_721 = arith.constant 0 : i32
    %dma_wait3A_722 = arith.constant 0 : i32
    %dma_wait3A_723 = arith.constant 0 : i32
    %dma_wait3A_724 = tpu.memref_slice %arg12[%dma_wait3A_721, %dma_wait3A_722, %dma_wait3A_723] : memref<2x128x64xf32, #tpu.memory_space<vmem>> -> memref<1x128x64xf32, #tpu.memory_space<vmem>>
    %dma_wait3A_725 = tpu.memref_squeeze %dma_wait3A_724 : memref<1x128x64xf32, #tpu.memory_space<vmem>> -> memref<128x64xf32, #tpu.memory_space<vmem>>
    %dma_wait3A_726 = arith.constant 1536 : i32
    %dma_wait3A_727 = tpu.memref_slice %arg10[%dma_wait3A_726] : memref<4096xi32, #tpu.memory_space<vmem>> -> memref<128xi32, #tpu.memory_space<vmem>>
    %dma_wait3A_728 = arith.constant 0 : i32
    %dma_wait3A_729 = arith.constant 0 : i32
    %dma_wait3A_730 = tpu.memref_slice %arg4[%dma_wait3A_728, %dma_wait3A_729] : memref<16384x64xf32, #tpu.memory_space<hbm>> -> memref<16384x64xf32, #tpu.memory_space<hbm>>
    tpu.wait_indirect_dma semaphore(%arg13 : memref<!tpu.dma_semaphore, #tpu.memory_space<semaphore_mem>>) src(%dma_wait3A_730 : memref<16384x64xf32, #tpu.memory_space<hbm>>) dst(%dma_wait3A_725 : memref<128x64xf32, #tpu.memory_space<vmem>>)
    %add3A_731 = arith.constant 48 : i32
    %add3A_732 = arith.addi %mul3A_32, %add3A_731 : i32
    %mul3A_733 = arith.constant 32 : i32
    %mul3A_734 = arith.muli %add3A_732, %mul3A_733 : i32
    %dma_start3A_735 = arith.constant 0 : i32
    %dma_start3A_736 = arith.constant 0 : i32
    %dma_start3A_737 = arith.constant 0 : i32
    %dma_start3A_738 = tpu.memref_slice %arg12[%dma_start3A_735, %dma_start3A_736, %dma_start3A_737] : memref<2x128x64xf32, #tpu.memory_space<vmem>> -> memref<1x128x64xf32, #tpu.memory_space<vmem>>
    %dma_start3A_739 = tpu.memref_squeeze %dma_start3A_738 : memref<1x128x64xf32, #tpu.memory_space<vmem>> -> memref<128x64xf32, #tpu.memory_space<vmem>>
    %dma_start3A_740 = arith.constant 0 : i32
    %dma_start3A_741 = tpu.memref_slice %arg6[%select_n3A, %mul3A_734, %dma_start3A_740] : memref<4x32768x64xf32, #tpu.memory_space<hbm>> -> memref<1x128x64xf32, #tpu.memory_space<hbm>>
    %dma_start3A_742 = tpu.memref_squeeze %dma_start3A_741 : memref<1x128x64xf32, #tpu.memory_space<hbm>> -> memref<128x64xf32, #tpu.memory_space<hbm>>
    %dma_start3A_743 = arith.constant 0 : i32
    %dma_start3A_744 = tpu.memref_slice %arg6[%select_n3A, %mul3A_734, %dma_start3A_743] : memref<4x32768x64xf32, #tpu.memory_space<hbm>> -> memref<1x128x64xf32, #tpu.memory_space<hbm>>
    %dma_start3A_745 = tpu.memref_squeeze %dma_start3A_744 : memref<1x128x64xf32, #tpu.memory_space<hbm>> -> memref<128x64xf32, #tpu.memory_space<hbm>>
    %dma_start3A_746 = arith.constant 0 : i32
    %dma_start3A_747 = arith.constant 0 : i32
    %dma_start3A_748 = tpu.memref_slice %arg12[%dma_start3A_735, %dma_start3A_746, %dma_start3A_747] : memref<2x128x64xf32, #tpu.memory_space<vmem>> -> memref<1x128x64xf32, #tpu.memory_space<vmem>>
    %dma_start3A_749 = tpu.memref_squeeze %dma_start3A_748 : memref<1x128x64xf32, #tpu.memory_space<vmem>> -> memref<128x64xf32, #tpu.memory_space<vmem>>
    tpu.enqueue_dma source(%dma_start3A_749 : memref<128x64xf32, #tpu.memory_space<vmem>>) target(%dma_start3A_745 : memref<128x64xf32, #tpu.memory_space<hbm>>) target_semaphore(%arg15 : memref<!tpu.dma_semaphore, #tpu.memory_space<semaphore_mem>>)
    %dma_wait3A_750 = arith.constant 0 : i32
    %dma_wait3A_751 = arith.constant 0 : i32
    %dma_wait3A_752 = arith.constant 0 : i32
    %dma_wait3A_753 = tpu.memref_slice %arg12[%dma_wait3A_750, %dma_wait3A_751, %dma_wait3A_752] : memref<2x128x64xf32, #tpu.memory_space<vmem>> -> memref<1x128x64xf32, #tpu.memory_space<vmem>>
    %dma_wait3A_754 = tpu.memref_squeeze %dma_wait3A_753 : memref<1x128x64xf32, #tpu.memory_space<vmem>> -> memref<128x64xf32, #tpu.memory_space<vmem>>
    %dma_wait3A_755 = arith.constant 0 : i32
    %dma_wait3A_756 = tpu.memref_slice %arg6[%select_n3A, %mul3A_734, %dma_wait3A_755] : memref<4x32768x64xf32, #tpu.memory_space<hbm>> -> memref<1x128x64xf32, #tpu.memory_space<hbm>>
    %dma_wait3A_757 = tpu.memref_squeeze %dma_wait3A_756 : memref<1x128x64xf32, #tpu.memory_space<hbm>> -> memref<128x64xf32, #tpu.memory_space<hbm>>
    %dma_wait3A_758 = arith.constant 0 : i32
    %dma_wait3A_759 = tpu.memref_slice %arg6[%select_n3A, %mul3A_734, %dma_wait3A_758] : memref<4x32768x64xf32, #tpu.memory_space<hbm>> -> memref<1x128x64xf32, #tpu.memory_space<hbm>>
    %dma_wait3A_760 = tpu.memref_squeeze %dma_wait3A_759 : memref<1x128x64xf32, #tpu.memory_space<hbm>> -> memref<128x64xf32, #tpu.memory_space<hbm>>
    %dma_wait3A_761 = arith.constant 0 : i32
    %dma_wait3A_762 = arith.constant 0 : i32
    %dma_wait3A_763 = tpu.memref_slice %arg12[%dma_wait3A_750, %dma_wait3A_761, %dma_wait3A_762] : memref<2x128x64xf32, #tpu.memory_space<vmem>> -> memref<1x128x64xf32, #tpu.memory_space<vmem>>
    %dma_wait3A_764 = tpu.memref_squeeze %dma_wait3A_763 : memref<1x128x64xf32, #tpu.memory_space<vmem>> -> memref<128x64xf32, #tpu.memory_space<vmem>>
    tpu.wait_dma2 semaphore(%arg15 : memref<!tpu.dma_semaphore, #tpu.memory_space<semaphore_mem>>) src(%dma_wait3A_764 : memref<128x64xf32, #tpu.memory_space<vmem>>) dst(%dma_wait3A_760 : memref<128x64xf32, #tpu.memory_space<hbm>>)
    %dma_start3A_765 = arith.constant 0 : i32
    %dma_start3A_766 = arith.constant 0 : i32
    %dma_start3A_767 = arith.constant 0 : i32
    %dma_start3A_768 = tpu.memref_slice %arg12[%dma_start3A_765, %dma_start3A_766, %dma_start3A_767] : memref<2x128x64xf32, #tpu.memory_space<vmem>> -> memref<1x128x64xf32, #tpu.memory_space<vmem>>
    %dma_start3A_769 = tpu.memref_squeeze %dma_start3A_768 : memref<1x128x64xf32, #tpu.memory_space<vmem>> -> memref<128x64xf32, #tpu.memory_space<vmem>>
    %dma_start3A_770 = arith.constant 1792 : i32
    %dma_start3A_771 = tpu.memref_slice %arg10[%dma_start3A_770] : memref<4096xi32, #tpu.memory_space<vmem>> -> memref<128xi32, #tpu.memory_space<vmem>>
    %dma_start3A_772 = arith.constant 0 : i32
    %dma_start3A_773 = arith.constant 0 : i32
    %dma_start3A_774 = tpu.memref_slice %arg4[%dma_start3A_772, %dma_start3A_773] : memref<16384x64xf32, #tpu.memory_space<hbm>> -> memref<16384x64xf32, #tpu.memory_space<hbm>>
    tpu.enqueue_indirect_dma source(%dma_start3A_774 : memref<16384x64xf32, #tpu.memory_space<hbm>>) target(%dma_start3A_769 : memref<128x64xf32, #tpu.memory_space<vmem>>) offsets(%dma_start3A_771 : memref<128xi32, #tpu.memory_space<vmem>>) semaphore(%arg13 : memref<!tpu.dma_semaphore, #tpu.memory_space<semaphore_mem>>)
    %dma_wait3A_775 = arith.constant 1 : i32
    %dma_wait3A_776 = arith.constant 0 : i32
    %dma_wait3A_777 = arith.constant 0 : i32
    %dma_wait3A_778 = tpu.memref_slice %arg12[%dma_wait3A_775, %dma_wait3A_776, %dma_wait3A_777] : memref<2x128x64xf32, #tpu.memory_space<vmem>> -> memref<1x128x64xf32, #tpu.memory_space<vmem>>
    %dma_wait3A_779 = tpu.memref_squeeze %dma_wait3A_778 : memref<1x128x64xf32, #tpu.memory_space<vmem>> -> memref<128x64xf32, #tpu.memory_space<vmem>>
    %dma_wait3A_780 = arith.constant 1664 : i32
    %dma_wait3A_781 = tpu.memref_slice %arg10[%dma_wait3A_780] : memref<4096xi32, #tpu.memory_space<vmem>> -> memref<128xi32, #tpu.memory_space<vmem>>
    %dma_wait3A_782 = arith.constant 0 : i32
    %dma_wait3A_783 = arith.constant 0 : i32
    %dma_wait3A_784 = tpu.memref_slice %arg4[%dma_wait3A_782, %dma_wait3A_783] : memref<16384x64xf32, #tpu.memory_space<hbm>> -> memref<16384x64xf32, #tpu.memory_space<hbm>>
    tpu.wait_indirect_dma semaphore(%arg14 : memref<!tpu.dma_semaphore, #tpu.memory_space<semaphore_mem>>) src(%dma_wait3A_784 : memref<16384x64xf32, #tpu.memory_space<hbm>>) dst(%dma_wait3A_779 : memref<128x64xf32, #tpu.memory_space<vmem>>)
    %add3A_785 = arith.constant 52 : i32
    %add3A_786 = arith.addi %mul3A_32, %add3A_785 : i32
    %mul3A_787 = arith.constant 32 : i32
    %mul3A_788 = arith.muli %add3A_786, %mul3A_787 : i32
    %dma_start3A_789 = arith.constant 1 : i32
    %dma_start3A_790 = arith.constant 0 : i32
    %dma_start3A_791 = arith.constant 0 : i32
    %dma_start3A_792 = tpu.memref_slice %arg12[%dma_start3A_789, %dma_start3A_790, %dma_start3A_791] : memref<2x128x64xf32, #tpu.memory_space<vmem>> -> memref<1x128x64xf32, #tpu.memory_space<vmem>>
    %dma_start3A_793 = tpu.memref_squeeze %dma_start3A_792 : memref<1x128x64xf32, #tpu.memory_space<vmem>> -> memref<128x64xf32, #tpu.memory_space<vmem>>
    %dma_start3A_794 = arith.constant 0 : i32
    %dma_start3A_795 = tpu.memref_slice %arg6[%select_n3A, %mul3A_788, %dma_start3A_794] : memref<4x32768x64xf32, #tpu.memory_space<hbm>> -> memref<1x128x64xf32, #tpu.memory_space<hbm>>
    %dma_start3A_796 = tpu.memref_squeeze %dma_start3A_795 : memref<1x128x64xf32, #tpu.memory_space<hbm>> -> memref<128x64xf32, #tpu.memory_space<hbm>>
    %dma_start3A_797 = arith.constant 0 : i32
    %dma_start3A_798 = tpu.memref_slice %arg6[%select_n3A, %mul3A_788, %dma_start3A_797] : memref<4x32768x64xf32, #tpu.memory_space<hbm>> -> memref<1x128x64xf32, #tpu.memory_space<hbm>>
    %dma_start3A_799 = tpu.memref_squeeze %dma_start3A_798 : memref<1x128x64xf32, #tpu.memory_space<hbm>> -> memref<128x64xf32, #tpu.memory_space<hbm>>
    %dma_start3A_800 = arith.constant 0 : i32
    %dma_start3A_801 = arith.constant 0 : i32
    %dma_start3A_802 = tpu.memref_slice %arg12[%dma_start3A_789, %dma_start3A_800, %dma_start3A_801] : memref<2x128x64xf32, #tpu.memory_space<vmem>> -> memref<1x128x64xf32, #tpu.memory_space<vmem>>
    %dma_start3A_803 = tpu.memref_squeeze %dma_start3A_802 : memref<1x128x64xf32, #tpu.memory_space<vmem>> -> memref<128x64xf32, #tpu.memory_space<vmem>>
    tpu.enqueue_dma source(%dma_start3A_803 : memref<128x64xf32, #tpu.memory_space<vmem>>) target(%dma_start3A_799 : memref<128x64xf32, #tpu.memory_space<hbm>>) target_semaphore(%arg16 : memref<!tpu.dma_semaphore, #tpu.memory_space<semaphore_mem>>)
    %dma_wait3A_804 = arith.constant 1 : i32
    %dma_wait3A_805 = arith.constant 0 : i32
    %dma_wait3A_806 = arith.constant 0 : i32
    %dma_wait3A_807 = tpu.memref_slice %arg12[%dma_wait3A_804, %dma_wait3A_805, %dma_wait3A_806] : memref<2x128x64xf32, #tpu.memory_space<vmem>> -> memref<1x128x64xf32, #tpu.memory_space<vmem>>
    %dma_wait3A_808 = tpu.memref_squeeze %dma_wait3A_807 : memref<1x128x64xf32, #tpu.memory_space<vmem>> -> memref<128x64xf32, #tpu.memory_space<vmem>>
    %dma_wait3A_809 = arith.constant 0 : i32
    %dma_wait3A_810 = tpu.memref_slice %arg6[%select_n3A, %mul3A_788, %dma_wait3A_809] : memref<4x32768x64xf32, #tpu.memory_space<hbm>> -> memref<1x128x64xf32, #tpu.memory_space<hbm>>
    %dma_wait3A_811 = tpu.memref_squeeze %dma_wait3A_810 : memref<1x128x64xf32, #tpu.memory_space<hbm>> -> memref<128x64xf32, #tpu.memory_space<hbm>>
    %dma_wait3A_812 = arith.constant 0 : i32
    %dma_wait3A_813 = tpu.memref_slice %arg6[%select_n3A, %mul3A_788, %dma_wait3A_812] : memref<4x32768x64xf32, #tpu.memory_space<hbm>> -> memref<1x128x64xf32, #tpu.memory_space<hbm>>
    %dma_wait3A_814 = tpu.memref_squeeze %dma_wait3A_813 : memref<1x128x64xf32, #tpu.memory_space<hbm>> -> memref<128x64xf32, #tpu.memory_space<hbm>>
    %dma_wait3A_815 = arith.constant 0 : i32
    %dma_wait3A_816 = arith.constant 0 : i32
    %dma_wait3A_817 = tpu.memref_slice %arg12[%dma_wait3A_804, %dma_wait3A_815, %dma_wait3A_816] : memref<2x128x64xf32, #tpu.memory_space<vmem>> -> memref<1x128x64xf32, #tpu.memory_space<vmem>>
    %dma_wait3A_818 = tpu.memref_squeeze %dma_wait3A_817 : memref<1x128x64xf32, #tpu.memory_space<vmem>> -> memref<128x64xf32, #tpu.memory_space<vmem>>
    tpu.wait_dma2 semaphore(%arg16 : memref<!tpu.dma_semaphore, #tpu.memory_space<semaphore_mem>>) src(%dma_wait3A_818 : memref<128x64xf32, #tpu.memory_space<vmem>>) dst(%dma_wait3A_814 : memref<128x64xf32, #tpu.memory_space<hbm>>)
    %dma_start3A_819 = arith.constant 1 : i32
    %dma_start3A_820 = arith.constant 0 : i32
    %dma_start3A_821 = arith.constant 0 : i32
    %dma_start3A_822 = tpu.memref_slice %arg12[%dma_start3A_819, %dma_start3A_820, %dma_start3A_821] : memref<2x128x64xf32, #tpu.memory_space<vmem>> -> memref<1x128x64xf32, #tpu.memory_space<vmem>>
    %dma_start3A_823 = tpu.memref_squeeze %dma_start3A_822 : memref<1x128x64xf32, #tpu.memory_space<vmem>> -> memref<128x64xf32, #tpu.memory_space<vmem>>
    %dma_start3A_824 = arith.constant 1920 : i32
    %dma_start3A_825 = tpu.memref_slice %arg10[%dma_start3A_824] : memref<4096xi32, #tpu.memory_space<vmem>> -> memref<128xi32, #tpu.memory_space<vmem>>
    %dma_start3A_826 = arith.constant 0 : i32
    %dma_start3A_827 = arith.constant 0 : i32
    %dma_start3A_828 = tpu.memref_slice %arg4[%dma_start3A_826, %dma_start3A_827] : memref<16384x64xf32, #tpu.memory_space<hbm>> -> memref<16384x64xf32, #tpu.memory_space<hbm>>
    tpu.enqueue_indirect_dma source(%dma_start3A_828 : memref<16384x64xf32, #tpu.memory_space<hbm>>) target(%dma_start3A_823 : memref<128x64xf32, #tpu.memory_space<vmem>>) offsets(%dma_start3A_825 : memref<128xi32, #tpu.memory_space<vmem>>) semaphore(%arg14 : memref<!tpu.dma_semaphore, #tpu.memory_space<semaphore_mem>>)
    %dma_wait3A_829 = arith.constant 0 : i32
    %dma_wait3A_830 = arith.constant 0 : i32
    %dma_wait3A_831 = arith.constant 0 : i32
    %dma_wait3A_832 = tpu.memref_slice %arg12[%dma_wait3A_829, %dma_wait3A_830, %dma_wait3A_831] : memref<2x128x64xf32, #tpu.memory_space<vmem>> -> memref<1x128x64xf32, #tpu.memory_space<vmem>>
    %dma_wait3A_833 = tpu.memref_squeeze %dma_wait3A_832 : memref<1x128x64xf32, #tpu.memory_space<vmem>> -> memref<128x64xf32, #tpu.memory_space<vmem>>
    %dma_wait3A_834 = arith.constant 1792 : i32
    %dma_wait3A_835 = tpu.memref_slice %arg10[%dma_wait3A_834] : memref<4096xi32, #tpu.memory_space<vmem>> -> memref<128xi32, #tpu.memory_space<vmem>>
    %dma_wait3A_836 = arith.constant 0 : i32
    %dma_wait3A_837 = arith.constant 0 : i32
    %dma_wait3A_838 = tpu.memref_slice %arg4[%dma_wait3A_836, %dma_wait3A_837] : memref<16384x64xf32, #tpu.memory_space<hbm>> -> memref<16384x64xf32, #tpu.memory_space<hbm>>
    tpu.wait_indirect_dma semaphore(%arg13 : memref<!tpu.dma_semaphore, #tpu.memory_space<semaphore_mem>>) src(%dma_wait3A_838 : memref<16384x64xf32, #tpu.memory_space<hbm>>) dst(%dma_wait3A_833 : memref<128x64xf32, #tpu.memory_space<vmem>>)
    %add3A_839 = arith.constant 56 : i32
    %add3A_840 = arith.addi %mul3A_32, %add3A_839 : i32
    %mul3A_841 = arith.constant 32 : i32
    %mul3A_842 = arith.muli %add3A_840, %mul3A_841 : i32
    %dma_start3A_843 = arith.constant 0 : i32
    %dma_start3A_844 = arith.constant 0 : i32
    %dma_start3A_845 = arith.constant 0 : i32
    %dma_start3A_846 = tpu.memref_slice %arg12[%dma_start3A_843, %dma_start3A_844, %dma_start3A_845] : memref<2x128x64xf32, #tpu.memory_space<vmem>> -> memref<1x128x64xf32, #tpu.memory_space<vmem>>
    %dma_start3A_847 = tpu.memref_squeeze %dma_start3A_846 : memref<1x128x64xf32, #tpu.memory_space<vmem>> -> memref<128x64xf32, #tpu.memory_space<vmem>>
    %dma_start3A_848 = arith.constant 0 : i32
    %dma_start3A_849 = tpu.memref_slice %arg6[%select_n3A, %mul3A_842, %dma_start3A_848] : memref<4x32768x64xf32, #tpu.memory_space<hbm>> -> memref<1x128x64xf32, #tpu.memory_space<hbm>>
    %dma_start3A_850 = tpu.memref_squeeze %dma_start3A_849 : memref<1x128x64xf32, #tpu.memory_space<hbm>> -> memref<128x64xf32, #tpu.memory_space<hbm>>
    %dma_start3A_851 = arith.constant 0 : i32
    %dma_start3A_852 = tpu.memref_slice %arg6[%select_n3A, %mul3A_842, %dma_start3A_851] : memref<4x32768x64xf32, #tpu.memory_space<hbm>> -> memref<1x128x64xf32, #tpu.memory_space<hbm>>
    %dma_start3A_853 = tpu.memref_squeeze %dma_start3A_852 : memref<1x128x64xf32, #tpu.memory_space<hbm>> -> memref<128x64xf32, #tpu.memory_space<hbm>>
    %dma_start3A_854 = arith.constant 0 : i32
    %dma_start3A_855 = arith.constant 0 : i32
    %dma_start3A_856 = tpu.memref_slice %arg12[%dma_start3A_843, %dma_start3A_854, %dma_start3A_855] : memref<2x128x64xf32, #tpu.memory_space<vmem>> -> memref<1x128x64xf32, #tpu.memory_space<vmem>>
    %dma_start3A_857 = tpu.memref_squeeze %dma_start3A_856 : memref<1x128x64xf32, #tpu.memory_space<vmem>> -> memref<128x64xf32, #tpu.memory_space<vmem>>
    tpu.enqueue_dma source(%dma_start3A_857 : memref<128x64xf32, #tpu.memory_space<vmem>>) target(%dma_start3A_853 : memref<128x64xf32, #tpu.memory_space<hbm>>) target_semaphore(%arg15 : memref<!tpu.dma_semaphore, #tpu.memory_space<semaphore_mem>>)
    %dma_wait3A_858 = arith.constant 0 : i32
    %dma_wait3A_859 = arith.constant 0 : i32
    %dma_wait3A_860 = arith.constant 0 : i32
    %dma_wait3A_861 = tpu.memref_slice %arg12[%dma_wait3A_858, %dma_wait3A_859, %dma_wait3A_860] : memref<2x128x64xf32, #tpu.memory_space<vmem>> -> memref<1x128x64xf32, #tpu.memory_space<vmem>>
    %dma_wait3A_862 = tpu.memref_squeeze %dma_wait3A_861 : memref<1x128x64xf32, #tpu.memory_space<vmem>> -> memref<128x64xf32, #tpu.memory_space<vmem>>
    %dma_wait3A_863 = arith.constant 0 : i32
    %dma_wait3A_864 = tpu.memref_slice %arg6[%select_n3A, %mul3A_842, %dma_wait3A_863] : memref<4x32768x64xf32, #tpu.memory_space<hbm>> -> memref<1x128x64xf32, #tpu.memory_space<hbm>>
    %dma_wait3A_865 = tpu.memref_squeeze %dma_wait3A_864 : memref<1x128x64xf32, #tpu.memory_space<hbm>> -> memref<128x64xf32, #tpu.memory_space<hbm>>
    %dma_wait3A_866 = arith.constant 0 : i32
    %dma_wait3A_867 = tpu.memref_slice %arg6[%select_n3A, %mul3A_842, %dma_wait3A_866] : memref<4x32768x64xf32, #tpu.memory_space<hbm>> -> memref<1x128x64xf32, #tpu.memory_space<hbm>>
    %dma_wait3A_868 = tpu.memref_squeeze %dma_wait3A_867 : memref<1x128x64xf32, #tpu.memory_space<hbm>> -> memref<128x64xf32, #tpu.memory_space<hbm>>
    %dma_wait3A_869 = arith.constant 0 : i32
    %dma_wait3A_870 = arith.constant 0 : i32
    %dma_wait3A_871 = tpu.memref_slice %arg12[%dma_wait3A_858, %dma_wait3A_869, %dma_wait3A_870] : memref<2x128x64xf32, #tpu.memory_space<vmem>> -> memref<1x128x64xf32, #tpu.memory_space<vmem>>
    %dma_wait3A_872 = tpu.memref_squeeze %dma_wait3A_871 : memref<1x128x64xf32, #tpu.memory_space<vmem>> -> memref<128x64xf32, #tpu.memory_space<vmem>>
    tpu.wait_dma2 semaphore(%arg15 : memref<!tpu.dma_semaphore, #tpu.memory_space<semaphore_mem>>) src(%dma_wait3A_872 : memref<128x64xf32, #tpu.memory_space<vmem>>) dst(%dma_wait3A_868 : memref<128x64xf32, #tpu.memory_space<hbm>>)
    %dma_start3A_873 = arith.constant 0 : i32
    %dma_start3A_874 = arith.constant 0 : i32
    %dma_start3A_875 = arith.constant 0 : i32
    %dma_start3A_876 = tpu.memref_slice %arg12[%dma_start3A_873, %dma_start3A_874, %dma_start3A_875] : memref<2x128x64xf32, #tpu.memory_space<vmem>> -> memref<1x128x64xf32, #tpu.memory_space<vmem>>
    %dma_start3A_877 = tpu.memref_squeeze %dma_start3A_876 : memref<1x128x64xf32, #tpu.memory_space<vmem>> -> memref<128x64xf32, #tpu.memory_space<vmem>>
    %dma_start3A_878 = arith.constant 2048 : i32
    %dma_start3A_879 = tpu.memref_slice %arg10[%dma_start3A_878] : memref<4096xi32, #tpu.memory_space<vmem>> -> memref<128xi32, #tpu.memory_space<vmem>>
    %dma_start3A_880 = arith.constant 0 : i32
    %dma_start3A_881 = arith.constant 0 : i32
    %dma_start3A_882 = tpu.memref_slice %arg4[%dma_start3A_880, %dma_start3A_881] : memref<16384x64xf32, #tpu.memory_space<hbm>> -> memref<16384x64xf32, #tpu.memory_space<hbm>>
    tpu.enqueue_indirect_dma source(%dma_start3A_882 : memref<16384x64xf32, #tpu.memory_space<hbm>>) target(%dma_start3A_877 : memref<128x64xf32, #tpu.memory_space<vmem>>) offsets(%dma_start3A_879 : memref<128xi32, #tpu.memory_space<vmem>>) semaphore(%arg13 : memref<!tpu.dma_semaphore, #tpu.memory_space<semaphore_mem>>)
    %dma_wait3A_883 = arith.constant 1 : i32
    %dma_wait3A_884 = arith.constant 0 : i32
    %dma_wait3A_885 = arith.constant 0 : i32
    %dma_wait3A_886 = tpu.memref_slice %arg12[%dma_wait3A_883, %dma_wait3A_884, %dma_wait3A_885] : memref<2x128x64xf32, #tpu.memory_space<vmem>> -> memref<1x128x64xf32, #tpu.memory_space<vmem>>
    %dma_wait3A_887 = tpu.memref_squeeze %dma_wait3A_886 : memref<1x128x64xf32, #tpu.memory_space<vmem>> -> memref<128x64xf32, #tpu.memory_space<vmem>>
    %dma_wait3A_888 = arith.constant 1920 : i32
    %dma_wait3A_889 = tpu.memref_slice %arg10[%dma_wait3A_888] : memref<4096xi32, #tpu.memory_space<vmem>> -> memref<128xi32, #tpu.memory_space<vmem>>
    %dma_wait3A_890 = arith.constant 0 : i32
    %dma_wait3A_891 = arith.constant 0 : i32
    %dma_wait3A_892 = tpu.memref_slice %arg4[%dma_wait3A_890, %dma_wait3A_891] : memref<16384x64xf32, #tpu.memory_space<hbm>> -> memref<16384x64xf32, #tpu.memory_space<hbm>>
    tpu.wait_indirect_dma semaphore(%arg14 : memref<!tpu.dma_semaphore, #tpu.memory_space<semaphore_mem>>) src(%dma_wait3A_892 : memref<16384x64xf32, #tpu.memory_space<hbm>>) dst(%dma_wait3A_887 : memref<128x64xf32, #tpu.memory_space<vmem>>)
    %add3A_893 = arith.constant 60 : i32
    %add3A_894 = arith.addi %mul3A_32, %add3A_893 : i32
    %mul3A_895 = arith.constant 32 : i32
    %mul3A_896 = arith.muli %add3A_894, %mul3A_895 : i32
    %dma_start3A_897 = arith.constant 1 : i32
    %dma_start3A_898 = arith.constant 0 : i32
    %dma_start3A_899 = arith.constant 0 : i32
    %dma_start3A_900 = tpu.memref_slice %arg12[%dma_start3A_897, %dma_start3A_898, %dma_start3A_899] : memref<2x128x64xf32, #tpu.memory_space<vmem>> -> memref<1x128x64xf32, #tpu.memory_space<vmem>>
    %dma_start3A_901 = tpu.memref_squeeze %dma_start3A_900 : memref<1x128x64xf32, #tpu.memory_space<vmem>> -> memref<128x64xf32, #tpu.memory_space<vmem>>
    %dma_start3A_902 = arith.constant 0 : i32
    %dma_start3A_903 = tpu.memref_slice %arg6[%select_n3A, %mul3A_896, %dma_start3A_902] : memref<4x32768x64xf32, #tpu.memory_space<hbm>> -> memref<1x128x64xf32, #tpu.memory_space<hbm>>
    %dma_start3A_904 = tpu.memref_squeeze %dma_start3A_903 : memref<1x128x64xf32, #tpu.memory_space<hbm>> -> memref<128x64xf32, #tpu.memory_space<hbm>>
    %dma_start3A_905 = arith.constant 0 : i32
    %dma_start3A_906 = tpu.memref_slice %arg6[%select_n3A, %mul3A_896, %dma_start3A_905] : memref<4x32768x64xf32, #tpu.memory_space<hbm>> -> memref<1x128x64xf32, #tpu.memory_space<hbm>>
    %dma_start3A_907 = tpu.memref_squeeze %dma_start3A_906 : memref<1x128x64xf32, #tpu.memory_space<hbm>> -> memref<128x64xf32, #tpu.memory_space<hbm>>
    %dma_start3A_908 = arith.constant 0 : i32
    %dma_start3A_909 = arith.constant 0 : i32
    %dma_start3A_910 = tpu.memref_slice %arg12[%dma_start3A_897, %dma_start3A_908, %dma_start3A_909] : memref<2x128x64xf32, #tpu.memory_space<vmem>> -> memref<1x128x64xf32, #tpu.memory_space<vmem>>
    %dma_start3A_911 = tpu.memref_squeeze %dma_start3A_910 : memref<1x128x64xf32, #tpu.memory_space<vmem>> -> memref<128x64xf32, #tpu.memory_space<vmem>>
    tpu.enqueue_dma source(%dma_start3A_911 : memref<128x64xf32, #tpu.memory_space<vmem>>) target(%dma_start3A_907 : memref<128x64xf32, #tpu.memory_space<hbm>>) target_semaphore(%arg16 : memref<!tpu.dma_semaphore, #tpu.memory_space<semaphore_mem>>)
    %dma_wait3A_912 = arith.constant 1 : i32
    %dma_wait3A_913 = arith.constant 0 : i32
    %dma_wait3A_914 = arith.constant 0 : i32
    %dma_wait3A_915 = tpu.memref_slice %arg12[%dma_wait3A_912, %dma_wait3A_913, %dma_wait3A_914] : memref<2x128x64xf32, #tpu.memory_space<vmem>> -> memref<1x128x64xf32, #tpu.memory_space<vmem>>
    %dma_wait3A_916 = tpu.memref_squeeze %dma_wait3A_915 : memref<1x128x64xf32, #tpu.memory_space<vmem>> -> memref<128x64xf32, #tpu.memory_space<vmem>>
    %dma_wait3A_917 = arith.constant 0 : i32
    %dma_wait3A_918 = tpu.memref_slice %arg6[%select_n3A, %mul3A_896, %dma_wait3A_917] : memref<4x32768x64xf32, #tpu.memory_space<hbm>> -> memref<1x128x64xf32, #tpu.memory_space<hbm>>
    %dma_wait3A_919 = tpu.memref_squeeze %dma_wait3A_918 : memref<1x128x64xf32, #tpu.memory_space<hbm>> -> memref<128x64xf32, #tpu.memory_space<hbm>>
    %dma_wait3A_920 = arith.constant 0 : i32
    %dma_wait3A_921 = tpu.memref_slice %arg6[%select_n3A, %mul3A_896, %dma_wait3A_920] : memref<4x32768x64xf32, #tpu.memory_space<hbm>> -> memref<1x128x64xf32, #tpu.memory_space<hbm>>
    %dma_wait3A_922 = tpu.memref_squeeze %dma_wait3A_921 : memref<1x128x64xf32, #tpu.memory_space<hbm>> -> memref<128x64xf32, #tpu.memory_space<hbm>>
    %dma_wait3A_923 = arith.constant 0 : i32
    %dma_wait3A_924 = arith.constant 0 : i32
    %dma_wait3A_925 = tpu.memref_slice %arg12[%dma_wait3A_912, %dma_wait3A_923, %dma_wait3A_924] : memref<2x128x64xf32, #tpu.memory_space<vmem>> -> memref<1x128x64xf32, #tpu.memory_space<vmem>>
    %dma_wait3A_926 = tpu.memref_squeeze %dma_wait3A_925 : memref<1x128x64xf32, #tpu.memory_space<vmem>> -> memref<128x64xf32, #tpu.memory_space<vmem>>
    tpu.wait_dma2 semaphore(%arg16 : memref<!tpu.dma_semaphore, #tpu.memory_space<semaphore_mem>>) src(%dma_wait3A_926 : memref<128x64xf32, #tpu.memory_space<vmem>>) dst(%dma_wait3A_922 : memref<128x64xf32, #tpu.memory_space<hbm>>)
    %dma_start3A_927 = arith.constant 1 : i32
    %dma_start3A_928 = arith.constant 0 : i32
    %dma_start3A_929 = arith.constant 0 : i32
    %dma_start3A_930 = tpu.memref_slice %arg12[%dma_start3A_927, %dma_start3A_928, %dma_start3A_929] : memref<2x128x64xf32, #tpu.memory_space<vmem>> -> memref<1x128x64xf32, #tpu.memory_space<vmem>>
    %dma_start3A_931 = tpu.memref_squeeze %dma_start3A_930 : memref<1x128x64xf32, #tpu.memory_space<vmem>> -> memref<128x64xf32, #tpu.memory_space<vmem>>
    %dma_start3A_932 = arith.constant 2176 : i32
    %dma_start3A_933 = tpu.memref_slice %arg10[%dma_start3A_932] : memref<4096xi32, #tpu.memory_space<vmem>> -> memref<128xi32, #tpu.memory_space<vmem>>
    %dma_start3A_934 = arith.constant 0 : i32
    %dma_start3A_935 = arith.constant 0 : i32
    %dma_start3A_936 = tpu.memref_slice %arg4[%dma_start3A_934, %dma_start3A_935] : memref<16384x64xf32, #tpu.memory_space<hbm>> -> memref<16384x64xf32, #tpu.memory_space<hbm>>
    tpu.enqueue_indirect_dma source(%dma_start3A_936 : memref<16384x64xf32, #tpu.memory_space<hbm>>) target(%dma_start3A_931 : memref<128x64xf32, #tpu.memory_space<vmem>>) offsets(%dma_start3A_933 : memref<128xi32, #tpu.memory_space<vmem>>) semaphore(%arg14 : memref<!tpu.dma_semaphore, #tpu.memory_space<semaphore_mem>>)
    %dma_wait3A_937 = arith.constant 0 : i32
    %dma_wait3A_938 = arith.constant 0 : i32
    %dma_wait3A_939 = arith.constant 0 : i32
    %dma_wait3A_940 = tpu.memref_slice %arg12[%dma_wait3A_937, %dma_wait3A_938, %dma_wait3A_939] : memref<2x128x64xf32, #tpu.memory_space<vmem>> -> memref<1x128x64xf32, #tpu.memory_space<vmem>>
    %dma_wait3A_941 = tpu.memref_squeeze %dma_wait3A_940 : memref<1x128x64xf32, #tpu.memory_space<vmem>> -> memref<128x64xf32, #tpu.memory_space<vmem>>
    %dma_wait3A_942 = arith.constant 2048 : i32
    %dma_wait3A_943 = tpu.memref_slice %arg10[%dma_wait3A_942] : memref<4096xi32, #tpu.memory_space<vmem>> -> memref<128xi32, #tpu.memory_space<vmem>>
    %dma_wait3A_944 = arith.constant 0 : i32
    %dma_wait3A_945 = arith.constant 0 : i32
    %dma_wait3A_946 = tpu.memref_slice %arg4[%dma_wait3A_944, %dma_wait3A_945] : memref<16384x64xf32, #tpu.memory_space<hbm>> -> memref<16384x64xf32, #tpu.memory_space<hbm>>
    tpu.wait_indirect_dma semaphore(%arg13 : memref<!tpu.dma_semaphore, #tpu.memory_space<semaphore_mem>>) src(%dma_wait3A_946 : memref<16384x64xf32, #tpu.memory_space<hbm>>) dst(%dma_wait3A_941 : memref<128x64xf32, #tpu.memory_space<vmem>>)
    %add3A_947 = arith.constant 64 : i32
    %add3A_948 = arith.addi %mul3A_32, %add3A_947 : i32
    %mul3A_949 = arith.constant 32 : i32
    %mul3A_950 = arith.muli %add3A_948, %mul3A_949 : i32
    %dma_start3A_951 = arith.constant 0 : i32
    %dma_start3A_952 = arith.constant 0 : i32
    %dma_start3A_953 = arith.constant 0 : i32
    %dma_start3A_954 = tpu.memref_slice %arg12[%dma_start3A_951, %dma_start3A_952, %dma_start3A_953] : memref<2x128x64xf32, #tpu.memory_space<vmem>> -> memref<1x128x64xf32, #tpu.memory_space<vmem>>
    %dma_start3A_955 = tpu.memref_squeeze %dma_start3A_954 : memref<1x128x64xf32, #tpu.memory_space<vmem>> -> memref<128x64xf32, #tpu.memory_space<vmem>>
    %dma_start3A_956 = arith.constant 0 : i32
    %dma_start3A_957 = tpu.memref_slice %arg6[%select_n3A, %mul3A_950, %dma_start3A_956] : memref<4x32768x64xf32, #tpu.memory_space<hbm>> -> memref<1x128x64xf32, #tpu.memory_space<hbm>>
    %dma_start3A_958 = tpu.memref_squeeze %dma_start3A_957 : memref<1x128x64xf32, #tpu.memory_space<hbm>> -> memref<128x64xf32, #tpu.memory_space<hbm>>
    %dma_start3A_959 = arith.constant 0 : i32
    %dma_start3A_960 = tpu.memref_slice %arg6[%select_n3A, %mul3A_950, %dma_start3A_959] : memref<4x32768x64xf32, #tpu.memory_space<hbm>> -> memref<1x128x64xf32, #tpu.memory_space<hbm>>
    %dma_start3A_961 = tpu.memref_squeeze %dma_start3A_960 : memref<1x128x64xf32, #tpu.memory_space<hbm>> -> memref<128x64xf32, #tpu.memory_space<hbm>>
    %dma_start3A_962 = arith.constant 0 : i32
    %dma_start3A_963 = arith.constant 0 : i32
    %dma_start3A_964 = tpu.memref_slice %arg12[%dma_start3A_951, %dma_start3A_962, %dma_start3A_963] : memref<2x128x64xf32, #tpu.memory_space<vmem>> -> memref<1x128x64xf32, #tpu.memory_space<vmem>>
    %dma_start3A_965 = tpu.memref_squeeze %dma_start3A_964 : memref<1x128x64xf32, #tpu.memory_space<vmem>> -> memref<128x64xf32, #tpu.memory_space<vmem>>
    tpu.enqueue_dma source(%dma_start3A_965 : memref<128x64xf32, #tpu.memory_space<vmem>>) target(%dma_start3A_961 : memref<128x64xf32, #tpu.memory_space<hbm>>) target_semaphore(%arg15 : memref<!tpu.dma_semaphore, #tpu.memory_space<semaphore_mem>>)
    %dma_wait3A_966 = arith.constant 0 : i32
    %dma_wait3A_967 = arith.constant 0 : i32
    %dma_wait3A_968 = arith.constant 0 : i32
    %dma_wait3A_969 = tpu.memref_slice %arg12[%dma_wait3A_966, %dma_wait3A_967, %dma_wait3A_968] : memref<2x128x64xf32, #tpu.memory_space<vmem>> -> memref<1x128x64xf32, #tpu.memory_space<vmem>>
    %dma_wait3A_970 = tpu.memref_squeeze %dma_wait3A_969 : memref<1x128x64xf32, #tpu.memory_space<vmem>> -> memref<128x64xf32, #tpu.memory_space<vmem>>
    %dma_wait3A_971 = arith.constant 0 : i32
    %dma_wait3A_972 = tpu.memref_slice %arg6[%select_n3A, %mul3A_950, %dma_wait3A_971] : memref<4x32768x64xf32, #tpu.memory_space<hbm>> -> memref<1x128x64xf32, #tpu.memory_space<hbm>>
    %dma_wait3A_973 = tpu.memref_squeeze %dma_wait3A_972 : memref<1x128x64xf32, #tpu.memory_space<hbm>> -> memref<128x64xf32, #tpu.memory_space<hbm>>
    %dma_wait3A_974 = arith.constant 0 : i32
    %dma_wait3A_975 = tpu.memref_slice %arg6[%select_n3A, %mul3A_950, %dma_wait3A_974] : memref<4x32768x64xf32, #tpu.memory_space<hbm>> -> memref<1x128x64xf32, #tpu.memory_space<hbm>>
    %dma_wait3A_976 = tpu.memref_squeeze %dma_wait3A_975 : memref<1x128x64xf32, #tpu.memory_space<hbm>> -> memref<128x64xf32, #tpu.memory_space<hbm>>
    %dma_wait3A_977 = arith.constant 0 : i32
    %dma_wait3A_978 = arith.constant 0 : i32
    %dma_wait3A_979 = tpu.memref_slice %arg12[%dma_wait3A_966, %dma_wait3A_977, %dma_wait3A_978] : memref<2x128x64xf32, #tpu.memory_space<vmem>> -> memref<1x128x64xf32, #tpu.memory_space<vmem>>
    %dma_wait3A_980 = tpu.memref_squeeze %dma_wait3A_979 : memref<1x128x64xf32, #tpu.memory_space<vmem>> -> memref<128x64xf32, #tpu.memory_space<vmem>>
    tpu.wait_dma2 semaphore(%arg15 : memref<!tpu.dma_semaphore, #tpu.memory_space<semaphore_mem>>) src(%dma_wait3A_980 : memref<128x64xf32, #tpu.memory_space<vmem>>) dst(%dma_wait3A_976 : memref<128x64xf32, #tpu.memory_space<hbm>>)
    %dma_start3A_981 = arith.constant 0 : i32
    %dma_start3A_982 = arith.constant 0 : i32
    %dma_start3A_983 = arith.constant 0 : i32
    %dma_start3A_984 = tpu.memref_slice %arg12[%dma_start3A_981, %dma_start3A_982, %dma_start3A_983] : memref<2x128x64xf32, #tpu.memory_space<vmem>> -> memref<1x128x64xf32, #tpu.memory_space<vmem>>
    %dma_start3A_985 = tpu.memref_squeeze %dma_start3A_984 : memref<1x128x64xf32, #tpu.memory_space<vmem>> -> memref<128x64xf32, #tpu.memory_space<vmem>>
    %dma_start3A_986 = arith.constant 2304 : i32
    %dma_start3A_987 = tpu.memref_slice %arg10[%dma_start3A_986] : memref<4096xi32, #tpu.memory_space<vmem>> -> memref<128xi32, #tpu.memory_space<vmem>>
    %dma_start3A_988 = arith.constant 0 : i32
    %dma_start3A_989 = arith.constant 0 : i32
    %dma_start3A_990 = tpu.memref_slice %arg4[%dma_start3A_988, %dma_start3A_989] : memref<16384x64xf32, #tpu.memory_space<hbm>> -> memref<16384x64xf32, #tpu.memory_space<hbm>>
    tpu.enqueue_indirect_dma source(%dma_start3A_990 : memref<16384x64xf32, #tpu.memory_space<hbm>>) target(%dma_start3A_985 : memref<128x64xf32, #tpu.memory_space<vmem>>) offsets(%dma_start3A_987 : memref<128xi32, #tpu.memory_space<vmem>>) semaphore(%arg13 : memref<!tpu.dma_semaphore, #tpu.memory_space<semaphore_mem>>)
    %dma_wait3A_991 = arith.constant 1 : i32
    %dma_wait3A_992 = arith.constant 0 : i32
    %dma_wait3A_993 = arith.constant 0 : i32
    %dma_wait3A_994 = tpu.memref_slice %arg12[%dma_wait3A_991, %dma_wait3A_992, %dma_wait3A_993] : memref<2x128x64xf32, #tpu.memory_space<vmem>> -> memref<1x128x64xf32, #tpu.memory_space<vmem>>
    %dma_wait3A_995 = tpu.memref_squeeze %dma_wait3A_994 : memref<1x128x64xf32, #tpu.memory_space<vmem>> -> memref<128x64xf32, #tpu.memory_space<vmem>>
    %dma_wait3A_996 = arith.constant 2176 : i32
    %dma_wait3A_997 = tpu.memref_slice %arg10[%dma_wait3A_996] : memref<4096xi32, #tpu.memory_space<vmem>> -> memref<128xi32, #tpu.memory_space<vmem>>
    %dma_wait3A_998 = arith.constant 0 : i32
    %dma_wait3A_999 = arith.constant 0 : i32
    %dma_wait3A_1000 = tpu.memref_slice %arg4[%dma_wait3A_998, %dma_wait3A_999] : memref<16384x64xf32, #tpu.memory_space<hbm>> -> memref<16384x64xf32, #tpu.memory_space<hbm>>
    tpu.wait_indirect_dma semaphore(%arg14 : memref<!tpu.dma_semaphore, #tpu.memory_space<semaphore_mem>>) src(%dma_wait3A_1000 : memref<16384x64xf32, #tpu.memory_space<hbm>>) dst(%dma_wait3A_995 : memref<128x64xf32, #tpu.memory_space<vmem>>)
    %add3A_1001 = arith.constant 68 : i32
    %add3A_1002 = arith.addi %mul3A_32, %add3A_1001 : i32
    %mul3A_1003 = arith.constant 32 : i32
    %mul3A_1004 = arith.muli %add3A_1002, %mul3A_1003 : i32
    %dma_start3A_1005 = arith.constant 1 : i32
    %dma_start3A_1006 = arith.constant 0 : i32
    %dma_start3A_1007 = arith.constant 0 : i32
    %dma_start3A_1008 = tpu.memref_slice %arg12[%dma_start3A_1005, %dma_start3A_1006, %dma_start3A_1007] : memref<2x128x64xf32, #tpu.memory_space<vmem>> -> memref<1x128x64xf32, #tpu.memory_space<vmem>>
    %dma_start3A_1009 = tpu.memref_squeeze %dma_start3A_1008 : memref<1x128x64xf32, #tpu.memory_space<vmem>> -> memref<128x64xf32, #tpu.memory_space<vmem>>
    %dma_start3A_1010 = arith.constant 0 : i32
    %dma_start3A_1011 = tpu.memref_slice %arg6[%select_n3A, %mul3A_1004, %dma_start3A_1010] : memref<4x32768x64xf32, #tpu.memory_space<hbm>> -> memref<1x128x64xf32, #tpu.memory_space<hbm>>
    %dma_start3A_1012 = tpu.memref_squeeze %dma_start3A_1011 : memref<1x128x64xf32, #tpu.memory_space<hbm>> -> memref<128x64xf32, #tpu.memory_space<hbm>>
    %dma_start3A_1013 = arith.constant 0 : i32
    %dma_start3A_1014 = tpu.memref_slice %arg6[%select_n3A, %mul3A_1004, %dma_start3A_1013] : memref<4x32768x64xf32, #tpu.memory_space<hbm>> -> memref<1x128x64xf32, #tpu.memory_space<hbm>>
    %dma_start3A_1015 = tpu.memref_squeeze %dma_start3A_1014 : memref<1x128x64xf32, #tpu.memory_space<hbm>> -> memref<128x64xf32, #tpu.memory_space<hbm>>
    %dma_start3A_1016 = arith.constant 0 : i32
    %dma_start3A_1017 = arith.constant 0 : i32
    %dma_start3A_1018 = tpu.memref_slice %arg12[%dma_start3A_1005, %dma_start3A_1016, %dma_start3A_1017] : memref<2x128x64xf32, #tpu.memory_space<vmem>> -> memref<1x128x64xf32, #tpu.memory_space<vmem>>
    %dma_start3A_1019 = tpu.memref_squeeze %dma_start3A_1018 : memref<1x128x64xf32, #tpu.memory_space<vmem>> -> memref<128x64xf32, #tpu.memory_space<vmem>>
    tpu.enqueue_dma source(%dma_start3A_1019 : memref<128x64xf32, #tpu.memory_space<vmem>>) target(%dma_start3A_1015 : memref<128x64xf32, #tpu.memory_space<hbm>>) target_semaphore(%arg16 : memref<!tpu.dma_semaphore, #tpu.memory_space<semaphore_mem>>)
    %dma_wait3A_1020 = arith.constant 1 : i32
    %dma_wait3A_1021 = arith.constant 0 : i32
    %dma_wait3A_1022 = arith.constant 0 : i32
    %dma_wait3A_1023 = tpu.memref_slice %arg12[%dma_wait3A_1020, %dma_wait3A_1021, %dma_wait3A_1022] : memref<2x128x64xf32, #tpu.memory_space<vmem>> -> memref<1x128x64xf32, #tpu.memory_space<vmem>>
    %dma_wait3A_1024 = tpu.memref_squeeze %dma_wait3A_1023 : memref<1x128x64xf32, #tpu.memory_space<vmem>> -> memref<128x64xf32, #tpu.memory_space<vmem>>
    %dma_wait3A_1025 = arith.constant 0 : i32
    %dma_wait3A_1026 = tpu.memref_slice %arg6[%select_n3A, %mul3A_1004, %dma_wait3A_1025] : memref<4x32768x64xf32, #tpu.memory_space<hbm>> -> memref<1x128x64xf32, #tpu.memory_space<hbm>>
    %dma_wait3A_1027 = tpu.memref_squeeze %dma_wait3A_1026 : memref<1x128x64xf32, #tpu.memory_space<hbm>> -> memref<128x64xf32, #tpu.memory_space<hbm>>
    %dma_wait3A_1028 = arith.constant 0 : i32
    %dma_wait3A_1029 = tpu.memref_slice %arg6[%select_n3A, %mul3A_1004, %dma_wait3A_1028] : memref<4x32768x64xf32, #tpu.memory_space<hbm>> -> memref<1x128x64xf32, #tpu.memory_space<hbm>>
    %dma_wait3A_1030 = tpu.memref_squeeze %dma_wait3A_1029 : memref<1x128x64xf32, #tpu.memory_space<hbm>> -> memref<128x64xf32, #tpu.memory_space<hbm>>
    %dma_wait3A_1031 = arith.constant 0 : i32
    %dma_wait3A_1032 = arith.constant 0 : i32
    %dma_wait3A_1033 = tpu.memref_slice %arg12[%dma_wait3A_1020, %dma_wait3A_1031, %dma_wait3A_1032] : memref<2x128x64xf32, #tpu.memory_space<vmem>> -> memref<1x128x64xf32, #tpu.memory_space<vmem>>
    %dma_wait3A_1034 = tpu.memref_squeeze %dma_wait3A_1033 : memref<1x128x64xf32, #tpu.memory_space<vmem>> -> memref<128x64xf32, #tpu.memory_space<vmem>>
    tpu.wait_dma2 semaphore(%arg16 : memref<!tpu.dma_semaphore, #tpu.memory_space<semaphore_mem>>) src(%dma_wait3A_1034 : memref<128x64xf32, #tpu.memory_space<vmem>>) dst(%dma_wait3A_1030 : memref<128x64xf32, #tpu.memory_space<hbm>>)
    %dma_start3A_1035 = arith.constant 1 : i32
    %dma_start3A_1036 = arith.constant 0 : i32
    %dma_start3A_1037 = arith.constant 0 : i32
    %dma_start3A_1038 = tpu.memref_slice %arg12[%dma_start3A_1035, %dma_start3A_1036, %dma_start3A_1037] : memref<2x128x64xf32, #tpu.memory_space<vmem>> -> memref<1x128x64xf32, #tpu.memory_space<vmem>>
    %dma_start3A_1039 = tpu.memref_squeeze %dma_start3A_1038 : memref<1x128x64xf32, #tpu.memory_space<vmem>> -> memref<128x64xf32, #tpu.memory_space<vmem>>
    %dma_start3A_1040 = arith.constant 2432 : i32
    %dma_start3A_1041 = tpu.memref_slice %arg10[%dma_start3A_1040] : memref<4096xi32, #tpu.memory_space<vmem>> -> memref<128xi32, #tpu.memory_space<vmem>>
    %dma_start3A_1042 = arith.constant 0 : i32
    %dma_start3A_1043 = arith.constant 0 : i32
    %dma_start3A_1044 = tpu.memref_slice %arg4[%dma_start3A_1042, %dma_start3A_1043] : memref<16384x64xf32, #tpu.memory_space<hbm>> -> memref<16384x64xf32, #tpu.memory_space<hbm>>
    tpu.enqueue_indirect_dma source(%dma_start3A_1044 : memref<16384x64xf32, #tpu.memory_space<hbm>>) target(%dma_start3A_1039 : memref<128x64xf32, #tpu.memory_space<vmem>>) offsets(%dma_start3A_1041 : memref<128xi32, #tpu.memory_space<vmem>>) semaphore(%arg14 : memref<!tpu.dma_semaphore, #tpu.memory_space<semaphore_mem>>)
    %dma_wait3A_1045 = arith.constant 0 : i32
    %dma_wait3A_1046 = arith.constant 0 : i32
    %dma_wait3A_1047 = arith.constant 0 : i32
    %dma_wait3A_1048 = tpu.memref_slice %arg12[%dma_wait3A_1045, %dma_wait3A_1046, %dma_wait3A_1047] : memref<2x128x64xf32, #tpu.memory_space<vmem>> -> memref<1x128x64xf32, #tpu.memory_space<vmem>>
    %dma_wait3A_1049 = tpu.memref_squeeze %dma_wait3A_1048 : memref<1x128x64xf32, #tpu.memory_space<vmem>> -> memref<128x64xf32, #tpu.memory_space<vmem>>
    %dma_wait3A_1050 = arith.constant 2304 : i32
    %dma_wait3A_1051 = tpu.memref_slice %arg10[%dma_wait3A_1050] : memref<4096xi32, #tpu.memory_space<vmem>> -> memref<128xi32, #tpu.memory_space<vmem>>
    %dma_wait3A_1052 = arith.constant 0 : i32
    %dma_wait3A_1053 = arith.constant 0 : i32
    %dma_wait3A_1054 = tpu.memref_slice %arg4[%dma_wait3A_1052, %dma_wait3A_1053] : memref<16384x64xf32, #tpu.memory_space<hbm>> -> memref<16384x64xf32, #tpu.memory_space<hbm>>
    tpu.wait_indirect_dma semaphore(%arg13 : memref<!tpu.dma_semaphore, #tpu.memory_space<semaphore_mem>>) src(%dma_wait3A_1054 : memref<16384x64xf32, #tpu.memory_space<hbm>>) dst(%dma_wait3A_1049 : memref<128x64xf32, #tpu.memory_space<vmem>>)
    %add3A_1055 = arith.constant 72 : i32
    %add3A_1056 = arith.addi %mul3A_32, %add3A_1055 : i32
    %mul3A_1057 = arith.constant 32 : i32
    %mul3A_1058 = arith.muli %add3A_1056, %mul3A_1057 : i32
    %dma_start3A_1059 = arith.constant 0 : i32
    %dma_start3A_1060 = arith.constant 0 : i32
    %dma_start3A_1061 = arith.constant 0 : i32
    %dma_start3A_1062 = tpu.memref_slice %arg12[%dma_start3A_1059, %dma_start3A_1060, %dma_start3A_1061] : memref<2x128x64xf32, #tpu.memory_space<vmem>> -> memref<1x128x64xf32, #tpu.memory_space<vmem>>
    %dma_start3A_1063 = tpu.memref_squeeze %dma_start3A_1062 : memref<1x128x64xf32, #tpu.memory_space<vmem>> -> memref<128x64xf32, #tpu.memory_space<vmem>>
    %dma_start3A_1064 = arith.constant 0 : i32
    %dma_start3A_1065 = tpu.memref_slice %arg6[%select_n3A, %mul3A_1058, %dma_start3A_1064] : memref<4x32768x64xf32, #tpu.memory_space<hbm>> -> memref<1x128x64xf32, #tpu.memory_space<hbm>>
    %dma_start3A_1066 = tpu.memref_squeeze %dma_start3A_1065 : memref<1x128x64xf32, #tpu.memory_space<hbm>> -> memref<128x64xf32, #tpu.memory_space<hbm>>
    %dma_start3A_1067 = arith.constant 0 : i32
    %dma_start3A_1068 = tpu.memref_slice %arg6[%select_n3A, %mul3A_1058, %dma_start3A_1067] : memref<4x32768x64xf32, #tpu.memory_space<hbm>> -> memref<1x128x64xf32, #tpu.memory_space<hbm>>
    %dma_start3A_1069 = tpu.memref_squeeze %dma_start3A_1068 : memref<1x128x64xf32, #tpu.memory_space<hbm>> -> memref<128x64xf32, #tpu.memory_space<hbm>>
    %dma_start3A_1070 = arith.constant 0 : i32
    %dma_start3A_1071 = arith.constant 0 : i32
    %dma_start3A_1072 = tpu.memref_slice %arg12[%dma_start3A_1059, %dma_start3A_1070, %dma_start3A_1071] : memref<2x128x64xf32, #tpu.memory_space<vmem>> -> memref<1x128x64xf32, #tpu.memory_space<vmem>>
    %dma_start3A_1073 = tpu.memref_squeeze %dma_start3A_1072 : memref<1x128x64xf32, #tpu.memory_space<vmem>> -> memref<128x64xf32, #tpu.memory_space<vmem>>
    tpu.enqueue_dma source(%dma_start3A_1073 : memref<128x64xf32, #tpu.memory_space<vmem>>) target(%dma_start3A_1069 : memref<128x64xf32, #tpu.memory_space<hbm>>) target_semaphore(%arg15 : memref<!tpu.dma_semaphore, #tpu.memory_space<semaphore_mem>>)
    %dma_wait3A_1074 = arith.constant 0 : i32
    %dma_wait3A_1075 = arith.constant 0 : i32
    %dma_wait3A_1076 = arith.constant 0 : i32
    %dma_wait3A_1077 = tpu.memref_slice %arg12[%dma_wait3A_1074, %dma_wait3A_1075, %dma_wait3A_1076] : memref<2x128x64xf32, #tpu.memory_space<vmem>> -> memref<1x128x64xf32, #tpu.memory_space<vmem>>
    %dma_wait3A_1078 = tpu.memref_squeeze %dma_wait3A_1077 : memref<1x128x64xf32, #tpu.memory_space<vmem>> -> memref<128x64xf32, #tpu.memory_space<vmem>>
    %dma_wait3A_1079 = arith.constant 0 : i32
    %dma_wait3A_1080 = tpu.memref_slice %arg6[%select_n3A, %mul3A_1058, %dma_wait3A_1079] : memref<4x32768x64xf32, #tpu.memory_space<hbm>> -> memref<1x128x64xf32, #tpu.memory_space<hbm>>
    %dma_wait3A_1081 = tpu.memref_squeeze %dma_wait3A_1080 : memref<1x128x64xf32, #tpu.memory_space<hbm>> -> memref<128x64xf32, #tpu.memory_space<hbm>>
    %dma_wait3A_1082 = arith.constant 0 : i32
    %dma_wait3A_1083 = tpu.memref_slice %arg6[%select_n3A, %mul3A_1058, %dma_wait3A_1082] : memref<4x32768x64xf32, #tpu.memory_space<hbm>> -> memref<1x128x64xf32, #tpu.memory_space<hbm>>
    %dma_wait3A_1084 = tpu.memref_squeeze %dma_wait3A_1083 : memref<1x128x64xf32, #tpu.memory_space<hbm>> -> memref<128x64xf32, #tpu.memory_space<hbm>>
    %dma_wait3A_1085 = arith.constant 0 : i32
    %dma_wait3A_1086 = arith.constant 0 : i32
    %dma_wait3A_1087 = tpu.memref_slice %arg12[%dma_wait3A_1074, %dma_wait3A_1085, %dma_wait3A_1086] : memref<2x128x64xf32, #tpu.memory_space<vmem>> -> memref<1x128x64xf32, #tpu.memory_space<vmem>>
    %dma_wait3A_1088 = tpu.memref_squeeze %dma_wait3A_1087 : memref<1x128x64xf32, #tpu.memory_space<vmem>> -> memref<128x64xf32, #tpu.memory_space<vmem>>
    tpu.wait_dma2 semaphore(%arg15 : memref<!tpu.dma_semaphore, #tpu.memory_space<semaphore_mem>>) src(%dma_wait3A_1088 : memref<128x64xf32, #tpu.memory_space<vmem>>) dst(%dma_wait3A_1084 : memref<128x64xf32, #tpu.memory_space<hbm>>)
    %dma_start3A_1089 = arith.constant 0 : i32
    %dma_start3A_1090 = arith.constant 0 : i32
    %dma_start3A_1091 = arith.constant 0 : i32
    %dma_start3A_1092 = tpu.memref_slice %arg12[%dma_start3A_1089, %dma_start3A_1090, %dma_start3A_1091] : memref<2x128x64xf32, #tpu.memory_space<vmem>> -> memref<1x128x64xf32, #tpu.memory_space<vmem>>
    %dma_start3A_1093 = tpu.memref_squeeze %dma_start3A_1092 : memref<1x128x64xf32, #tpu.memory_space<vmem>> -> memref<128x64xf32, #tpu.memory_space<vmem>>
    %dma_start3A_1094 = arith.constant 2560 : i32
    %dma_start3A_1095 = tpu.memref_slice %arg10[%dma_start3A_1094] : memref<4096xi32, #tpu.memory_space<vmem>> -> memref<128xi32, #tpu.memory_space<vmem>>
    %dma_start3A_1096 = arith.constant 0 : i32
    %dma_start3A_1097 = arith.constant 0 : i32
    %dma_start3A_1098 = tpu.memref_slice %arg4[%dma_start3A_1096, %dma_start3A_1097] : memref<16384x64xf32, #tpu.memory_space<hbm>> -> memref<16384x64xf32, #tpu.memory_space<hbm>>
    tpu.enqueue_indirect_dma source(%dma_start3A_1098 : memref<16384x64xf32, #tpu.memory_space<hbm>>) target(%dma_start3A_1093 : memref<128x64xf32, #tpu.memory_space<vmem>>) offsets(%dma_start3A_1095 : memref<128xi32, #tpu.memory_space<vmem>>) semaphore(%arg13 : memref<!tpu.dma_semaphore, #tpu.memory_space<semaphore_mem>>)
    %dma_wait3A_1099 = arith.constant 1 : i32
    %dma_wait3A_1100 = arith.constant 0 : i32
    %dma_wait3A_1101 = arith.constant 0 : i32
    %dma_wait3A_1102 = tpu.memref_slice %arg12[%dma_wait3A_1099, %dma_wait3A_1100, %dma_wait3A_1101] : memref<2x128x64xf32, #tpu.memory_space<vmem>> -> memref<1x128x64xf32, #tpu.memory_space<vmem>>
    %dma_wait3A_1103 = tpu.memref_squeeze %dma_wait3A_1102 : memref<1x128x64xf32, #tpu.memory_space<vmem>> -> memref<128x64xf32, #tpu.memory_space<vmem>>
    %dma_wait3A_1104 = arith.constant 2432 : i32
    %dma_wait3A_1105 = tpu.memref_slice %arg10[%dma_wait3A_1104] : memref<4096xi32, #tpu.memory_space<vmem>> -> memref<128xi32, #tpu.memory_space<vmem>>
    %dma_wait3A_1106 = arith.constant 0 : i32
    %dma_wait3A_1107 = arith.constant 0 : i32
    %dma_wait3A_1108 = tpu.memref_slice %arg4[%dma_wait3A_1106, %dma_wait3A_1107] : memref<16384x64xf32, #tpu.memory_space<hbm>> -> memref<16384x64xf32, #tpu.memory_space<hbm>>
    tpu.wait_indirect_dma semaphore(%arg14 : memref<!tpu.dma_semaphore, #tpu.memory_space<semaphore_mem>>) src(%dma_wait3A_1108 : memref<16384x64xf32, #tpu.memory_space<hbm>>) dst(%dma_wait3A_1103 : memref<128x64xf32, #tpu.memory_space<vmem>>)
    %add3A_1109 = arith.constant 76 : i32
    %add3A_1110 = arith.addi %mul3A_32, %add3A_1109 : i32
    %mul3A_1111 = arith.constant 32 : i32
    %mul3A_1112 = arith.muli %add3A_1110, %mul3A_1111 : i32
    %dma_start3A_1113 = arith.constant 1 : i32
    %dma_start3A_1114 = arith.constant 0 : i32
    %dma_start3A_1115 = arith.constant 0 : i32
    %dma_start3A_1116 = tpu.memref_slice %arg12[%dma_start3A_1113, %dma_start3A_1114, %dma_start3A_1115] : memref<2x128x64xf32, #tpu.memory_space<vmem>> -> memref<1x128x64xf32, #tpu.memory_space<vmem>>
    %dma_start3A_1117 = tpu.memref_squeeze %dma_start3A_1116 : memref<1x128x64xf32, #tpu.memory_space<vmem>> -> memref<128x64xf32, #tpu.memory_space<vmem>>
    %dma_start3A_1118 = arith.constant 0 : i32
    %dma_start3A_1119 = tpu.memref_slice %arg6[%select_n3A, %mul3A_1112, %dma_start3A_1118] : memref<4x32768x64xf32, #tpu.memory_space<hbm>> -> memref<1x128x64xf32, #tpu.memory_space<hbm>>
    %dma_start3A_1120 = tpu.memref_squeeze %dma_start3A_1119 : memref<1x128x64xf32, #tpu.memory_space<hbm>> -> memref<128x64xf32, #tpu.memory_space<hbm>>
    %dma_start3A_1121 = arith.constant 0 : i32
    %dma_start3A_1122 = tpu.memref_slice %arg6[%select_n3A, %mul3A_1112, %dma_start3A_1121] : memref<4x32768x64xf32, #tpu.memory_space<hbm>> -> memref<1x128x64xf32, #tpu.memory_space<hbm>>
    %dma_start3A_1123 = tpu.memref_squeeze %dma_start3A_1122 : memref<1x128x64xf32, #tpu.memory_space<hbm>> -> memref<128x64xf32, #tpu.memory_space<hbm>>
    %dma_start3A_1124 = arith.constant 0 : i32
    %dma_start3A_1125 = arith.constant 0 : i32
    %dma_start3A_1126 = tpu.memref_slice %arg12[%dma_start3A_1113, %dma_start3A_1124, %dma_start3A_1125] : memref<2x128x64xf32, #tpu.memory_space<vmem>> -> memref<1x128x64xf32, #tpu.memory_space<vmem>>
    %dma_start3A_1127 = tpu.memref_squeeze %dma_start3A_1126 : memref<1x128x64xf32, #tpu.memory_space<vmem>> -> memref<128x64xf32, #tpu.memory_space<vmem>>
    tpu.enqueue_dma source(%dma_start3A_1127 : memref<128x64xf32, #tpu.memory_space<vmem>>) target(%dma_start3A_1123 : memref<128x64xf32, #tpu.memory_space<hbm>>) target_semaphore(%arg16 : memref<!tpu.dma_semaphore, #tpu.memory_space<semaphore_mem>>)
    %dma_wait3A_1128 = arith.constant 1 : i32
    %dma_wait3A_1129 = arith.constant 0 : i32
    %dma_wait3A_1130 = arith.constant 0 : i32
    %dma_wait3A_1131 = tpu.memref_slice %arg12[%dma_wait3A_1128, %dma_wait3A_1129, %dma_wait3A_1130] : memref<2x128x64xf32, #tpu.memory_space<vmem>> -> memref<1x128x64xf32, #tpu.memory_space<vmem>>
    %dma_wait3A_1132 = tpu.memref_squeeze %dma_wait3A_1131 : memref<1x128x64xf32, #tpu.memory_space<vmem>> -> memref<128x64xf32, #tpu.memory_space<vmem>>
    %dma_wait3A_1133 = arith.constant 0 : i32
    %dma_wait3A_1134 = tpu.memref_slice %arg6[%select_n3A, %mul3A_1112, %dma_wait3A_1133] : memref<4x32768x64xf32, #tpu.memory_space<hbm>> -> memref<1x128x64xf32, #tpu.memory_space<hbm>>
    %dma_wait3A_1135 = tpu.memref_squeeze %dma_wait3A_1134 : memref<1x128x64xf32, #tpu.memory_space<hbm>> -> memref<128x64xf32, #tpu.memory_space<hbm>>
    %dma_wait3A_1136 = arith.constant 0 : i32
    %dma_wait3A_1137 = tpu.memref_slice %arg6[%select_n3A, %mul3A_1112, %dma_wait3A_1136] : memref<4x32768x64xf32, #tpu.memory_space<hbm>> -> memref<1x128x64xf32, #tpu.memory_space<hbm>>
    %dma_wait3A_1138 = tpu.memref_squeeze %dma_wait3A_1137 : memref<1x128x64xf32, #tpu.memory_space<hbm>> -> memref<128x64xf32, #tpu.memory_space<hbm>>
    %dma_wait3A_1139 = arith.constant 0 : i32
    %dma_wait3A_1140 = arith.constant 0 : i32
    %dma_wait3A_1141 = tpu.memref_slice %arg12[%dma_wait3A_1128, %dma_wait3A_1139, %dma_wait3A_1140] : memref<2x128x64xf32, #tpu.memory_space<vmem>> -> memref<1x128x64xf32, #tpu.memory_space<vmem>>
    %dma_wait3A_1142 = tpu.memref_squeeze %dma_wait3A_1141 : memref<1x128x64xf32, #tpu.memory_space<vmem>> -> memref<128x64xf32, #tpu.memory_space<vmem>>
    tpu.wait_dma2 semaphore(%arg16 : memref<!tpu.dma_semaphore, #tpu.memory_space<semaphore_mem>>) src(%dma_wait3A_1142 : memref<128x64xf32, #tpu.memory_space<vmem>>) dst(%dma_wait3A_1138 : memref<128x64xf32, #tpu.memory_space<hbm>>)
    %dma_start3A_1143 = arith.constant 1 : i32
    %dma_start3A_1144 = arith.constant 0 : i32
    %dma_start3A_1145 = arith.constant 0 : i32
    %dma_start3A_1146 = tpu.memref_slice %arg12[%dma_start3A_1143, %dma_start3A_1144, %dma_start3A_1145] : memref<2x128x64xf32, #tpu.memory_space<vmem>> -> memref<1x128x64xf32, #tpu.memory_space<vmem>>
    %dma_start3A_1147 = tpu.memref_squeeze %dma_start3A_1146 : memref<1x128x64xf32, #tpu.memory_space<vmem>> -> memref<128x64xf32, #tpu.memory_space<vmem>>
    %dma_start3A_1148 = arith.constant 2688 : i32
    %dma_start3A_1149 = tpu.memref_slice %arg10[%dma_start3A_1148] : memref<4096xi32, #tpu.memory_space<vmem>> -> memref<128xi32, #tpu.memory_space<vmem>>
    %dma_start3A_1150 = arith.constant 0 : i32
    %dma_start3A_1151 = arith.constant 0 : i32
    %dma_start3A_1152 = tpu.memref_slice %arg4[%dma_start3A_1150, %dma_start3A_1151] : memref<16384x64xf32, #tpu.memory_space<hbm>> -> memref<16384x64xf32, #tpu.memory_space<hbm>>
    tpu.enqueue_indirect_dma source(%dma_start3A_1152 : memref<16384x64xf32, #tpu.memory_space<hbm>>) target(%dma_start3A_1147 : memref<128x64xf32, #tpu.memory_space<vmem>>) offsets(%dma_start3A_1149 : memref<128xi32, #tpu.memory_space<vmem>>) semaphore(%arg14 : memref<!tpu.dma_semaphore, #tpu.memory_space<semaphore_mem>>)
    %dma_wait3A_1153 = arith.constant 0 : i32
    %dma_wait3A_1154 = arith.constant 0 : i32
    %dma_wait3A_1155 = arith.constant 0 : i32
    %dma_wait3A_1156 = tpu.memref_slice %arg12[%dma_wait3A_1153, %dma_wait3A_1154, %dma_wait3A_1155] : memref<2x128x64xf32, #tpu.memory_space<vmem>> -> memref<1x128x64xf32, #tpu.memory_space<vmem>>
    %dma_wait3A_1157 = tpu.memref_squeeze %dma_wait3A_1156 : memref<1x128x64xf32, #tpu.memory_space<vmem>> -> memref<128x64xf32, #tpu.memory_space<vmem>>
    %dma_wait3A_1158 = arith.constant 2560 : i32
    %dma_wait3A_1159 = tpu.memref_slice %arg10[%dma_wait3A_1158] : memref<4096xi32, #tpu.memory_space<vmem>> -> memref<128xi32, #tpu.memory_space<vmem>>
    %dma_wait3A_1160 = arith.constant 0 : i32
    %dma_wait3A_1161 = arith.constant 0 : i32
    %dma_wait3A_1162 = tpu.memref_slice %arg4[%dma_wait3A_1160, %dma_wait3A_1161] : memref<16384x64xf32, #tpu.memory_space<hbm>> -> memref<16384x64xf32, #tpu.memory_space<hbm>>
    tpu.wait_indirect_dma semaphore(%arg13 : memref<!tpu.dma_semaphore, #tpu.memory_space<semaphore_mem>>) src(%dma_wait3A_1162 : memref<16384x64xf32, #tpu.memory_space<hbm>>) dst(%dma_wait3A_1157 : memref<128x64xf32, #tpu.memory_space<vmem>>)
    %add3A_1163 = arith.constant 80 : i32
    %add3A_1164 = arith.addi %mul3A_32, %add3A_1163 : i32
    %mul3A_1165 = arith.constant 32 : i32
    %mul3A_1166 = arith.muli %add3A_1164, %mul3A_1165 : i32
    %dma_start3A_1167 = arith.constant 0 : i32
    %dma_start3A_1168 = arith.constant 0 : i32
    %dma_start3A_1169 = arith.constant 0 : i32
    %dma_start3A_1170 = tpu.memref_slice %arg12[%dma_start3A_1167, %dma_start3A_1168, %dma_start3A_1169] : memref<2x128x64xf32, #tpu.memory_space<vmem>> -> memref<1x128x64xf32, #tpu.memory_space<vmem>>
    %dma_start3A_1171 = tpu.memref_squeeze %dma_start3A_1170 : memref<1x128x64xf32, #tpu.memory_space<vmem>> -> memref<128x64xf32, #tpu.memory_space<vmem>>
    %dma_start3A_1172 = arith.constant 0 : i32
    %dma_start3A_1173 = tpu.memref_slice %arg6[%select_n3A, %mul3A_1166, %dma_start3A_1172] : memref<4x32768x64xf32, #tpu.memory_space<hbm>> -> memref<1x128x64xf32, #tpu.memory_space<hbm>>
    %dma_start3A_1174 = tpu.memref_squeeze %dma_start3A_1173 : memref<1x128x64xf32, #tpu.memory_space<hbm>> -> memref<128x64xf32, #tpu.memory_space<hbm>>
    %dma_start3A_1175 = arith.constant 0 : i32
    %dma_start3A_1176 = tpu.memref_slice %arg6[%select_n3A, %mul3A_1166, %dma_start3A_1175] : memref<4x32768x64xf32, #tpu.memory_space<hbm>> -> memref<1x128x64xf32, #tpu.memory_space<hbm>>
    %dma_start3A_1177 = tpu.memref_squeeze %dma_start3A_1176 : memref<1x128x64xf32, #tpu.memory_space<hbm>> -> memref<128x64xf32, #tpu.memory_space<hbm>>
    %dma_start3A_1178 = arith.constant 0 : i32
    %dma_start3A_1179 = arith.constant 0 : i32
    %dma_start3A_1180 = tpu.memref_slice %arg12[%dma_start3A_1167, %dma_start3A_1178, %dma_start3A_1179] : memref<2x128x64xf32, #tpu.memory_space<vmem>> -> memref<1x128x64xf32, #tpu.memory_space<vmem>>
    %dma_start3A_1181 = tpu.memref_squeeze %dma_start3A_1180 : memref<1x128x64xf32, #tpu.memory_space<vmem>> -> memref<128x64xf32, #tpu.memory_space<vmem>>
    tpu.enqueue_dma source(%dma_start3A_1181 : memref<128x64xf32, #tpu.memory_space<vmem>>) target(%dma_start3A_1177 : memref<128x64xf32, #tpu.memory_space<hbm>>) target_semaphore(%arg15 : memref<!tpu.dma_semaphore, #tpu.memory_space<semaphore_mem>>)
    %dma_wait3A_1182 = arith.constant 0 : i32
    %dma_wait3A_1183 = arith.constant 0 : i32
    %dma_wait3A_1184 = arith.constant 0 : i32
    %dma_wait3A_1185 = tpu.memref_slice %arg12[%dma_wait3A_1182, %dma_wait3A_1183, %dma_wait3A_1184] : memref<2x128x64xf32, #tpu.memory_space<vmem>> -> memref<1x128x64xf32, #tpu.memory_space<vmem>>
    %dma_wait3A_1186 = tpu.memref_squeeze %dma_wait3A_1185 : memref<1x128x64xf32, #tpu.memory_space<vmem>> -> memref<128x64xf32, #tpu.memory_space<vmem>>
    %dma_wait3A_1187 = arith.constant 0 : i32
    %dma_wait3A_1188 = tpu.memref_slice %arg6[%select_n3A, %mul3A_1166, %dma_wait3A_1187] : memref<4x32768x64xf32, #tpu.memory_space<hbm>> -> memref<1x128x64xf32, #tpu.memory_space<hbm>>
    %dma_wait3A_1189 = tpu.memref_squeeze %dma_wait3A_1188 : memref<1x128x64xf32, #tpu.memory_space<hbm>> -> memref<128x64xf32, #tpu.memory_space<hbm>>
    %dma_wait3A_1190 = arith.constant 0 : i32
    %dma_wait3A_1191 = tpu.memref_slice %arg6[%select_n3A, %mul3A_1166, %dma_wait3A_1190] : memref<4x32768x64xf32, #tpu.memory_space<hbm>> -> memref<1x128x64xf32, #tpu.memory_space<hbm>>
    %dma_wait3A_1192 = tpu.memref_squeeze %dma_wait3A_1191 : memref<1x128x64xf32, #tpu.memory_space<hbm>> -> memref<128x64xf32, #tpu.memory_space<hbm>>
    %dma_wait3A_1193 = arith.constant 0 : i32
    %dma_wait3A_1194 = arith.constant 0 : i32
    %dma_wait3A_1195 = tpu.memref_slice %arg12[%dma_wait3A_1182, %dma_wait3A_1193, %dma_wait3A_1194] : memref<2x128x64xf32, #tpu.memory_space<vmem>> -> memref<1x128x64xf32, #tpu.memory_space<vmem>>
    %dma_wait3A_1196 = tpu.memref_squeeze %dma_wait3A_1195 : memref<1x128x64xf32, #tpu.memory_space<vmem>> -> memref<128x64xf32, #tpu.memory_space<vmem>>
    tpu.wait_dma2 semaphore(%arg15 : memref<!tpu.dma_semaphore, #tpu.memory_space<semaphore_mem>>) src(%dma_wait3A_1196 : memref<128x64xf32, #tpu.memory_space<vmem>>) dst(%dma_wait3A_1192 : memref<128x64xf32, #tpu.memory_space<hbm>>)
    %dma_start3A_1197 = arith.constant 0 : i32
    %dma_start3A_1198 = arith.constant 0 : i32
    %dma_start3A_1199 = arith.constant 0 : i32
    %dma_start3A_1200 = tpu.memref_slice %arg12[%dma_start3A_1197, %dma_start3A_1198, %dma_start3A_1199] : memref<2x128x64xf32, #tpu.memory_space<vmem>> -> memref<1x128x64xf32, #tpu.memory_space<vmem>>
    %dma_start3A_1201 = tpu.memref_squeeze %dma_start3A_1200 : memref<1x128x64xf32, #tpu.memory_space<vmem>> -> memref<128x64xf32, #tpu.memory_space<vmem>>
    %dma_start3A_1202 = arith.constant 2816 : i32
    %dma_start3A_1203 = tpu.memref_slice %arg10[%dma_start3A_1202] : memref<4096xi32, #tpu.memory_space<vmem>> -> memref<128xi32, #tpu.memory_space<vmem>>
    %dma_start3A_1204 = arith.constant 0 : i32
    %dma_start3A_1205 = arith.constant 0 : i32
    %dma_start3A_1206 = tpu.memref_slice %arg4[%dma_start3A_1204, %dma_start3A_1205] : memref<16384x64xf32, #tpu.memory_space<hbm>> -> memref<16384x64xf32, #tpu.memory_space<hbm>>
    tpu.enqueue_indirect_dma source(%dma_start3A_1206 : memref<16384x64xf32, #tpu.memory_space<hbm>>) target(%dma_start3A_1201 : memref<128x64xf32, #tpu.memory_space<vmem>>) offsets(%dma_start3A_1203 : memref<128xi32, #tpu.memory_space<vmem>>) semaphore(%arg13 : memref<!tpu.dma_semaphore, #tpu.memory_space<semaphore_mem>>)
    %dma_wait3A_1207 = arith.constant 1 : i32
    %dma_wait3A_1208 = arith.constant 0 : i32
    %dma_wait3A_1209 = arith.constant 0 : i32
    %dma_wait3A_1210 = tpu.memref_slice %arg12[%dma_wait3A_1207, %dma_wait3A_1208, %dma_wait3A_1209] : memref<2x128x64xf32, #tpu.memory_space<vmem>> -> memref<1x128x64xf32, #tpu.memory_space<vmem>>
    %dma_wait3A_1211 = tpu.memref_squeeze %dma_wait3A_1210 : memref<1x128x64xf32, #tpu.memory_space<vmem>> -> memref<128x64xf32, #tpu.memory_space<vmem>>
    %dma_wait3A_1212 = arith.constant 2688 : i32
    %dma_wait3A_1213 = tpu.memref_slice %arg10[%dma_wait3A_1212] : memref<4096xi32, #tpu.memory_space<vmem>> -> memref<128xi32, #tpu.memory_space<vmem>>
    %dma_wait3A_1214 = arith.constant 0 : i32
    %dma_wait3A_1215 = arith.constant 0 : i32
    %dma_wait3A_1216 = tpu.memref_slice %arg4[%dma_wait3A_1214, %dma_wait3A_1215] : memref<16384x64xf32, #tpu.memory_space<hbm>> -> memref<16384x64xf32, #tpu.memory_space<hbm>>
    tpu.wait_indirect_dma semaphore(%arg14 : memref<!tpu.dma_semaphore, #tpu.memory_space<semaphore_mem>>) src(%dma_wait3A_1216 : memref<16384x64xf32, #tpu.memory_space<hbm>>) dst(%dma_wait3A_1211 : memref<128x64xf32, #tpu.memory_space<vmem>>)
    %add3A_1217 = arith.constant 84 : i32
    %add3A_1218 = arith.addi %mul3A_32, %add3A_1217 : i32
    %mul3A_1219 = arith.constant 32 : i32
    %mul3A_1220 = arith.muli %add3A_1218, %mul3A_1219 : i32
    %dma_start3A_1221 = arith.constant 1 : i32
    %dma_start3A_1222 = arith.constant 0 : i32
    %dma_start3A_1223 = arith.constant 0 : i32
    %dma_start3A_1224 = tpu.memref_slice %arg12[%dma_start3A_1221, %dma_start3A_1222, %dma_start3A_1223] : memref<2x128x64xf32, #tpu.memory_space<vmem>> -> memref<1x128x64xf32, #tpu.memory_space<vmem>>
    %dma_start3A_1225 = tpu.memref_squeeze %dma_start3A_1224 : memref<1x128x64xf32, #tpu.memory_space<vmem>> -> memref<128x64xf32, #tpu.memory_space<vmem>>
    %dma_start3A_1226 = arith.constant 0 : i32
    %dma_start3A_1227 = tpu.memref_slice %arg6[%select_n3A, %mul3A_1220, %dma_start3A_1226] : memref<4x32768x64xf32, #tpu.memory_space<hbm>> -> memref<1x128x64xf32, #tpu.memory_space<hbm>>
    %dma_start3A_1228 = tpu.memref_squeeze %dma_start3A_1227 : memref<1x128x64xf32, #tpu.memory_space<hbm>> -> memref<128x64xf32, #tpu.memory_space<hbm>>
    %dma_start3A_1229 = arith.constant 0 : i32
    %dma_start3A_1230 = tpu.memref_slice %arg6[%select_n3A, %mul3A_1220, %dma_start3A_1229] : memref<4x32768x64xf32, #tpu.memory_space<hbm>> -> memref<1x128x64xf32, #tpu.memory_space<hbm>>
    %dma_start3A_1231 = tpu.memref_squeeze %dma_start3A_1230 : memref<1x128x64xf32, #tpu.memory_space<hbm>> -> memref<128x64xf32, #tpu.memory_space<hbm>>
    %dma_start3A_1232 = arith.constant 0 : i32
    %dma_start3A_1233 = arith.constant 0 : i32
    %dma_start3A_1234 = tpu.memref_slice %arg12[%dma_start3A_1221, %dma_start3A_1232, %dma_start3A_1233] : memref<2x128x64xf32, #tpu.memory_space<vmem>> -> memref<1x128x64xf32, #tpu.memory_space<vmem>>
    %dma_start3A_1235 = tpu.memref_squeeze %dma_start3A_1234 : memref<1x128x64xf32, #tpu.memory_space<vmem>> -> memref<128x64xf32, #tpu.memory_space<vmem>>
    tpu.enqueue_dma source(%dma_start3A_1235 : memref<128x64xf32, #tpu.memory_space<vmem>>) target(%dma_start3A_1231 : memref<128x64xf32, #tpu.memory_space<hbm>>) target_semaphore(%arg16 : memref<!tpu.dma_semaphore, #tpu.memory_space<semaphore_mem>>)
    %dma_wait3A_1236 = arith.constant 1 : i32
    %dma_wait3A_1237 = arith.constant 0 : i32
    %dma_wait3A_1238 = arith.constant 0 : i32
    %dma_wait3A_1239 = tpu.memref_slice %arg12[%dma_wait3A_1236, %dma_wait3A_1237, %dma_wait3A_1238] : memref<2x128x64xf32, #tpu.memory_space<vmem>> -> memref<1x128x64xf32, #tpu.memory_space<vmem>>
    %dma_wait3A_1240 = tpu.memref_squeeze %dma_wait3A_1239 : memref<1x128x64xf32, #tpu.memory_space<vmem>> -> memref<128x64xf32, #tpu.memory_space<vmem>>
    %dma_wait3A_1241 = arith.constant 0 : i32
    %dma_wait3A_1242 = tpu.memref_slice %arg6[%select_n3A, %mul3A_1220, %dma_wait3A_1241] : memref<4x32768x64xf32, #tpu.memory_space<hbm>> -> memref<1x128x64xf32, #tpu.memory_space<hbm>>
    %dma_wait3A_1243 = tpu.memref_squeeze %dma_wait3A_1242 : memref<1x128x64xf32, #tpu.memory_space<hbm>> -> memref<128x64xf32, #tpu.memory_space<hbm>>
    %dma_wait3A_1244 = arith.constant 0 : i32
    %dma_wait3A_1245 = tpu.memref_slice %arg6[%select_n3A, %mul3A_1220, %dma_wait3A_1244] : memref<4x32768x64xf32, #tpu.memory_space<hbm>> -> memref<1x128x64xf32, #tpu.memory_space<hbm>>
    %dma_wait3A_1246 = tpu.memref_squeeze %dma_wait3A_1245 : memref<1x128x64xf32, #tpu.memory_space<hbm>> -> memref<128x64xf32, #tpu.memory_space<hbm>>
    %dma_wait3A_1247 = arith.constant 0 : i32
    %dma_wait3A_1248 = arith.constant 0 : i32
    %dma_wait3A_1249 = tpu.memref_slice %arg12[%dma_wait3A_1236, %dma_wait3A_1247, %dma_wait3A_1248] : memref<2x128x64xf32, #tpu.memory_space<vmem>> -> memref<1x128x64xf32, #tpu.memory_space<vmem>>
    %dma_wait3A_1250 = tpu.memref_squeeze %dma_wait3A_1249 : memref<1x128x64xf32, #tpu.memory_space<vmem>> -> memref<128x64xf32, #tpu.memory_space<vmem>>
    tpu.wait_dma2 semaphore(%arg16 : memref<!tpu.dma_semaphore, #tpu.memory_space<semaphore_mem>>) src(%dma_wait3A_1250 : memref<128x64xf32, #tpu.memory_space<vmem>>) dst(%dma_wait3A_1246 : memref<128x64xf32, #tpu.memory_space<hbm>>)
    %dma_start3A_1251 = arith.constant 1 : i32
    %dma_start3A_1252 = arith.constant 0 : i32
    %dma_start3A_1253 = arith.constant 0 : i32
    %dma_start3A_1254 = tpu.memref_slice %arg12[%dma_start3A_1251, %dma_start3A_1252, %dma_start3A_1253] : memref<2x128x64xf32, #tpu.memory_space<vmem>> -> memref<1x128x64xf32, #tpu.memory_space<vmem>>
    %dma_start3A_1255 = tpu.memref_squeeze %dma_start3A_1254 : memref<1x128x64xf32, #tpu.memory_space<vmem>> -> memref<128x64xf32, #tpu.memory_space<vmem>>
    %dma_start3A_1256 = arith.constant 2944 : i32
    %dma_start3A_1257 = tpu.memref_slice %arg10[%dma_start3A_1256] : memref<4096xi32, #tpu.memory_space<vmem>> -> memref<128xi32, #tpu.memory_space<vmem>>
    %dma_start3A_1258 = arith.constant 0 : i32
    %dma_start3A_1259 = arith.constant 0 : i32
    %dma_start3A_1260 = tpu.memref_slice %arg4[%dma_start3A_1258, %dma_start3A_1259] : memref<16384x64xf32, #tpu.memory_space<hbm>> -> memref<16384x64xf32, #tpu.memory_space<hbm>>
    tpu.enqueue_indirect_dma source(%dma_start3A_1260 : memref<16384x64xf32, #tpu.memory_space<hbm>>) target(%dma_start3A_1255 : memref<128x64xf32, #tpu.memory_space<vmem>>) offsets(%dma_start3A_1257 : memref<128xi32, #tpu.memory_space<vmem>>) semaphore(%arg14 : memref<!tpu.dma_semaphore, #tpu.memory_space<semaphore_mem>>)
    %dma_wait3A_1261 = arith.constant 0 : i32
    %dma_wait3A_1262 = arith.constant 0 : i32
    %dma_wait3A_1263 = arith.constant 0 : i32
    %dma_wait3A_1264 = tpu.memref_slice %arg12[%dma_wait3A_1261, %dma_wait3A_1262, %dma_wait3A_1263] : memref<2x128x64xf32, #tpu.memory_space<vmem>> -> memref<1x128x64xf32, #tpu.memory_space<vmem>>
    %dma_wait3A_1265 = tpu.memref_squeeze %dma_wait3A_1264 : memref<1x128x64xf32, #tpu.memory_space<vmem>> -> memref<128x64xf32, #tpu.memory_space<vmem>>
    %dma_wait3A_1266 = arith.constant 2816 : i32
    %dma_wait3A_1267 = tpu.memref_slice %arg10[%dma_wait3A_1266] : memref<4096xi32, #tpu.memory_space<vmem>> -> memref<128xi32, #tpu.memory_space<vmem>>
    %dma_wait3A_1268 = arith.constant 0 : i32
    %dma_wait3A_1269 = arith.constant 0 : i32
    %dma_wait3A_1270 = tpu.memref_slice %arg4[%dma_wait3A_1268, %dma_wait3A_1269] : memref<16384x64xf32, #tpu.memory_space<hbm>> -> memref<16384x64xf32, #tpu.memory_space<hbm>>
    tpu.wait_indirect_dma semaphore(%arg13 : memref<!tpu.dma_semaphore, #tpu.memory_space<semaphore_mem>>) src(%dma_wait3A_1270 : memref<16384x64xf32, #tpu.memory_space<hbm>>) dst(%dma_wait3A_1265 : memref<128x64xf32, #tpu.memory_space<vmem>>)
    %add3A_1271 = arith.constant 88 : i32
    %add3A_1272 = arith.addi %mul3A_32, %add3A_1271 : i32
    %mul3A_1273 = arith.constant 32 : i32
    %mul3A_1274 = arith.muli %add3A_1272, %mul3A_1273 : i32
    %dma_start3A_1275 = arith.constant 0 : i32
    %dma_start3A_1276 = arith.constant 0 : i32
    %dma_start3A_1277 = arith.constant 0 : i32
    %dma_start3A_1278 = tpu.memref_slice %arg12[%dma_start3A_1275, %dma_start3A_1276, %dma_start3A_1277] : memref<2x128x64xf32, #tpu.memory_space<vmem>> -> memref<1x128x64xf32, #tpu.memory_space<vmem>>
    %dma_start3A_1279 = tpu.memref_squeeze %dma_start3A_1278 : memref<1x128x64xf32, #tpu.memory_space<vmem>> -> memref<128x64xf32, #tpu.memory_space<vmem>>
    %dma_start3A_1280 = arith.constant 0 : i32
    %dma_start3A_1281 = tpu.memref_slice %arg6[%select_n3A, %mul3A_1274, %dma_start3A_1280] : memref<4x32768x64xf32, #tpu.memory_space<hbm>> -> memref<1x128x64xf32, #tpu.memory_space<hbm>>
    %dma_start3A_1282 = tpu.memref_squeeze %dma_start3A_1281 : memref<1x128x64xf32, #tpu.memory_space<hbm>> -> memref<128x64xf32, #tpu.memory_space<hbm>>
    %dma_start3A_1283 = arith.constant 0 : i32
    %dma_start3A_1284 = tpu.memref_slice %arg6[%select_n3A, %mul3A_1274, %dma_start3A_1283] : memref<4x32768x64xf32, #tpu.memory_space<hbm>> -> memref<1x128x64xf32, #tpu.memory_space<hbm>>
    %dma_start3A_1285 = tpu.memref_squeeze %dma_start3A_1284 : memref<1x128x64xf32, #tpu.memory_space<hbm>> -> memref<128x64xf32, #tpu.memory_space<hbm>>
    %dma_start3A_1286 = arith.constant 0 : i32
    %dma_start3A_1287 = arith.constant 0 : i32
    %dma_start3A_1288 = tpu.memref_slice %arg12[%dma_start3A_1275, %dma_start3A_1286, %dma_start3A_1287] : memref<2x128x64xf32, #tpu.memory_space<vmem>> -> memref<1x128x64xf32, #tpu.memory_space<vmem>>
    %dma_start3A_1289 = tpu.memref_squeeze %dma_start3A_1288 : memref<1x128x64xf32, #tpu.memory_space<vmem>> -> memref<128x64xf32, #tpu.memory_space<vmem>>
    tpu.enqueue_dma source(%dma_start3A_1289 : memref<128x64xf32, #tpu.memory_space<vmem>>) target(%dma_start3A_1285 : memref<128x64xf32, #tpu.memory_space<hbm>>) target_semaphore(%arg15 : memref<!tpu.dma_semaphore, #tpu.memory_space<semaphore_mem>>)
    %dma_wait3A_1290 = arith.constant 0 : i32
    %dma_wait3A_1291 = arith.constant 0 : i32
    %dma_wait3A_1292 = arith.constant 0 : i32
    %dma_wait3A_1293 = tpu.memref_slice %arg12[%dma_wait3A_1290, %dma_wait3A_1291, %dma_wait3A_1292] : memref<2x128x64xf32, #tpu.memory_space<vmem>> -> memref<1x128x64xf32, #tpu.memory_space<vmem>>
    %dma_wait3A_1294 = tpu.memref_squeeze %dma_wait3A_1293 : memref<1x128x64xf32, #tpu.memory_space<vmem>> -> memref<128x64xf32, #tpu.memory_space<vmem>>
    %dma_wait3A_1295 = arith.constant 0 : i32
    %dma_wait3A_1296 = tpu.memref_slice %arg6[%select_n3A, %mul3A_1274, %dma_wait3A_1295] : memref<4x32768x64xf32, #tpu.memory_space<hbm>> -> memref<1x128x64xf32, #tpu.memory_space<hbm>>
    %dma_wait3A_1297 = tpu.memref_squeeze %dma_wait3A_1296 : memref<1x128x64xf32, #tpu.memory_space<hbm>> -> memref<128x64xf32, #tpu.memory_space<hbm>>
    %dma_wait3A_1298 = arith.constant 0 : i32
    %dma_wait3A_1299 = tpu.memref_slice %arg6[%select_n3A, %mul3A_1274, %dma_wait3A_1298] : memref<4x32768x64xf32, #tpu.memory_space<hbm>> -> memref<1x128x64xf32, #tpu.memory_space<hbm>>
    %dma_wait3A_1300 = tpu.memref_squeeze %dma_wait3A_1299 : memref<1x128x64xf32, #tpu.memory_space<hbm>> -> memref<128x64xf32, #tpu.memory_space<hbm>>
    %dma_wait3A_1301 = arith.constant 0 : i32
    %dma_wait3A_1302 = arith.constant 0 : i32
    %dma_wait3A_1303 = tpu.memref_slice %arg12[%dma_wait3A_1290, %dma_wait3A_1301, %dma_wait3A_1302] : memref<2x128x64xf32, #tpu.memory_space<vmem>> -> memref<1x128x64xf32, #tpu.memory_space<vmem>>
    %dma_wait3A_1304 = tpu.memref_squeeze %dma_wait3A_1303 : memref<1x128x64xf32, #tpu.memory_space<vmem>> -> memref<128x64xf32, #tpu.memory_space<vmem>>
    tpu.wait_dma2 semaphore(%arg15 : memref<!tpu.dma_semaphore, #tpu.memory_space<semaphore_mem>>) src(%dma_wait3A_1304 : memref<128x64xf32, #tpu.memory_space<vmem>>) dst(%dma_wait3A_1300 : memref<128x64xf32, #tpu.memory_space<hbm>>)
    %dma_start3A_1305 = arith.constant 0 : i32
    %dma_start3A_1306 = arith.constant 0 : i32
    %dma_start3A_1307 = arith.constant 0 : i32
    %dma_start3A_1308 = tpu.memref_slice %arg12[%dma_start3A_1305, %dma_start3A_1306, %dma_start3A_1307] : memref<2x128x64xf32, #tpu.memory_space<vmem>> -> memref<1x128x64xf32, #tpu.memory_space<vmem>>
    %dma_start3A_1309 = tpu.memref_squeeze %dma_start3A_1308 : memref<1x128x64xf32, #tpu.memory_space<vmem>> -> memref<128x64xf32, #tpu.memory_space<vmem>>
    %dma_start3A_1310 = arith.constant 3072 : i32
    %dma_start3A_1311 = tpu.memref_slice %arg10[%dma_start3A_1310] : memref<4096xi32, #tpu.memory_space<vmem>> -> memref<128xi32, #tpu.memory_space<vmem>>
    %dma_start3A_1312 = arith.constant 0 : i32
    %dma_start3A_1313 = arith.constant 0 : i32
    %dma_start3A_1314 = tpu.memref_slice %arg4[%dma_start3A_1312, %dma_start3A_1313] : memref<16384x64xf32, #tpu.memory_space<hbm>> -> memref<16384x64xf32, #tpu.memory_space<hbm>>
    tpu.enqueue_indirect_dma source(%dma_start3A_1314 : memref<16384x64xf32, #tpu.memory_space<hbm>>) target(%dma_start3A_1309 : memref<128x64xf32, #tpu.memory_space<vmem>>) offsets(%dma_start3A_1311 : memref<128xi32, #tpu.memory_space<vmem>>) semaphore(%arg13 : memref<!tpu.dma_semaphore, #tpu.memory_space<semaphore_mem>>)
    %dma_wait3A_1315 = arith.constant 1 : i32
    %dma_wait3A_1316 = arith.constant 0 : i32
    %dma_wait3A_1317 = arith.constant 0 : i32
    %dma_wait3A_1318 = tpu.memref_slice %arg12[%dma_wait3A_1315, %dma_wait3A_1316, %dma_wait3A_1317] : memref<2x128x64xf32, #tpu.memory_space<vmem>> -> memref<1x128x64xf32, #tpu.memory_space<vmem>>
    %dma_wait3A_1319 = tpu.memref_squeeze %dma_wait3A_1318 : memref<1x128x64xf32, #tpu.memory_space<vmem>> -> memref<128x64xf32, #tpu.memory_space<vmem>>
    %dma_wait3A_1320 = arith.constant 2944 : i32
    %dma_wait3A_1321 = tpu.memref_slice %arg10[%dma_wait3A_1320] : memref<4096xi32, #tpu.memory_space<vmem>> -> memref<128xi32, #tpu.memory_space<vmem>>
    %dma_wait3A_1322 = arith.constant 0 : i32
    %dma_wait3A_1323 = arith.constant 0 : i32
    %dma_wait3A_1324 = tpu.memref_slice %arg4[%dma_wait3A_1322, %dma_wait3A_1323] : memref<16384x64xf32, #tpu.memory_space<hbm>> -> memref<16384x64xf32, #tpu.memory_space<hbm>>
    tpu.wait_indirect_dma semaphore(%arg14 : memref<!tpu.dma_semaphore, #tpu.memory_space<semaphore_mem>>) src(%dma_wait3A_1324 : memref<16384x64xf32, #tpu.memory_space<hbm>>) dst(%dma_wait3A_1319 : memref<128x64xf32, #tpu.memory_space<vmem>>)
    %add3A_1325 = arith.constant 92 : i32
    %add3A_1326 = arith.addi %mul3A_32, %add3A_1325 : i32
    %mul3A_1327 = arith.constant 32 : i32
    %mul3A_1328 = arith.muli %add3A_1326, %mul3A_1327 : i32
    %dma_start3A_1329 = arith.constant 1 : i32
    %dma_start3A_1330 = arith.constant 0 : i32
    %dma_start3A_1331 = arith.constant 0 : i32
    %dma_start3A_1332 = tpu.memref_slice %arg12[%dma_start3A_1329, %dma_start3A_1330, %dma_start3A_1331] : memref<2x128x64xf32, #tpu.memory_space<vmem>> -> memref<1x128x64xf32, #tpu.memory_space<vmem>>
    %dma_start3A_1333 = tpu.memref_squeeze %dma_start3A_1332 : memref<1x128x64xf32, #tpu.memory_space<vmem>> -> memref<128x64xf32, #tpu.memory_space<vmem>>
    %dma_start3A_1334 = arith.constant 0 : i32
    %dma_start3A_1335 = tpu.memref_slice %arg6[%select_n3A, %mul3A_1328, %dma_start3A_1334] : memref<4x32768x64xf32, #tpu.memory_space<hbm>> -> memref<1x128x64xf32, #tpu.memory_space<hbm>>
    %dma_start3A_1336 = tpu.memref_squeeze %dma_start3A_1335 : memref<1x128x64xf32, #tpu.memory_space<hbm>> -> memref<128x64xf32, #tpu.memory_space<hbm>>
    %dma_start3A_1337 = arith.constant 0 : i32
    %dma_start3A_1338 = tpu.memref_slice %arg6[%select_n3A, %mul3A_1328, %dma_start3A_1337] : memref<4x32768x64xf32, #tpu.memory_space<hbm>> -> memref<1x128x64xf32, #tpu.memory_space<hbm>>
    %dma_start3A_1339 = tpu.memref_squeeze %dma_start3A_1338 : memref<1x128x64xf32, #tpu.memory_space<hbm>> -> memref<128x64xf32, #tpu.memory_space<hbm>>
    %dma_start3A_1340 = arith.constant 0 : i32
    %dma_start3A_1341 = arith.constant 0 : i32
    %dma_start3A_1342 = tpu.memref_slice %arg12[%dma_start3A_1329, %dma_start3A_1340, %dma_start3A_1341] : memref<2x128x64xf32, #tpu.memory_space<vmem>> -> memref<1x128x64xf32, #tpu.memory_space<vmem>>
    %dma_start3A_1343 = tpu.memref_squeeze %dma_start3A_1342 : memref<1x128x64xf32, #tpu.memory_space<vmem>> -> memref<128x64xf32, #tpu.memory_space<vmem>>
    tpu.enqueue_dma source(%dma_start3A_1343 : memref<128x64xf32, #tpu.memory_space<vmem>>) target(%dma_start3A_1339 : memref<128x64xf32, #tpu.memory_space<hbm>>) target_semaphore(%arg16 : memref<!tpu.dma_semaphore, #tpu.memory_space<semaphore_mem>>)
    %dma_wait3A_1344 = arith.constant 1 : i32
    %dma_wait3A_1345 = arith.constant 0 : i32
    %dma_wait3A_1346 = arith.constant 0 : i32
    %dma_wait3A_1347 = tpu.memref_slice %arg12[%dma_wait3A_1344, %dma_wait3A_1345, %dma_wait3A_1346] : memref<2x128x64xf32, #tpu.memory_space<vmem>> -> memref<1x128x64xf32, #tpu.memory_space<vmem>>
    %dma_wait3A_1348 = tpu.memref_squeeze %dma_wait3A_1347 : memref<1x128x64xf32, #tpu.memory_space<vmem>> -> memref<128x64xf32, #tpu.memory_space<vmem>>
    %dma_wait3A_1349 = arith.constant 0 : i32
    %dma_wait3A_1350 = tpu.memref_slice %arg6[%select_n3A, %mul3A_1328, %dma_wait3A_1349] : memref<4x32768x64xf32, #tpu.memory_space<hbm>> -> memref<1x128x64xf32, #tpu.memory_space<hbm>>
    %dma_wait3A_1351 = tpu.memref_squeeze %dma_wait3A_1350 : memref<1x128x64xf32, #tpu.memory_space<hbm>> -> memref<128x64xf32, #tpu.memory_space<hbm>>
    %dma_wait3A_1352 = arith.constant 0 : i32
    %dma_wait3A_1353 = tpu.memref_slice %arg6[%select_n3A, %mul3A_1328, %dma_wait3A_1352] : memref<4x32768x64xf32, #tpu.memory_space<hbm>> -> memref<1x128x64xf32, #tpu.memory_space<hbm>>
    %dma_wait3A_1354 = tpu.memref_squeeze %dma_wait3A_1353 : memref<1x128x64xf32, #tpu.memory_space<hbm>> -> memref<128x64xf32, #tpu.memory_space<hbm>>
    %dma_wait3A_1355 = arith.constant 0 : i32
    %dma_wait3A_1356 = arith.constant 0 : i32
    %dma_wait3A_1357 = tpu.memref_slice %arg12[%dma_wait3A_1344, %dma_wait3A_1355, %dma_wait3A_1356] : memref<2x128x64xf32, #tpu.memory_space<vmem>> -> memref<1x128x64xf32, #tpu.memory_space<vmem>>
    %dma_wait3A_1358 = tpu.memref_squeeze %dma_wait3A_1357 : memref<1x128x64xf32, #tpu.memory_space<vmem>> -> memref<128x64xf32, #tpu.memory_space<vmem>>
    tpu.wait_dma2 semaphore(%arg16 : memref<!tpu.dma_semaphore, #tpu.memory_space<semaphore_mem>>) src(%dma_wait3A_1358 : memref<128x64xf32, #tpu.memory_space<vmem>>) dst(%dma_wait3A_1354 : memref<128x64xf32, #tpu.memory_space<hbm>>)
    %dma_start3A_1359 = arith.constant 1 : i32
    %dma_start3A_1360 = arith.constant 0 : i32
    %dma_start3A_1361 = arith.constant 0 : i32
    %dma_start3A_1362 = tpu.memref_slice %arg12[%dma_start3A_1359, %dma_start3A_1360, %dma_start3A_1361] : memref<2x128x64xf32, #tpu.memory_space<vmem>> -> memref<1x128x64xf32, #tpu.memory_space<vmem>>
    %dma_start3A_1363 = tpu.memref_squeeze %dma_start3A_1362 : memref<1x128x64xf32, #tpu.memory_space<vmem>> -> memref<128x64xf32, #tpu.memory_space<vmem>>
    %dma_start3A_1364 = arith.constant 3200 : i32
    %dma_start3A_1365 = tpu.memref_slice %arg10[%dma_start3A_1364] : memref<4096xi32, #tpu.memory_space<vmem>> -> memref<128xi32, #tpu.memory_space<vmem>>
    %dma_start3A_1366 = arith.constant 0 : i32
    %dma_start3A_1367 = arith.constant 0 : i32
    %dma_start3A_1368 = tpu.memref_slice %arg4[%dma_start3A_1366, %dma_start3A_1367] : memref<16384x64xf32, #tpu.memory_space<hbm>> -> memref<16384x64xf32, #tpu.memory_space<hbm>>
    tpu.enqueue_indirect_dma source(%dma_start3A_1368 : memref<16384x64xf32, #tpu.memory_space<hbm>>) target(%dma_start3A_1363 : memref<128x64xf32, #tpu.memory_space<vmem>>) offsets(%dma_start3A_1365 : memref<128xi32, #tpu.memory_space<vmem>>) semaphore(%arg14 : memref<!tpu.dma_semaphore, #tpu.memory_space<semaphore_mem>>)
    %dma_wait3A_1369 = arith.constant 0 : i32
    %dma_wait3A_1370 = arith.constant 0 : i32
    %dma_wait3A_1371 = arith.constant 0 : i32
    %dma_wait3A_1372 = tpu.memref_slice %arg12[%dma_wait3A_1369, %dma_wait3A_1370, %dma_wait3A_1371] : memref<2x128x64xf32, #tpu.memory_space<vmem>> -> memref<1x128x64xf32, #tpu.memory_space<vmem>>
    %dma_wait3A_1373 = tpu.memref_squeeze %dma_wait3A_1372 : memref<1x128x64xf32, #tpu.memory_space<vmem>> -> memref<128x64xf32, #tpu.memory_space<vmem>>
    %dma_wait3A_1374 = arith.constant 3072 : i32
    %dma_wait3A_1375 = tpu.memref_slice %arg10[%dma_wait3A_1374] : memref<4096xi32, #tpu.memory_space<vmem>> -> memref<128xi32, #tpu.memory_space<vmem>>
    %dma_wait3A_1376 = arith.constant 0 : i32
    %dma_wait3A_1377 = arith.constant 0 : i32
    %dma_wait3A_1378 = tpu.memref_slice %arg4[%dma_wait3A_1376, %dma_wait3A_1377] : memref<16384x64xf32, #tpu.memory_space<hbm>> -> memref<16384x64xf32, #tpu.memory_space<hbm>>
    tpu.wait_indirect_dma semaphore(%arg13 : memref<!tpu.dma_semaphore, #tpu.memory_space<semaphore_mem>>) src(%dma_wait3A_1378 : memref<16384x64xf32, #tpu.memory_space<hbm>>) dst(%dma_wait3A_1373 : memref<128x64xf32, #tpu.memory_space<vmem>>)
    %add3A_1379 = arith.constant 96 : i32
    %add3A_1380 = arith.addi %mul3A_32, %add3A_1379 : i32
    %mul3A_1381 = arith.constant 32 : i32
    %mul3A_1382 = arith.muli %add3A_1380, %mul3A_1381 : i32
    %dma_start3A_1383 = arith.constant 0 : i32
    %dma_start3A_1384 = arith.constant 0 : i32
    %dma_start3A_1385 = arith.constant 0 : i32
    %dma_start3A_1386 = tpu.memref_slice %arg12[%dma_start3A_1383, %dma_start3A_1384, %dma_start3A_1385] : memref<2x128x64xf32, #tpu.memory_space<vmem>> -> memref<1x128x64xf32, #tpu.memory_space<vmem>>
    %dma_start3A_1387 = tpu.memref_squeeze %dma_start3A_1386 : memref<1x128x64xf32, #tpu.memory_space<vmem>> -> memref<128x64xf32, #tpu.memory_space<vmem>>
    %dma_start3A_1388 = arith.constant 0 : i32
    %dma_start3A_1389 = tpu.memref_slice %arg6[%select_n3A, %mul3A_1382, %dma_start3A_1388] : memref<4x32768x64xf32, #tpu.memory_space<hbm>> -> memref<1x128x64xf32, #tpu.memory_space<hbm>>
    %dma_start3A_1390 = tpu.memref_squeeze %dma_start3A_1389 : memref<1x128x64xf32, #tpu.memory_space<hbm>> -> memref<128x64xf32, #tpu.memory_space<hbm>>
    %dma_start3A_1391 = arith.constant 0 : i32
    %dma_start3A_1392 = tpu.memref_slice %arg6[%select_n3A, %mul3A_1382, %dma_start3A_1391] : memref<4x32768x64xf32, #tpu.memory_space<hbm>> -> memref<1x128x64xf32, #tpu.memory_space<hbm>>
    %dma_start3A_1393 = tpu.memref_squeeze %dma_start3A_1392 : memref<1x128x64xf32, #tpu.memory_space<hbm>> -> memref<128x64xf32, #tpu.memory_space<hbm>>
    %dma_start3A_1394 = arith.constant 0 : i32
    %dma_start3A_1395 = arith.constant 0 : i32
    %dma_start3A_1396 = tpu.memref_slice %arg12[%dma_start3A_1383, %dma_start3A_1394, %dma_start3A_1395] : memref<2x128x64xf32, #tpu.memory_space<vmem>> -> memref<1x128x64xf32, #tpu.memory_space<vmem>>
    %dma_start3A_1397 = tpu.memref_squeeze %dma_start3A_1396 : memref<1x128x64xf32, #tpu.memory_space<vmem>> -> memref<128x64xf32, #tpu.memory_space<vmem>>
    tpu.enqueue_dma source(%dma_start3A_1397 : memref<128x64xf32, #tpu.memory_space<vmem>>) target(%dma_start3A_1393 : memref<128x64xf32, #tpu.memory_space<hbm>>) target_semaphore(%arg15 : memref<!tpu.dma_semaphore, #tpu.memory_space<semaphore_mem>>)
    %dma_wait3A_1398 = arith.constant 0 : i32
    %dma_wait3A_1399 = arith.constant 0 : i32
    %dma_wait3A_1400 = arith.constant 0 : i32
    %dma_wait3A_1401 = tpu.memref_slice %arg12[%dma_wait3A_1398, %dma_wait3A_1399, %dma_wait3A_1400] : memref<2x128x64xf32, #tpu.memory_space<vmem>> -> memref<1x128x64xf32, #tpu.memory_space<vmem>>
    %dma_wait3A_1402 = tpu.memref_squeeze %dma_wait3A_1401 : memref<1x128x64xf32, #tpu.memory_space<vmem>> -> memref<128x64xf32, #tpu.memory_space<vmem>>
    %dma_wait3A_1403 = arith.constant 0 : i32
    %dma_wait3A_1404 = tpu.memref_slice %arg6[%select_n3A, %mul3A_1382, %dma_wait3A_1403] : memref<4x32768x64xf32, #tpu.memory_space<hbm>> -> memref<1x128x64xf32, #tpu.memory_space<hbm>>
    %dma_wait3A_1405 = tpu.memref_squeeze %dma_wait3A_1404 : memref<1x128x64xf32, #tpu.memory_space<hbm>> -> memref<128x64xf32, #tpu.memory_space<hbm>>
    %dma_wait3A_1406 = arith.constant 0 : i32
    %dma_wait3A_1407 = tpu.memref_slice %arg6[%select_n3A, %mul3A_1382, %dma_wait3A_1406] : memref<4x32768x64xf32, #tpu.memory_space<hbm>> -> memref<1x128x64xf32, #tpu.memory_space<hbm>>
    %dma_wait3A_1408 = tpu.memref_squeeze %dma_wait3A_1407 : memref<1x128x64xf32, #tpu.memory_space<hbm>> -> memref<128x64xf32, #tpu.memory_space<hbm>>
    %dma_wait3A_1409 = arith.constant 0 : i32
    %dma_wait3A_1410 = arith.constant 0 : i32
    %dma_wait3A_1411 = tpu.memref_slice %arg12[%dma_wait3A_1398, %dma_wait3A_1409, %dma_wait3A_1410] : memref<2x128x64xf32, #tpu.memory_space<vmem>> -> memref<1x128x64xf32, #tpu.memory_space<vmem>>
    %dma_wait3A_1412 = tpu.memref_squeeze %dma_wait3A_1411 : memref<1x128x64xf32, #tpu.memory_space<vmem>> -> memref<128x64xf32, #tpu.memory_space<vmem>>
    tpu.wait_dma2 semaphore(%arg15 : memref<!tpu.dma_semaphore, #tpu.memory_space<semaphore_mem>>) src(%dma_wait3A_1412 : memref<128x64xf32, #tpu.memory_space<vmem>>) dst(%dma_wait3A_1408 : memref<128x64xf32, #tpu.memory_space<hbm>>)
    %dma_start3A_1413 = arith.constant 0 : i32
    %dma_start3A_1414 = arith.constant 0 : i32
    %dma_start3A_1415 = arith.constant 0 : i32
    %dma_start3A_1416 = tpu.memref_slice %arg12[%dma_start3A_1413, %dma_start3A_1414, %dma_start3A_1415] : memref<2x128x64xf32, #tpu.memory_space<vmem>> -> memref<1x128x64xf32, #tpu.memory_space<vmem>>
    %dma_start3A_1417 = tpu.memref_squeeze %dma_start3A_1416 : memref<1x128x64xf32, #tpu.memory_space<vmem>> -> memref<128x64xf32, #tpu.memory_space<vmem>>
    %dma_start3A_1418 = arith.constant 3328 : i32
    %dma_start3A_1419 = tpu.memref_slice %arg10[%dma_start3A_1418] : memref<4096xi32, #tpu.memory_space<vmem>> -> memref<128xi32, #tpu.memory_space<vmem>>
    %dma_start3A_1420 = arith.constant 0 : i32
    %dma_start3A_1421 = arith.constant 0 : i32
    %dma_start3A_1422 = tpu.memref_slice %arg4[%dma_start3A_1420, %dma_start3A_1421] : memref<16384x64xf32, #tpu.memory_space<hbm>> -> memref<16384x64xf32, #tpu.memory_space<hbm>>
    tpu.enqueue_indirect_dma source(%dma_start3A_1422 : memref<16384x64xf32, #tpu.memory_space<hbm>>) target(%dma_start3A_1417 : memref<128x64xf32, #tpu.memory_space<vmem>>) offsets(%dma_start3A_1419 : memref<128xi32, #tpu.memory_space<vmem>>) semaphore(%arg13 : memref<!tpu.dma_semaphore, #tpu.memory_space<semaphore_mem>>)
    %dma_wait3A_1423 = arith.constant 1 : i32
    %dma_wait3A_1424 = arith.constant 0 : i32
    %dma_wait3A_1425 = arith.constant 0 : i32
    %dma_wait3A_1426 = tpu.memref_slice %arg12[%dma_wait3A_1423, %dma_wait3A_1424, %dma_wait3A_1425] : memref<2x128x64xf32, #tpu.memory_space<vmem>> -> memref<1x128x64xf32, #tpu.memory_space<vmem>>
    %dma_wait3A_1427 = tpu.memref_squeeze %dma_wait3A_1426 : memref<1x128x64xf32, #tpu.memory_space<vmem>> -> memref<128x64xf32, #tpu.memory_space<vmem>>
    %dma_wait3A_1428 = arith.constant 3200 : i32
    %dma_wait3A_1429 = tpu.memref_slice %arg10[%dma_wait3A_1428] : memref<4096xi32, #tpu.memory_space<vmem>> -> memref<128xi32, #tpu.memory_space<vmem>>
    %dma_wait3A_1430 = arith.constant 0 : i32
    %dma_wait3A_1431 = arith.constant 0 : i32
    %dma_wait3A_1432 = tpu.memref_slice %arg4[%dma_wait3A_1430, %dma_wait3A_1431] : memref<16384x64xf32, #tpu.memory_space<hbm>> -> memref<16384x64xf32, #tpu.memory_space<hbm>>
    tpu.wait_indirect_dma semaphore(%arg14 : memref<!tpu.dma_semaphore, #tpu.memory_space<semaphore_mem>>) src(%dma_wait3A_1432 : memref<16384x64xf32, #tpu.memory_space<hbm>>) dst(%dma_wait3A_1427 : memref<128x64xf32, #tpu.memory_space<vmem>>)
    %add3A_1433 = arith.constant 100 : i32
    %add3A_1434 = arith.addi %mul3A_32, %add3A_1433 : i32
    %mul3A_1435 = arith.constant 32 : i32
    %mul3A_1436 = arith.muli %add3A_1434, %mul3A_1435 : i32
    %dma_start3A_1437 = arith.constant 1 : i32
    %dma_start3A_1438 = arith.constant 0 : i32
    %dma_start3A_1439 = arith.constant 0 : i32
    %dma_start3A_1440 = tpu.memref_slice %arg12[%dma_start3A_1437, %dma_start3A_1438, %dma_start3A_1439] : memref<2x128x64xf32, #tpu.memory_space<vmem>> -> memref<1x128x64xf32, #tpu.memory_space<vmem>>
    %dma_start3A_1441 = tpu.memref_squeeze %dma_start3A_1440 : memref<1x128x64xf32, #tpu.memory_space<vmem>> -> memref<128x64xf32, #tpu.memory_space<vmem>>
    %dma_start3A_1442 = arith.constant 0 : i32
    %dma_start3A_1443 = tpu.memref_slice %arg6[%select_n3A, %mul3A_1436, %dma_start3A_1442] : memref<4x32768x64xf32, #tpu.memory_space<hbm>> -> memref<1x128x64xf32, #tpu.memory_space<hbm>>
    %dma_start3A_1444 = tpu.memref_squeeze %dma_start3A_1443 : memref<1x128x64xf32, #tpu.memory_space<hbm>> -> memref<128x64xf32, #tpu.memory_space<hbm>>
    %dma_start3A_1445 = arith.constant 0 : i32
    %dma_start3A_1446 = tpu.memref_slice %arg6[%select_n3A, %mul3A_1436, %dma_start3A_1445] : memref<4x32768x64xf32, #tpu.memory_space<hbm>> -> memref<1x128x64xf32, #tpu.memory_space<hbm>>
    %dma_start3A_1447 = tpu.memref_squeeze %dma_start3A_1446 : memref<1x128x64xf32, #tpu.memory_space<hbm>> -> memref<128x64xf32, #tpu.memory_space<hbm>>
    %dma_start3A_1448 = arith.constant 0 : i32
    %dma_start3A_1449 = arith.constant 0 : i32
    %dma_start3A_1450 = tpu.memref_slice %arg12[%dma_start3A_1437, %dma_start3A_1448, %dma_start3A_1449] : memref<2x128x64xf32, #tpu.memory_space<vmem>> -> memref<1x128x64xf32, #tpu.memory_space<vmem>>
    %dma_start3A_1451 = tpu.memref_squeeze %dma_start3A_1450 : memref<1x128x64xf32, #tpu.memory_space<vmem>> -> memref<128x64xf32, #tpu.memory_space<vmem>>
    tpu.enqueue_dma source(%dma_start3A_1451 : memref<128x64xf32, #tpu.memory_space<vmem>>) target(%dma_start3A_1447 : memref<128x64xf32, #tpu.memory_space<hbm>>) target_semaphore(%arg16 : memref<!tpu.dma_semaphore, #tpu.memory_space<semaphore_mem>>)
    %dma_wait3A_1452 = arith.constant 1 : i32
    %dma_wait3A_1453 = arith.constant 0 : i32
    %dma_wait3A_1454 = arith.constant 0 : i32
    %dma_wait3A_1455 = tpu.memref_slice %arg12[%dma_wait3A_1452, %dma_wait3A_1453, %dma_wait3A_1454] : memref<2x128x64xf32, #tpu.memory_space<vmem>> -> memref<1x128x64xf32, #tpu.memory_space<vmem>>
    %dma_wait3A_1456 = tpu.memref_squeeze %dma_wait3A_1455 : memref<1x128x64xf32, #tpu.memory_space<vmem>> -> memref<128x64xf32, #tpu.memory_space<vmem>>
    %dma_wait3A_1457 = arith.constant 0 : i32
    %dma_wait3A_1458 = tpu.memref_slice %arg6[%select_n3A, %mul3A_1436, %dma_wait3A_1457] : memref<4x32768x64xf32, #tpu.memory_space<hbm>> -> memref<1x128x64xf32, #tpu.memory_space<hbm>>
    %dma_wait3A_1459 = tpu.memref_squeeze %dma_wait3A_1458 : memref<1x128x64xf32, #tpu.memory_space<hbm>> -> memref<128x64xf32, #tpu.memory_space<hbm>>
    %dma_wait3A_1460 = arith.constant 0 : i32
    %dma_wait3A_1461 = tpu.memref_slice %arg6[%select_n3A, %mul3A_1436, %dma_wait3A_1460] : memref<4x32768x64xf32, #tpu.memory_space<hbm>> -> memref<1x128x64xf32, #tpu.memory_space<hbm>>
    %dma_wait3A_1462 = tpu.memref_squeeze %dma_wait3A_1461 : memref<1x128x64xf32, #tpu.memory_space<hbm>> -> memref<128x64xf32, #tpu.memory_space<hbm>>
    %dma_wait3A_1463 = arith.constant 0 : i32
    %dma_wait3A_1464 = arith.constant 0 : i32
    %dma_wait3A_1465 = tpu.memref_slice %arg12[%dma_wait3A_1452, %dma_wait3A_1463, %dma_wait3A_1464] : memref<2x128x64xf32, #tpu.memory_space<vmem>> -> memref<1x128x64xf32, #tpu.memory_space<vmem>>
    %dma_wait3A_1466 = tpu.memref_squeeze %dma_wait3A_1465 : memref<1x128x64xf32, #tpu.memory_space<vmem>> -> memref<128x64xf32, #tpu.memory_space<vmem>>
    tpu.wait_dma2 semaphore(%arg16 : memref<!tpu.dma_semaphore, #tpu.memory_space<semaphore_mem>>) src(%dma_wait3A_1466 : memref<128x64xf32, #tpu.memory_space<vmem>>) dst(%dma_wait3A_1462 : memref<128x64xf32, #tpu.memory_space<hbm>>)
    %dma_start3A_1467 = arith.constant 1 : i32
    %dma_start3A_1468 = arith.constant 0 : i32
    %dma_start3A_1469 = arith.constant 0 : i32
    %dma_start3A_1470 = tpu.memref_slice %arg12[%dma_start3A_1467, %dma_start3A_1468, %dma_start3A_1469] : memref<2x128x64xf32, #tpu.memory_space<vmem>> -> memref<1x128x64xf32, #tpu.memory_space<vmem>>
    %dma_start3A_1471 = tpu.memref_squeeze %dma_start3A_1470 : memref<1x128x64xf32, #tpu.memory_space<vmem>> -> memref<128x64xf32, #tpu.memory_space<vmem>>
    %dma_start3A_1472 = arith.constant 3456 : i32
    %dma_start3A_1473 = tpu.memref_slice %arg10[%dma_start3A_1472] : memref<4096xi32, #tpu.memory_space<vmem>> -> memref<128xi32, #tpu.memory_space<vmem>>
    %dma_start3A_1474 = arith.constant 0 : i32
    %dma_start3A_1475 = arith.constant 0 : i32
    %dma_start3A_1476 = tpu.memref_slice %arg4[%dma_start3A_1474, %dma_start3A_1475] : memref<16384x64xf32, #tpu.memory_space<hbm>> -> memref<16384x64xf32, #tpu.memory_space<hbm>>
    tpu.enqueue_indirect_dma source(%dma_start3A_1476 : memref<16384x64xf32, #tpu.memory_space<hbm>>) target(%dma_start3A_1471 : memref<128x64xf32, #tpu.memory_space<vmem>>) offsets(%dma_start3A_1473 : memref<128xi32, #tpu.memory_space<vmem>>) semaphore(%arg14 : memref<!tpu.dma_semaphore, #tpu.memory_space<semaphore_mem>>)
    %dma_wait3A_1477 = arith.constant 0 : i32
    %dma_wait3A_1478 = arith.constant 0 : i32
    %dma_wait3A_1479 = arith.constant 0 : i32
    %dma_wait3A_1480 = tpu.memref_slice %arg12[%dma_wait3A_1477, %dma_wait3A_1478, %dma_wait3A_1479] : memref<2x128x64xf32, #tpu.memory_space<vmem>> -> memref<1x128x64xf32, #tpu.memory_space<vmem>>
    %dma_wait3A_1481 = tpu.memref_squeeze %dma_wait3A_1480 : memref<1x128x64xf32, #tpu.memory_space<vmem>> -> memref<128x64xf32, #tpu.memory_space<vmem>>
    %dma_wait3A_1482 = arith.constant 3328 : i32
    %dma_wait3A_1483 = tpu.memref_slice %arg10[%dma_wait3A_1482] : memref<4096xi32, #tpu.memory_space<vmem>> -> memref<128xi32, #tpu.memory_space<vmem>>
    %dma_wait3A_1484 = arith.constant 0 : i32
    %dma_wait3A_1485 = arith.constant 0 : i32
    %dma_wait3A_1486 = tpu.memref_slice %arg4[%dma_wait3A_1484, %dma_wait3A_1485] : memref<16384x64xf32, #tpu.memory_space<hbm>> -> memref<16384x64xf32, #tpu.memory_space<hbm>>
    tpu.wait_indirect_dma semaphore(%arg13 : memref<!tpu.dma_semaphore, #tpu.memory_space<semaphore_mem>>) src(%dma_wait3A_1486 : memref<16384x64xf32, #tpu.memory_space<hbm>>) dst(%dma_wait3A_1481 : memref<128x64xf32, #tpu.memory_space<vmem>>)
    %add3A_1487 = arith.constant 104 : i32
    %add3A_1488 = arith.addi %mul3A_32, %add3A_1487 : i32
    %mul3A_1489 = arith.constant 32 : i32
    %mul3A_1490 = arith.muli %add3A_1488, %mul3A_1489 : i32
    %dma_start3A_1491 = arith.constant 0 : i32
    %dma_start3A_1492 = arith.constant 0 : i32
    %dma_start3A_1493 = arith.constant 0 : i32
    %dma_start3A_1494 = tpu.memref_slice %arg12[%dma_start3A_1491, %dma_start3A_1492, %dma_start3A_1493] : memref<2x128x64xf32, #tpu.memory_space<vmem>> -> memref<1x128x64xf32, #tpu.memory_space<vmem>>
    %dma_start3A_1495 = tpu.memref_squeeze %dma_start3A_1494 : memref<1x128x64xf32, #tpu.memory_space<vmem>> -> memref<128x64xf32, #tpu.memory_space<vmem>>
    %dma_start3A_1496 = arith.constant 0 : i32
    %dma_start3A_1497 = tpu.memref_slice %arg6[%select_n3A, %mul3A_1490, %dma_start3A_1496] : memref<4x32768x64xf32, #tpu.memory_space<hbm>> -> memref<1x128x64xf32, #tpu.memory_space<hbm>>
    %dma_start3A_1498 = tpu.memref_squeeze %dma_start3A_1497 : memref<1x128x64xf32, #tpu.memory_space<hbm>> -> memref<128x64xf32, #tpu.memory_space<hbm>>
    %dma_start3A_1499 = arith.constant 0 : i32
    %dma_start3A_1500 = tpu.memref_slice %arg6[%select_n3A, %mul3A_1490, %dma_start3A_1499] : memref<4x32768x64xf32, #tpu.memory_space<hbm>> -> memref<1x128x64xf32, #tpu.memory_space<hbm>>
    %dma_start3A_1501 = tpu.memref_squeeze %dma_start3A_1500 : memref<1x128x64xf32, #tpu.memory_space<hbm>> -> memref<128x64xf32, #tpu.memory_space<hbm>>
    %dma_start3A_1502 = arith.constant 0 : i32
    %dma_start3A_1503 = arith.constant 0 : i32
    %dma_start3A_1504 = tpu.memref_slice %arg12[%dma_start3A_1491, %dma_start3A_1502, %dma_start3A_1503] : memref<2x128x64xf32, #tpu.memory_space<vmem>> -> memref<1x128x64xf32, #tpu.memory_space<vmem>>
    %dma_start3A_1505 = tpu.memref_squeeze %dma_start3A_1504 : memref<1x128x64xf32, #tpu.memory_space<vmem>> -> memref<128x64xf32, #tpu.memory_space<vmem>>
    tpu.enqueue_dma source(%dma_start3A_1505 : memref<128x64xf32, #tpu.memory_space<vmem>>) target(%dma_start3A_1501 : memref<128x64xf32, #tpu.memory_space<hbm>>) target_semaphore(%arg15 : memref<!tpu.dma_semaphore, #tpu.memory_space<semaphore_mem>>)
    %dma_wait3A_1506 = arith.constant 0 : i32
    %dma_wait3A_1507 = arith.constant 0 : i32
    %dma_wait3A_1508 = arith.constant 0 : i32
    %dma_wait3A_1509 = tpu.memref_slice %arg12[%dma_wait3A_1506, %dma_wait3A_1507, %dma_wait3A_1508] : memref<2x128x64xf32, #tpu.memory_space<vmem>> -> memref<1x128x64xf32, #tpu.memory_space<vmem>>
    %dma_wait3A_1510 = tpu.memref_squeeze %dma_wait3A_1509 : memref<1x128x64xf32, #tpu.memory_space<vmem>> -> memref<128x64xf32, #tpu.memory_space<vmem>>
    %dma_wait3A_1511 = arith.constant 0 : i32
    %dma_wait3A_1512 = tpu.memref_slice %arg6[%select_n3A, %mul3A_1490, %dma_wait3A_1511] : memref<4x32768x64xf32, #tpu.memory_space<hbm>> -> memref<1x128x64xf32, #tpu.memory_space<hbm>>
    %dma_wait3A_1513 = tpu.memref_squeeze %dma_wait3A_1512 : memref<1x128x64xf32, #tpu.memory_space<hbm>> -> memref<128x64xf32, #tpu.memory_space<hbm>>
    %dma_wait3A_1514 = arith.constant 0 : i32
    %dma_wait3A_1515 = tpu.memref_slice %arg6[%select_n3A, %mul3A_1490, %dma_wait3A_1514] : memref<4x32768x64xf32, #tpu.memory_space<hbm>> -> memref<1x128x64xf32, #tpu.memory_space<hbm>>
    %dma_wait3A_1516 = tpu.memref_squeeze %dma_wait3A_1515 : memref<1x128x64xf32, #tpu.memory_space<hbm>> -> memref<128x64xf32, #tpu.memory_space<hbm>>
    %dma_wait3A_1517 = arith.constant 0 : i32
    %dma_wait3A_1518 = arith.constant 0 : i32
    %dma_wait3A_1519 = tpu.memref_slice %arg12[%dma_wait3A_1506, %dma_wait3A_1517, %dma_wait3A_1518] : memref<2x128x64xf32, #tpu.memory_space<vmem>> -> memref<1x128x64xf32, #tpu.memory_space<vmem>>
    %dma_wait3A_1520 = tpu.memref_squeeze %dma_wait3A_1519 : memref<1x128x64xf32, #tpu.memory_space<vmem>> -> memref<128x64xf32, #tpu.memory_space<vmem>>
    tpu.wait_dma2 semaphore(%arg15 : memref<!tpu.dma_semaphore, #tpu.memory_space<semaphore_mem>>) src(%dma_wait3A_1520 : memref<128x64xf32, #tpu.memory_space<vmem>>) dst(%dma_wait3A_1516 : memref<128x64xf32, #tpu.memory_space<hbm>>)
    %dma_start3A_1521 = arith.constant 0 : i32
    %dma_start3A_1522 = arith.constant 0 : i32
    %dma_start3A_1523 = arith.constant 0 : i32
    %dma_start3A_1524 = tpu.memref_slice %arg12[%dma_start3A_1521, %dma_start3A_1522, %dma_start3A_1523] : memref<2x128x64xf32, #tpu.memory_space<vmem>> -> memref<1x128x64xf32, #tpu.memory_space<vmem>>
    %dma_start3A_1525 = tpu.memref_squeeze %dma_start3A_1524 : memref<1x128x64xf32, #tpu.memory_space<vmem>> -> memref<128x64xf32, #tpu.memory_space<vmem>>
    %dma_start3A_1526 = arith.constant 3584 : i32
    %dma_start3A_1527 = tpu.memref_slice %arg10[%dma_start3A_1526] : memref<4096xi32, #tpu.memory_space<vmem>> -> memref<128xi32, #tpu.memory_space<vmem>>
    %dma_start3A_1528 = arith.constant 0 : i32
    %dma_start3A_1529 = arith.constant 0 : i32
    %dma_start3A_1530 = tpu.memref_slice %arg4[%dma_start3A_1528, %dma_start3A_1529] : memref<16384x64xf32, #tpu.memory_space<hbm>> -> memref<16384x64xf32, #tpu.memory_space<hbm>>
    tpu.enqueue_indirect_dma source(%dma_start3A_1530 : memref<16384x64xf32, #tpu.memory_space<hbm>>) target(%dma_start3A_1525 : memref<128x64xf32, #tpu.memory_space<vmem>>) offsets(%dma_start3A_1527 : memref<128xi32, #tpu.memory_space<vmem>>) semaphore(%arg13 : memref<!tpu.dma_semaphore, #tpu.memory_space<semaphore_mem>>)
    %dma_wait3A_1531 = arith.constant 1 : i32
    %dma_wait3A_1532 = arith.constant 0 : i32
    %dma_wait3A_1533 = arith.constant 0 : i32
    %dma_wait3A_1534 = tpu.memref_slice %arg12[%dma_wait3A_1531, %dma_wait3A_1532, %dma_wait3A_1533] : memref<2x128x64xf32, #tpu.memory_space<vmem>> -> memref<1x128x64xf32, #tpu.memory_space<vmem>>
    %dma_wait3A_1535 = tpu.memref_squeeze %dma_wait3A_1534 : memref<1x128x64xf32, #tpu.memory_space<vmem>> -> memref<128x64xf32, #tpu.memory_space<vmem>>
    %dma_wait3A_1536 = arith.constant 3456 : i32
    %dma_wait3A_1537 = tpu.memref_slice %arg10[%dma_wait3A_1536] : memref<4096xi32, #tpu.memory_space<vmem>> -> memref<128xi32, #tpu.memory_space<vmem>>
    %dma_wait3A_1538 = arith.constant 0 : i32
    %dma_wait3A_1539 = arith.constant 0 : i32
    %dma_wait3A_1540 = tpu.memref_slice %arg4[%dma_wait3A_1538, %dma_wait3A_1539] : memref<16384x64xf32, #tpu.memory_space<hbm>> -> memref<16384x64xf32, #tpu.memory_space<hbm>>
    tpu.wait_indirect_dma semaphore(%arg14 : memref<!tpu.dma_semaphore, #tpu.memory_space<semaphore_mem>>) src(%dma_wait3A_1540 : memref<16384x64xf32, #tpu.memory_space<hbm>>) dst(%dma_wait3A_1535 : memref<128x64xf32, #tpu.memory_space<vmem>>)
    %add3A_1541 = arith.constant 108 : i32
    %add3A_1542 = arith.addi %mul3A_32, %add3A_1541 : i32
    %mul3A_1543 = arith.constant 32 : i32
    %mul3A_1544 = arith.muli %add3A_1542, %mul3A_1543 : i32
    %dma_start3A_1545 = arith.constant 1 : i32
    %dma_start3A_1546 = arith.constant 0 : i32
    %dma_start3A_1547 = arith.constant 0 : i32
    %dma_start3A_1548 = tpu.memref_slice %arg12[%dma_start3A_1545, %dma_start3A_1546, %dma_start3A_1547] : memref<2x128x64xf32, #tpu.memory_space<vmem>> -> memref<1x128x64xf32, #tpu.memory_space<vmem>>
    %dma_start3A_1549 = tpu.memref_squeeze %dma_start3A_1548 : memref<1x128x64xf32, #tpu.memory_space<vmem>> -> memref<128x64xf32, #tpu.memory_space<vmem>>
    %dma_start3A_1550 = arith.constant 0 : i32
    %dma_start3A_1551 = tpu.memref_slice %arg6[%select_n3A, %mul3A_1544, %dma_start3A_1550] : memref<4x32768x64xf32, #tpu.memory_space<hbm>> -> memref<1x128x64xf32, #tpu.memory_space<hbm>>
    %dma_start3A_1552 = tpu.memref_squeeze %dma_start3A_1551 : memref<1x128x64xf32, #tpu.memory_space<hbm>> -> memref<128x64xf32, #tpu.memory_space<hbm>>
    %dma_start3A_1553 = arith.constant 0 : i32
    %dma_start3A_1554 = tpu.memref_slice %arg6[%select_n3A, %mul3A_1544, %dma_start3A_1553] : memref<4x32768x64xf32, #tpu.memory_space<hbm>> -> memref<1x128x64xf32, #tpu.memory_space<hbm>>
    %dma_start3A_1555 = tpu.memref_squeeze %dma_start3A_1554 : memref<1x128x64xf32, #tpu.memory_space<hbm>> -> memref<128x64xf32, #tpu.memory_space<hbm>>
    %dma_start3A_1556 = arith.constant 0 : i32
    %dma_start3A_1557 = arith.constant 0 : i32
    %dma_start3A_1558 = tpu.memref_slice %arg12[%dma_start3A_1545, %dma_start3A_1556, %dma_start3A_1557] : memref<2x128x64xf32, #tpu.memory_space<vmem>> -> memref<1x128x64xf32, #tpu.memory_space<vmem>>
    %dma_start3A_1559 = tpu.memref_squeeze %dma_start3A_1558 : memref<1x128x64xf32, #tpu.memory_space<vmem>> -> memref<128x64xf32, #tpu.memory_space<vmem>>
    tpu.enqueue_dma source(%dma_start3A_1559 : memref<128x64xf32, #tpu.memory_space<vmem>>) target(%dma_start3A_1555 : memref<128x64xf32, #tpu.memory_space<hbm>>) target_semaphore(%arg16 : memref<!tpu.dma_semaphore, #tpu.memory_space<semaphore_mem>>)
    %dma_wait3A_1560 = arith.constant 1 : i32
    %dma_wait3A_1561 = arith.constant 0 : i32
    %dma_wait3A_1562 = arith.constant 0 : i32
    %dma_wait3A_1563 = tpu.memref_slice %arg12[%dma_wait3A_1560, %dma_wait3A_1561, %dma_wait3A_1562] : memref<2x128x64xf32, #tpu.memory_space<vmem>> -> memref<1x128x64xf32, #tpu.memory_space<vmem>>
    %dma_wait3A_1564 = tpu.memref_squeeze %dma_wait3A_1563 : memref<1x128x64xf32, #tpu.memory_space<vmem>> -> memref<128x64xf32, #tpu.memory_space<vmem>>
    %dma_wait3A_1565 = arith.constant 0 : i32
    %dma_wait3A_1566 = tpu.memref_slice %arg6[%select_n3A, %mul3A_1544, %dma_wait3A_1565] : memref<4x32768x64xf32, #tpu.memory_space<hbm>> -> memref<1x128x64xf32, #tpu.memory_space<hbm>>
    %dma_wait3A_1567 = tpu.memref_squeeze %dma_wait3A_1566 : memref<1x128x64xf32, #tpu.memory_space<hbm>> -> memref<128x64xf32, #tpu.memory_space<hbm>>
    %dma_wait3A_1568 = arith.constant 0 : i32
    %dma_wait3A_1569 = tpu.memref_slice %arg6[%select_n3A, %mul3A_1544, %dma_wait3A_1568] : memref<4x32768x64xf32, #tpu.memory_space<hbm>> -> memref<1x128x64xf32, #tpu.memory_space<hbm>>
    %dma_wait3A_1570 = tpu.memref_squeeze %dma_wait3A_1569 : memref<1x128x64xf32, #tpu.memory_space<hbm>> -> memref<128x64xf32, #tpu.memory_space<hbm>>
    %dma_wait3A_1571 = arith.constant 0 : i32
    %dma_wait3A_1572 = arith.constant 0 : i32
    %dma_wait3A_1573 = tpu.memref_slice %arg12[%dma_wait3A_1560, %dma_wait3A_1571, %dma_wait3A_1572] : memref<2x128x64xf32, #tpu.memory_space<vmem>> -> memref<1x128x64xf32, #tpu.memory_space<vmem>>
    %dma_wait3A_1574 = tpu.memref_squeeze %dma_wait3A_1573 : memref<1x128x64xf32, #tpu.memory_space<vmem>> -> memref<128x64xf32, #tpu.memory_space<vmem>>
    tpu.wait_dma2 semaphore(%arg16 : memref<!tpu.dma_semaphore, #tpu.memory_space<semaphore_mem>>) src(%dma_wait3A_1574 : memref<128x64xf32, #tpu.memory_space<vmem>>) dst(%dma_wait3A_1570 : memref<128x64xf32, #tpu.memory_space<hbm>>)
    %dma_start3A_1575 = arith.constant 1 : i32
    %dma_start3A_1576 = arith.constant 0 : i32
    %dma_start3A_1577 = arith.constant 0 : i32
    %dma_start3A_1578 = tpu.memref_slice %arg12[%dma_start3A_1575, %dma_start3A_1576, %dma_start3A_1577] : memref<2x128x64xf32, #tpu.memory_space<vmem>> -> memref<1x128x64xf32, #tpu.memory_space<vmem>>
    %dma_start3A_1579 = tpu.memref_squeeze %dma_start3A_1578 : memref<1x128x64xf32, #tpu.memory_space<vmem>> -> memref<128x64xf32, #tpu.memory_space<vmem>>
    %dma_start3A_1580 = arith.constant 3712 : i32
    %dma_start3A_1581 = tpu.memref_slice %arg10[%dma_start3A_1580] : memref<4096xi32, #tpu.memory_space<vmem>> -> memref<128xi32, #tpu.memory_space<vmem>>
    %dma_start3A_1582 = arith.constant 0 : i32
    %dma_start3A_1583 = arith.constant 0 : i32
    %dma_start3A_1584 = tpu.memref_slice %arg4[%dma_start3A_1582, %dma_start3A_1583] : memref<16384x64xf32, #tpu.memory_space<hbm>> -> memref<16384x64xf32, #tpu.memory_space<hbm>>
    tpu.enqueue_indirect_dma source(%dma_start3A_1584 : memref<16384x64xf32, #tpu.memory_space<hbm>>) target(%dma_start3A_1579 : memref<128x64xf32, #tpu.memory_space<vmem>>) offsets(%dma_start3A_1581 : memref<128xi32, #tpu.memory_space<vmem>>) semaphore(%arg14 : memref<!tpu.dma_semaphore, #tpu.memory_space<semaphore_mem>>)
    %dma_wait3A_1585 = arith.constant 0 : i32
    %dma_wait3A_1586 = arith.constant 0 : i32
    %dma_wait3A_1587 = arith.constant 0 : i32
    %dma_wait3A_1588 = tpu.memref_slice %arg12[%dma_wait3A_1585, %dma_wait3A_1586, %dma_wait3A_1587] : memref<2x128x64xf32, #tpu.memory_space<vmem>> -> memref<1x128x64xf32, #tpu.memory_space<vmem>>
    %dma_wait3A_1589 = tpu.memref_squeeze %dma_wait3A_1588 : memref<1x128x64xf32, #tpu.memory_space<vmem>> -> memref<128x64xf32, #tpu.memory_space<vmem>>
    %dma_wait3A_1590 = arith.constant 3584 : i32
    %dma_wait3A_1591 = tpu.memref_slice %arg10[%dma_wait3A_1590] : memref<4096xi32, #tpu.memory_space<vmem>> -> memref<128xi32, #tpu.memory_space<vmem>>
    %dma_wait3A_1592 = arith.constant 0 : i32
    %dma_wait3A_1593 = arith.constant 0 : i32
    %dma_wait3A_1594 = tpu.memref_slice %arg4[%dma_wait3A_1592, %dma_wait3A_1593] : memref<16384x64xf32, #tpu.memory_space<hbm>> -> memref<16384x64xf32, #tpu.memory_space<hbm>>
    tpu.wait_indirect_dma semaphore(%arg13 : memref<!tpu.dma_semaphore, #tpu.memory_space<semaphore_mem>>) src(%dma_wait3A_1594 : memref<16384x64xf32, #tpu.memory_space<hbm>>) dst(%dma_wait3A_1589 : memref<128x64xf32, #tpu.memory_space<vmem>>)
    %add3A_1595 = arith.constant 112 : i32
    %add3A_1596 = arith.addi %mul3A_32, %add3A_1595 : i32
    %mul3A_1597 = arith.constant 32 : i32
    %mul3A_1598 = arith.muli %add3A_1596, %mul3A_1597 : i32
    %dma_start3A_1599 = arith.constant 0 : i32
    %dma_start3A_1600 = arith.constant 0 : i32
    %dma_start3A_1601 = arith.constant 0 : i32
    %dma_start3A_1602 = tpu.memref_slice %arg12[%dma_start3A_1599, %dma_start3A_1600, %dma_start3A_1601] : memref<2x128x64xf32, #tpu.memory_space<vmem>> -> memref<1x128x64xf32, #tpu.memory_space<vmem>>
    %dma_start3A_1603 = tpu.memref_squeeze %dma_start3A_1602 : memref<1x128x64xf32, #tpu.memory_space<vmem>> -> memref<128x64xf32, #tpu.memory_space<vmem>>
    %dma_start3A_1604 = arith.constant 0 : i32
    %dma_start3A_1605 = tpu.memref_slice %arg6[%select_n3A, %mul3A_1598, %dma_start3A_1604] : memref<4x32768x64xf32, #tpu.memory_space<hbm>> -> memref<1x128x64xf32, #tpu.memory_space<hbm>>
    %dma_start3A_1606 = tpu.memref_squeeze %dma_start3A_1605 : memref<1x128x64xf32, #tpu.memory_space<hbm>> -> memref<128x64xf32, #tpu.memory_space<hbm>>
    %dma_start3A_1607 = arith.constant 0 : i32
    %dma_start3A_1608 = tpu.memref_slice %arg6[%select_n3A, %mul3A_1598, %dma_start3A_1607] : memref<4x32768x64xf32, #tpu.memory_space<hbm>> -> memref<1x128x64xf32, #tpu.memory_space<hbm>>
    %dma_start3A_1609 = tpu.memref_squeeze %dma_start3A_1608 : memref<1x128x64xf32, #tpu.memory_space<hbm>> -> memref<128x64xf32, #tpu.memory_space<hbm>>
    %dma_start3A_1610 = arith.constant 0 : i32
    %dma_start3A_1611 = arith.constant 0 : i32
    %dma_start3A_1612 = tpu.memref_slice %arg12[%dma_start3A_1599, %dma_start3A_1610, %dma_start3A_1611] : memref<2x128x64xf32, #tpu.memory_space<vmem>> -> memref<1x128x64xf32, #tpu.memory_space<vmem>>
    %dma_start3A_1613 = tpu.memref_squeeze %dma_start3A_1612 : memref<1x128x64xf32, #tpu.memory_space<vmem>> -> memref<128x64xf32, #tpu.memory_space<vmem>>
    tpu.enqueue_dma source(%dma_start3A_1613 : memref<128x64xf32, #tpu.memory_space<vmem>>) target(%dma_start3A_1609 : memref<128x64xf32, #tpu.memory_space<hbm>>) target_semaphore(%arg15 : memref<!tpu.dma_semaphore, #tpu.memory_space<semaphore_mem>>)
    %dma_wait3A_1614 = arith.constant 0 : i32
    %dma_wait3A_1615 = arith.constant 0 : i32
    %dma_wait3A_1616 = arith.constant 0 : i32
    %dma_wait3A_1617 = tpu.memref_slice %arg12[%dma_wait3A_1614, %dma_wait3A_1615, %dma_wait3A_1616] : memref<2x128x64xf32, #tpu.memory_space<vmem>> -> memref<1x128x64xf32, #tpu.memory_space<vmem>>
    %dma_wait3A_1618 = tpu.memref_squeeze %dma_wait3A_1617 : memref<1x128x64xf32, #tpu.memory_space<vmem>> -> memref<128x64xf32, #tpu.memory_space<vmem>>
    %dma_wait3A_1619 = arith.constant 0 : i32
    %dma_wait3A_1620 = tpu.memref_slice %arg6[%select_n3A, %mul3A_1598, %dma_wait3A_1619] : memref<4x32768x64xf32, #tpu.memory_space<hbm>> -> memref<1x128x64xf32, #tpu.memory_space<hbm>>
    %dma_wait3A_1621 = tpu.memref_squeeze %dma_wait3A_1620 : memref<1x128x64xf32, #tpu.memory_space<hbm>> -> memref<128x64xf32, #tpu.memory_space<hbm>>
    %dma_wait3A_1622 = arith.constant 0 : i32
    %dma_wait3A_1623 = tpu.memref_slice %arg6[%select_n3A, %mul3A_1598, %dma_wait3A_1622] : memref<4x32768x64xf32, #tpu.memory_space<hbm>> -> memref<1x128x64xf32, #tpu.memory_space<hbm>>
    %dma_wait3A_1624 = tpu.memref_squeeze %dma_wait3A_1623 : memref<1x128x64xf32, #tpu.memory_space<hbm>> -> memref<128x64xf32, #tpu.memory_space<hbm>>
    %dma_wait3A_1625 = arith.constant 0 : i32
    %dma_wait3A_1626 = arith.constant 0 : i32
    %dma_wait3A_1627 = tpu.memref_slice %arg12[%dma_wait3A_1614, %dma_wait3A_1625, %dma_wait3A_1626] : memref<2x128x64xf32, #tpu.memory_space<vmem>> -> memref<1x128x64xf32, #tpu.memory_space<vmem>>
    %dma_wait3A_1628 = tpu.memref_squeeze %dma_wait3A_1627 : memref<1x128x64xf32, #tpu.memory_space<vmem>> -> memref<128x64xf32, #tpu.memory_space<vmem>>
    tpu.wait_dma2 semaphore(%arg15 : memref<!tpu.dma_semaphore, #tpu.memory_space<semaphore_mem>>) src(%dma_wait3A_1628 : memref<128x64xf32, #tpu.memory_space<vmem>>) dst(%dma_wait3A_1624 : memref<128x64xf32, #tpu.memory_space<hbm>>)
    %dma_start3A_1629 = arith.constant 0 : i32
    %dma_start3A_1630 = arith.constant 0 : i32
    %dma_start3A_1631 = arith.constant 0 : i32
    %dma_start3A_1632 = tpu.memref_slice %arg12[%dma_start3A_1629, %dma_start3A_1630, %dma_start3A_1631] : memref<2x128x64xf32, #tpu.memory_space<vmem>> -> memref<1x128x64xf32, #tpu.memory_space<vmem>>
    %dma_start3A_1633 = tpu.memref_squeeze %dma_start3A_1632 : memref<1x128x64xf32, #tpu.memory_space<vmem>> -> memref<128x64xf32, #tpu.memory_space<vmem>>
    %dma_start3A_1634 = arith.constant 3840 : i32
    %dma_start3A_1635 = tpu.memref_slice %arg10[%dma_start3A_1634] : memref<4096xi32, #tpu.memory_space<vmem>> -> memref<128xi32, #tpu.memory_space<vmem>>
    %dma_start3A_1636 = arith.constant 0 : i32
    %dma_start3A_1637 = arith.constant 0 : i32
    %dma_start3A_1638 = tpu.memref_slice %arg4[%dma_start3A_1636, %dma_start3A_1637] : memref<16384x64xf32, #tpu.memory_space<hbm>> -> memref<16384x64xf32, #tpu.memory_space<hbm>>
    tpu.enqueue_indirect_dma source(%dma_start3A_1638 : memref<16384x64xf32, #tpu.memory_space<hbm>>) target(%dma_start3A_1633 : memref<128x64xf32, #tpu.memory_space<vmem>>) offsets(%dma_start3A_1635 : memref<128xi32, #tpu.memory_space<vmem>>) semaphore(%arg13 : memref<!tpu.dma_semaphore, #tpu.memory_space<semaphore_mem>>)
    %dma_wait3A_1639 = arith.constant 1 : i32
    %dma_wait3A_1640 = arith.constant 0 : i32
    %dma_wait3A_1641 = arith.constant 0 : i32
    %dma_wait3A_1642 = tpu.memref_slice %arg12[%dma_wait3A_1639, %dma_wait3A_1640, %dma_wait3A_1641] : memref<2x128x64xf32, #tpu.memory_space<vmem>> -> memref<1x128x64xf32, #tpu.memory_space<vmem>>
    %dma_wait3A_1643 = tpu.memref_squeeze %dma_wait3A_1642 : memref<1x128x64xf32, #tpu.memory_space<vmem>> -> memref<128x64xf32, #tpu.memory_space<vmem>>
    %dma_wait3A_1644 = arith.constant 3712 : i32
    %dma_wait3A_1645 = tpu.memref_slice %arg10[%dma_wait3A_1644] : memref<4096xi32, #tpu.memory_space<vmem>> -> memref<128xi32, #tpu.memory_space<vmem>>
    %dma_wait3A_1646 = arith.constant 0 : i32
    %dma_wait3A_1647 = arith.constant 0 : i32
    %dma_wait3A_1648 = tpu.memref_slice %arg4[%dma_wait3A_1646, %dma_wait3A_1647] : memref<16384x64xf32, #tpu.memory_space<hbm>> -> memref<16384x64xf32, #tpu.memory_space<hbm>>
    tpu.wait_indirect_dma semaphore(%arg14 : memref<!tpu.dma_semaphore, #tpu.memory_space<semaphore_mem>>) src(%dma_wait3A_1648 : memref<16384x64xf32, #tpu.memory_space<hbm>>) dst(%dma_wait3A_1643 : memref<128x64xf32, #tpu.memory_space<vmem>>)
    %add3A_1649 = arith.constant 116 : i32
    %add3A_1650 = arith.addi %mul3A_32, %add3A_1649 : i32
    %mul3A_1651 = arith.constant 32 : i32
    %mul3A_1652 = arith.muli %add3A_1650, %mul3A_1651 : i32
    %dma_start3A_1653 = arith.constant 1 : i32
    %dma_start3A_1654 = arith.constant 0 : i32
    %dma_start3A_1655 = arith.constant 0 : i32
    %dma_start3A_1656 = tpu.memref_slice %arg12[%dma_start3A_1653, %dma_start3A_1654, %dma_start3A_1655] : memref<2x128x64xf32, #tpu.memory_space<vmem>> -> memref<1x128x64xf32, #tpu.memory_space<vmem>>
    %dma_start3A_1657 = tpu.memref_squeeze %dma_start3A_1656 : memref<1x128x64xf32, #tpu.memory_space<vmem>> -> memref<128x64xf32, #tpu.memory_space<vmem>>
    %dma_start3A_1658 = arith.constant 0 : i32
    %dma_start3A_1659 = tpu.memref_slice %arg6[%select_n3A, %mul3A_1652, %dma_start3A_1658] : memref<4x32768x64xf32, #tpu.memory_space<hbm>> -> memref<1x128x64xf32, #tpu.memory_space<hbm>>
    %dma_start3A_1660 = tpu.memref_squeeze %dma_start3A_1659 : memref<1x128x64xf32, #tpu.memory_space<hbm>> -> memref<128x64xf32, #tpu.memory_space<hbm>>
    %dma_start3A_1661 = arith.constant 0 : i32
    %dma_start3A_1662 = tpu.memref_slice %arg6[%select_n3A, %mul3A_1652, %dma_start3A_1661] : memref<4x32768x64xf32, #tpu.memory_space<hbm>> -> memref<1x128x64xf32, #tpu.memory_space<hbm>>
    %dma_start3A_1663 = tpu.memref_squeeze %dma_start3A_1662 : memref<1x128x64xf32, #tpu.memory_space<hbm>> -> memref<128x64xf32, #tpu.memory_space<hbm>>
    %dma_start3A_1664 = arith.constant 0 : i32
    %dma_start3A_1665 = arith.constant 0 : i32
    %dma_start3A_1666 = tpu.memref_slice %arg12[%dma_start3A_1653, %dma_start3A_1664, %dma_start3A_1665] : memref<2x128x64xf32, #tpu.memory_space<vmem>> -> memref<1x128x64xf32, #tpu.memory_space<vmem>>
    %dma_start3A_1667 = tpu.memref_squeeze %dma_start3A_1666 : memref<1x128x64xf32, #tpu.memory_space<vmem>> -> memref<128x64xf32, #tpu.memory_space<vmem>>
    tpu.enqueue_dma source(%dma_start3A_1667 : memref<128x64xf32, #tpu.memory_space<vmem>>) target(%dma_start3A_1663 : memref<128x64xf32, #tpu.memory_space<hbm>>) target_semaphore(%arg16 : memref<!tpu.dma_semaphore, #tpu.memory_space<semaphore_mem>>)
    %dma_wait3A_1668 = arith.constant 1 : i32
    %dma_wait3A_1669 = arith.constant 0 : i32
    %dma_wait3A_1670 = arith.constant 0 : i32
    %dma_wait3A_1671 = tpu.memref_slice %arg12[%dma_wait3A_1668, %dma_wait3A_1669, %dma_wait3A_1670] : memref<2x128x64xf32, #tpu.memory_space<vmem>> -> memref<1x128x64xf32, #tpu.memory_space<vmem>>
    %dma_wait3A_1672 = tpu.memref_squeeze %dma_wait3A_1671 : memref<1x128x64xf32, #tpu.memory_space<vmem>> -> memref<128x64xf32, #tpu.memory_space<vmem>>
    %dma_wait3A_1673 = arith.constant 0 : i32
    %dma_wait3A_1674 = tpu.memref_slice %arg6[%select_n3A, %mul3A_1652, %dma_wait3A_1673] : memref<4x32768x64xf32, #tpu.memory_space<hbm>> -> memref<1x128x64xf32, #tpu.memory_space<hbm>>
    %dma_wait3A_1675 = tpu.memref_squeeze %dma_wait3A_1674 : memref<1x128x64xf32, #tpu.memory_space<hbm>> -> memref<128x64xf32, #tpu.memory_space<hbm>>
    %dma_wait3A_1676 = arith.constant 0 : i32
    %dma_wait3A_1677 = tpu.memref_slice %arg6[%select_n3A, %mul3A_1652, %dma_wait3A_1676] : memref<4x32768x64xf32, #tpu.memory_space<hbm>> -> memref<1x128x64xf32, #tpu.memory_space<hbm>>
    %dma_wait3A_1678 = tpu.memref_squeeze %dma_wait3A_1677 : memref<1x128x64xf32, #tpu.memory_space<hbm>> -> memref<128x64xf32, #tpu.memory_space<hbm>>
    %dma_wait3A_1679 = arith.constant 0 : i32
    %dma_wait3A_1680 = arith.constant 0 : i32
    %dma_wait3A_1681 = tpu.memref_slice %arg12[%dma_wait3A_1668, %dma_wait3A_1679, %dma_wait3A_1680] : memref<2x128x64xf32, #tpu.memory_space<vmem>> -> memref<1x128x64xf32, #tpu.memory_space<vmem>>
    %dma_wait3A_1682 = tpu.memref_squeeze %dma_wait3A_1681 : memref<1x128x64xf32, #tpu.memory_space<vmem>> -> memref<128x64xf32, #tpu.memory_space<vmem>>
    tpu.wait_dma2 semaphore(%arg16 : memref<!tpu.dma_semaphore, #tpu.memory_space<semaphore_mem>>) src(%dma_wait3A_1682 : memref<128x64xf32, #tpu.memory_space<vmem>>) dst(%dma_wait3A_1678 : memref<128x64xf32, #tpu.memory_space<hbm>>)
    %dma_start3A_1683 = arith.constant 1 : i32
    %dma_start3A_1684 = arith.constant 0 : i32
    %dma_start3A_1685 = arith.constant 0 : i32
    %dma_start3A_1686 = tpu.memref_slice %arg12[%dma_start3A_1683, %dma_start3A_1684, %dma_start3A_1685] : memref<2x128x64xf32, #tpu.memory_space<vmem>> -> memref<1x128x64xf32, #tpu.memory_space<vmem>>
    %dma_start3A_1687 = tpu.memref_squeeze %dma_start3A_1686 : memref<1x128x64xf32, #tpu.memory_space<vmem>> -> memref<128x64xf32, #tpu.memory_space<vmem>>
    %dma_start3A_1688 = arith.constant 3968 : i32
    %dma_start3A_1689 = tpu.memref_slice %arg10[%dma_start3A_1688] : memref<4096xi32, #tpu.memory_space<vmem>> -> memref<128xi32, #tpu.memory_space<vmem>>
    %dma_start3A_1690 = arith.constant 0 : i32
    %dma_start3A_1691 = arith.constant 0 : i32
    %dma_start3A_1692 = tpu.memref_slice %arg4[%dma_start3A_1690, %dma_start3A_1691] : memref<16384x64xf32, #tpu.memory_space<hbm>> -> memref<16384x64xf32, #tpu.memory_space<hbm>>
    tpu.enqueue_indirect_dma source(%dma_start3A_1692 : memref<16384x64xf32, #tpu.memory_space<hbm>>) target(%dma_start3A_1687 : memref<128x64xf32, #tpu.memory_space<vmem>>) offsets(%dma_start3A_1689 : memref<128xi32, #tpu.memory_space<vmem>>) semaphore(%arg14 : memref<!tpu.dma_semaphore, #tpu.memory_space<semaphore_mem>>)
    %dma_wait3A_1693 = arith.constant 0 : i32
    %dma_wait3A_1694 = arith.constant 0 : i32
    %dma_wait3A_1695 = arith.constant 0 : i32
    %dma_wait3A_1696 = tpu.memref_slice %arg12[%dma_wait3A_1693, %dma_wait3A_1694, %dma_wait3A_1695] : memref<2x128x64xf32, #tpu.memory_space<vmem>> -> memref<1x128x64xf32, #tpu.memory_space<vmem>>
    %dma_wait3A_1697 = tpu.memref_squeeze %dma_wait3A_1696 : memref<1x128x64xf32, #tpu.memory_space<vmem>> -> memref<128x64xf32, #tpu.memory_space<vmem>>
    %dma_wait3A_1698 = arith.constant 3840 : i32
    %dma_wait3A_1699 = tpu.memref_slice %arg10[%dma_wait3A_1698] : memref<4096xi32, #tpu.memory_space<vmem>> -> memref<128xi32, #tpu.memory_space<vmem>>
    %dma_wait3A_1700 = arith.constant 0 : i32
    %dma_wait3A_1701 = arith.constant 0 : i32
    %dma_wait3A_1702 = tpu.memref_slice %arg4[%dma_wait3A_1700, %dma_wait3A_1701] : memref<16384x64xf32, #tpu.memory_space<hbm>> -> memref<16384x64xf32, #tpu.memory_space<hbm>>
    tpu.wait_indirect_dma semaphore(%arg13 : memref<!tpu.dma_semaphore, #tpu.memory_space<semaphore_mem>>) src(%dma_wait3A_1702 : memref<16384x64xf32, #tpu.memory_space<hbm>>) dst(%dma_wait3A_1697 : memref<128x64xf32, #tpu.memory_space<vmem>>)
    %add3A_1703 = arith.constant 120 : i32
    %add3A_1704 = arith.addi %mul3A_32, %add3A_1703 : i32
    %mul3A_1705 = arith.constant 32 : i32
    %mul3A_1706 = arith.muli %add3A_1704, %mul3A_1705 : i32
    %dma_start3A_1707 = arith.constant 0 : i32
    %dma_start3A_1708 = arith.constant 0 : i32
    %dma_start3A_1709 = arith.constant 0 : i32
    %dma_start3A_1710 = tpu.memref_slice %arg12[%dma_start3A_1707, %dma_start3A_1708, %dma_start3A_1709] : memref<2x128x64xf32, #tpu.memory_space<vmem>> -> memref<1x128x64xf32, #tpu.memory_space<vmem>>
    %dma_start3A_1711 = tpu.memref_squeeze %dma_start3A_1710 : memref<1x128x64xf32, #tpu.memory_space<vmem>> -> memref<128x64xf32, #tpu.memory_space<vmem>>
    %dma_start3A_1712 = arith.constant 0 : i32
    %dma_start3A_1713 = tpu.memref_slice %arg6[%select_n3A, %mul3A_1706, %dma_start3A_1712] : memref<4x32768x64xf32, #tpu.memory_space<hbm>> -> memref<1x128x64xf32, #tpu.memory_space<hbm>>
    %dma_start3A_1714 = tpu.memref_squeeze %dma_start3A_1713 : memref<1x128x64xf32, #tpu.memory_space<hbm>> -> memref<128x64xf32, #tpu.memory_space<hbm>>
    %dma_start3A_1715 = arith.constant 0 : i32
    %dma_start3A_1716 = tpu.memref_slice %arg6[%select_n3A, %mul3A_1706, %dma_start3A_1715] : memref<4x32768x64xf32, #tpu.memory_space<hbm>> -> memref<1x128x64xf32, #tpu.memory_space<hbm>>
    %dma_start3A_1717 = tpu.memref_squeeze %dma_start3A_1716 : memref<1x128x64xf32, #tpu.memory_space<hbm>> -> memref<128x64xf32, #tpu.memory_space<hbm>>
    %dma_start3A_1718 = arith.constant 0 : i32
    %dma_start3A_1719 = arith.constant 0 : i32
    %dma_start3A_1720 = tpu.memref_slice %arg12[%dma_start3A_1707, %dma_start3A_1718, %dma_start3A_1719] : memref<2x128x64xf32, #tpu.memory_space<vmem>> -> memref<1x128x64xf32, #tpu.memory_space<vmem>>
    %dma_start3A_1721 = tpu.memref_squeeze %dma_start3A_1720 : memref<1x128x64xf32, #tpu.memory_space<vmem>> -> memref<128x64xf32, #tpu.memory_space<vmem>>
    tpu.enqueue_dma source(%dma_start3A_1721 : memref<128x64xf32, #tpu.memory_space<vmem>>) target(%dma_start3A_1717 : memref<128x64xf32, #tpu.memory_space<hbm>>) target_semaphore(%arg15 : memref<!tpu.dma_semaphore, #tpu.memory_space<semaphore_mem>>)
    %dma_wait3A_1722 = arith.constant 1 : i32
    %dma_wait3A_1723 = arith.constant 0 : i32
    %dma_wait3A_1724 = arith.constant 0 : i32
    %dma_wait3A_1725 = tpu.memref_slice %arg12[%dma_wait3A_1722, %dma_wait3A_1723, %dma_wait3A_1724] : memref<2x128x64xf32, #tpu.memory_space<vmem>> -> memref<1x128x64xf32, #tpu.memory_space<vmem>>
    %dma_wait3A_1726 = tpu.memref_squeeze %dma_wait3A_1725 : memref<1x128x64xf32, #tpu.memory_space<vmem>> -> memref<128x64xf32, #tpu.memory_space<vmem>>
    %dma_wait3A_1727 = arith.constant 3968 : i32
    %dma_wait3A_1728 = tpu.memref_slice %arg10[%dma_wait3A_1727] : memref<4096xi32, #tpu.memory_space<vmem>> -> memref<128xi32, #tpu.memory_space<vmem>>
    %dma_wait3A_1729 = arith.constant 0 : i32
    %dma_wait3A_1730 = arith.constant 0 : i32
    %dma_wait3A_1731 = tpu.memref_slice %arg4[%dma_wait3A_1729, %dma_wait3A_1730] : memref<16384x64xf32, #tpu.memory_space<hbm>> -> memref<16384x64xf32, #tpu.memory_space<hbm>>
    tpu.wait_indirect_dma semaphore(%arg14 : memref<!tpu.dma_semaphore, #tpu.memory_space<semaphore_mem>>) src(%dma_wait3A_1731 : memref<16384x64xf32, #tpu.memory_space<hbm>>) dst(%dma_wait3A_1726 : memref<128x64xf32, #tpu.memory_space<vmem>>)
    %add3A_1732 = arith.constant 124 : i32
    %add3A_1733 = arith.addi %mul3A_32, %add3A_1732 : i32
    %mul3A_1734 = arith.constant 32 : i32
    %mul3A_1735 = arith.muli %add3A_1733, %mul3A_1734 : i32
    %dma_start3A_1736 = arith.constant 1 : i32
    %dma_start3A_1737 = arith.constant 0 : i32
    %dma_start3A_1738 = arith.constant 0 : i32
    %dma_start3A_1739 = tpu.memref_slice %arg12[%dma_start3A_1736, %dma_start3A_1737, %dma_start3A_1738] : memref<2x128x64xf32, #tpu.memory_space<vmem>> -> memref<1x128x64xf32, #tpu.memory_space<vmem>>
    %dma_start3A_1740 = tpu.memref_squeeze %dma_start3A_1739 : memref<1x128x64xf32, #tpu.memory_space<vmem>> -> memref<128x64xf32, #tpu.memory_space<vmem>>
    %dma_start3A_1741 = arith.constant 0 : i32
    %dma_start3A_1742 = tpu.memref_slice %arg6[%select_n3A, %mul3A_1735, %dma_start3A_1741] : memref<4x32768x64xf32, #tpu.memory_space<hbm>> -> memref<1x128x64xf32, #tpu.memory_space<hbm>>
    %dma_start3A_1743 = tpu.memref_squeeze %dma_start3A_1742 : memref<1x128x64xf32, #tpu.memory_space<hbm>> -> memref<128x64xf32, #tpu.memory_space<hbm>>
    %dma_start3A_1744 = arith.constant 0 : i32
    %dma_start3A_1745 = tpu.memref_slice %arg6[%select_n3A, %mul3A_1735, %dma_start3A_1744] : memref<4x32768x64xf32, #tpu.memory_space<hbm>> -> memref<1x128x64xf32, #tpu.memory_space<hbm>>
    %dma_start3A_1746 = tpu.memref_squeeze %dma_start3A_1745 : memref<1x128x64xf32, #tpu.memory_space<hbm>> -> memref<128x64xf32, #tpu.memory_space<hbm>>
    %dma_start3A_1747 = arith.constant 0 : i32
    %dma_start3A_1748 = arith.constant 0 : i32
    %dma_start3A_1749 = tpu.memref_slice %arg12[%dma_start3A_1736, %dma_start3A_1747, %dma_start3A_1748] : memref<2x128x64xf32, #tpu.memory_space<vmem>> -> memref<1x128x64xf32, #tpu.memory_space<vmem>>
    %dma_start3A_1750 = tpu.memref_squeeze %dma_start3A_1749 : memref<1x128x64xf32, #tpu.memory_space<vmem>> -> memref<128x64xf32, #tpu.memory_space<vmem>>
    tpu.enqueue_dma source(%dma_start3A_1750 : memref<128x64xf32, #tpu.memory_space<vmem>>) target(%dma_start3A_1746 : memref<128x64xf32, #tpu.memory_space<hbm>>) target_semaphore(%arg16 : memref<!tpu.dma_semaphore, #tpu.memory_space<semaphore_mem>>)
    %dma_wait3A_1751 = arith.constant 0 : i32
    %dma_wait3A_1752 = arith.constant 0 : i32
    %dma_wait3A_1753 = arith.constant 0 : i32
    %dma_wait3A_1754 = tpu.memref_slice %arg12[%dma_wait3A_1751, %dma_wait3A_1752, %dma_wait3A_1753] : memref<2x128x64xf32, #tpu.memory_space<vmem>> -> memref<1x128x64xf32, #tpu.memory_space<vmem>>
    %dma_wait3A_1755 = tpu.memref_squeeze %dma_wait3A_1754 : memref<1x128x64xf32, #tpu.memory_space<vmem>> -> memref<128x64xf32, #tpu.memory_space<vmem>>
    %dma_wait3A_1756 = arith.constant 0 : i32
    %dma_wait3A_1757 = tpu.memref_slice %arg6[%select_n3A, %mul3A_1706, %dma_wait3A_1756] : memref<4x32768x64xf32, #tpu.memory_space<hbm>> -> memref<1x128x64xf32, #tpu.memory_space<hbm>>
    %dma_wait3A_1758 = tpu.memref_squeeze %dma_wait3A_1757 : memref<1x128x64xf32, #tpu.memory_space<hbm>> -> memref<128x64xf32, #tpu.memory_space<hbm>>
    %dma_wait3A_1759 = arith.constant 0 : i32
    %dma_wait3A_1760 = tpu.memref_slice %arg6[%select_n3A, %mul3A_1706, %dma_wait3A_1759] : memref<4x32768x64xf32, #tpu.memory_space<hbm>> -> memref<1x128x64xf32, #tpu.memory_space<hbm>>
    %dma_wait3A_1761 = tpu.memref_squeeze %dma_wait3A_1760 : memref<1x128x64xf32, #tpu.memory_space<hbm>> -> memref<128x64xf32, #tpu.memory_space<hbm>>
    %dma_wait3A_1762 = arith.constant 0 : i32
    %dma_wait3A_1763 = arith.constant 0 : i32
    %dma_wait3A_1764 = tpu.memref_slice %arg12[%dma_wait3A_1751, %dma_wait3A_1762, %dma_wait3A_1763] : memref<2x128x64xf32, #tpu.memory_space<vmem>> -> memref<1x128x64xf32, #tpu.memory_space<vmem>>
    %dma_wait3A_1765 = tpu.memref_squeeze %dma_wait3A_1764 : memref<1x128x64xf32, #tpu.memory_space<vmem>> -> memref<128x64xf32, #tpu.memory_space<vmem>>
    tpu.wait_dma2 semaphore(%arg15 : memref<!tpu.dma_semaphore, #tpu.memory_space<semaphore_mem>>) src(%dma_wait3A_1765 : memref<128x64xf32, #tpu.memory_space<vmem>>) dst(%dma_wait3A_1761 : memref<128x64xf32, #tpu.memory_space<hbm>>)
    %dma_wait3A_1766 = arith.constant 1 : i32
    %dma_wait3A_1767 = arith.constant 0 : i32
    %dma_wait3A_1768 = arith.constant 0 : i32
    %dma_wait3A_1769 = tpu.memref_slice %arg12[%dma_wait3A_1766, %dma_wait3A_1767, %dma_wait3A_1768] : memref<2x128x64xf32, #tpu.memory_space<vmem>> -> memref<1x128x64xf32, #tpu.memory_space<vmem>>
    %dma_wait3A_1770 = tpu.memref_squeeze %dma_wait3A_1769 : memref<1x128x64xf32, #tpu.memory_space<vmem>> -> memref<128x64xf32, #tpu.memory_space<vmem>>
    %dma_wait3A_1771 = arith.constant 0 : i32
    %dma_wait3A_1772 = tpu.memref_slice %arg6[%select_n3A, %mul3A_1735, %dma_wait3A_1771] : memref<4x32768x64xf32, #tpu.memory_space<hbm>> -> memref<1x128x64xf32, #tpu.memory_space<hbm>>
    %dma_wait3A_1773 = tpu.memref_squeeze %dma_wait3A_1772 : memref<1x128x64xf32, #tpu.memory_space<hbm>> -> memref<128x64xf32, #tpu.memory_space<hbm>>
    %dma_wait3A_1774 = arith.constant 0 : i32
    %dma_wait3A_1775 = tpu.memref_slice %arg6[%select_n3A, %mul3A_1735, %dma_wait3A_1774] : memref<4x32768x64xf32, #tpu.memory_space<hbm>> -> memref<1x128x64xf32, #tpu.memory_space<hbm>>
    %dma_wait3A_1776 = tpu.memref_squeeze %dma_wait3A_1775 : memref<1x128x64xf32, #tpu.memory_space<hbm>> -> memref<128x64xf32, #tpu.memory_space<hbm>>
    %dma_wait3A_1777 = arith.constant 0 : i32
    %dma_wait3A_1778 = arith.constant 0 : i32
    %dma_wait3A_1779 = tpu.memref_slice %arg12[%dma_wait3A_1766, %dma_wait3A_1777, %dma_wait3A_1778] : memref<2x128x64xf32, #tpu.memory_space<vmem>> -> memref<1x128x64xf32, #tpu.memory_space<vmem>>
    %dma_wait3A_1780 = tpu.memref_squeeze %dma_wait3A_1779 : memref<1x128x64xf32, #tpu.memory_space<vmem>> -> memref<128x64xf32, #tpu.memory_space<vmem>>
    tpu.wait_dma2 semaphore(%arg16 : memref<!tpu.dma_semaphore, #tpu.memory_space<semaphore_mem>>) src(%dma_wait3A_1780 : memref<128x64xf32, #tpu.memory_space<vmem>>) dst(%dma_wait3A_1776 : memref<128x64xf32, #tpu.memory_space<hbm>>)
    %dma_wait3A_1781 = arith.constant 0 : i32
    %dma_wait3A_1782 = tpu.memref_slice %arg5[%select_n3A, %dma_wait3A_1781, %mul3A_48] : memref<4x3x32768xf32, #tpu.memory_space<hbm>> -> memref<1x3x4096xf32, #tpu.memory_space<hbm>>
    %dma_wait3A_1783 = tpu.memref_squeeze %dma_wait3A_1782 : memref<1x3x4096xf32, #tpu.memory_space<hbm>> -> memref<3x4096xf32, #tpu.memory_space<hbm>>
    %dma_wait3A_1784 = arith.constant 0 : i32
    %dma_wait3A_1785 = tpu.memref_slice %arg5[%select_n3A, %dma_wait3A_1784, %mul3A_48] : memref<4x3x32768xf32, #tpu.memory_space<hbm>> -> memref<1x3x4096xf32, #tpu.memory_space<hbm>>
    %dma_wait3A_1786 = tpu.memref_squeeze %dma_wait3A_1785 : memref<1x3x4096xf32, #tpu.memory_space<hbm>> -> memref<3x4096xf32, #tpu.memory_space<hbm>>
    tpu.wait_dma2 semaphore(%arg17 : memref<!tpu.dma_semaphore, #tpu.memory_space<semaphore_mem>>) src(%arg11 : memref<3x4096xf32, #tpu.memory_space<vmem>>) dst(%dma_wait3A_1786 : memref<3x4096xf32, #tpu.memory_space<hbm>>)
    return
  }
}

</mosaic_0001>

<sc_bundles>
// kernel: _run.3.cloned.1.call-start
scs
__scs_entry_jumppad:
0x0: {  	(pc) =	sbr.rel $0x88, $3  }
0x1: {  	(tag) =	ssettag $0x0;
	lr =	simm.s32 $0x1  }
0x2: {  	[smem:$0x3F9E] =	sst lr;
	_ =	strace $0xD0000000  }
0x3: {  	_ = 	snop  }
0x4: {  	_ = 	snop  }
0x5: {  	_ = 	snop  }
0x6: {  	_ = 	snop  }
0x7: {  	_ = 	snop  }
__scs_overlays_trampoline_lowered:
0x8: {  	[smem:$0x3FAD] =	sst s0  }
0x9: {  	[smem:$0x3FAE] =	sst s1  }
0xa: {  	[smem:$0x3FAF] =	sst s2  }
0xb: {  	[smem:$0x3FB0] =	sst s3  }
0xc: {  	[smem:$0x3FB1] =	sst s4  }
0xd: {  	[smem:$0x3FB2] =	sst s5  }
0xe: {  	[smem:$0x3FB3] =	sst s6  }
0xf: {  	[smem:$0x3FB4] =	sst s7  }
0x10: {  	[smem:$0x3FB5] =	sst s8  }
0x11: {  	[smem:$0x3FB6] =	sst s9;
	s0 =	simm.s32 @!p0 $0x0  }
0x12: {  	s1 =	sld [smem:$0x3F9C];
	s0 =	simm.s32 @p0 $0x1  }
0x13: {  	[smem:$0x3FB7] =	sst s0;
	s0 =	simm.s32 @!p1 $0x0  }
0x14: {  	s2 =	sld [smem:$0x3F9B];
	s0 =	simm.s32 @p1 $0x1  }
0x15: {  	[smem:$0x3FB8] =	sst s0;
	s0 =	simm.s32 @!p2 $0x0  }
0x16: {  	s3 =	sld [smem:$0x3FDB];
	s0 =	simm.s32 @p2 $0x1  }
0x17: {  	s4 =	simm.s32 $0x1BF5;
	[smem:$0x3FBA] =	sst s0  }
0x18: {  	s0 =	sld [smem:$0x3F9D];
	_ =	swait.ge [sflag:s4], $0x0  }
0x19: {  	s7 =	sld [smem:$0x3F9E]  }
0x1a: {  	s8 =	sadd.s32 $0xFFFFE003, lr  }
0x1b: {  	s9 =	sadd.s32 $0xFFFFFEF7, lr;
	s5 =	simm.s32 $0xFFFFFFFF;
	p2 =	slt.u32 s8, $0xFFFFF086  }
0x1c: {  	p1 =	slt.u32 s9, $0xF7A;
	s5 =	simm.s32 @!p2 $0x0  }
0x1d: {  	s5 =	simm.s32 @p1 $0x1;
	p0 =	seq.s32 s7, s2  }
0x1e: {  	s7 =	smul.u32 @!p0 $0xF7A, s2;
	p2 =	seq.s32 @!p0 s5, $0x0  }
0x1f: {  	s9 =	smul.u32 $0xF7A, s1;
	s8 =	simm.s32 @!p0 $0x1BF5;
	p2 =	por !p2, p0  }
0x20: {  	[sflag:s8] =	ssyncset.s32 @!p0 $0xFFFFF086;
	s6 =	sadd.s32 @!p0 s3, s7;
	s7 =	simm.s32 @!p0 $0x108  }
0x21: {  	s3 =	sadd.s32 s3, s9;
	s6 =	sadd.s32 @!p0 $0x88, s6;
	s7 =	simm.s32 @p2 $0x1082  }
0x22: {  	[simem:s7], [sflag:s8] =	dma.local @!p0 [hbm:s6], $0xF7A  }
0x23: {  	s9 =	sor.u32 $0xD0000000, s2;
	s6 =	simm.s32 $0x108;
	_ =	swait.ge @!p0 [sflag:s8], $0x0  }
0x24: {  	s3 =	sadd.s32 $0x88, s3;
	s6 =	simm.s32 @!p1 $0x1082;
	[sflag:s4] =	ssyncset.s32 $0xFFFFF086  }
0x25: {  	[simem:s6], [sflag:s4] =	dma.local [hbm:s3], $0xF7A  }
0x26: {  	[smem:$0x3F9E] =	sst s1;
	(tag) =	ssettag s2;
	_ =	strace s9  }
0x27: {  	s1 =	sld [smem:$0x3FAE]  }
0x28: {  	s2 =	sld [smem:$0x3FAF]  }
0x29: {  	s4 =	sld [smem:$0x3FB1]  }
0x2a: {  	p0 =	seq.s32 s5, $0x0;
	s5 =	sld [smem:$0x3FB2]  }
0x2b: {  	s6 =	sld [smem:$0x3FB3]  }
0x2c: {  	s7 =	sld [smem:$0x3FB4]  }
0x2d: {  	s3 =	simm.s32 $0x108;
	s8 =	sld [smem:$0x3FB5]  }
0x2e: {  	s3 =	simm.s32 @!p0 $0x1082;
	s9 =	sld [smem:$0x3FB6]  }
0x2f: {  	lr =	sadd.s32 s0, s3;
	s0 =	sld [smem:$0x3FAD]  }
0x30: {  	s3 =	sld [smem:$0x3FB0]  }
0x31: {  	[smem:$0x3FB9] =	sst s10  }
0x32: {  	s10 =	sld [smem:$0x3FB7];
	_ =	sdelay $0x3  }
0x33: {  	p0 =	seq.s32 s10, $0x1;
	s10 =	sld [smem:$0x3FB9];
	_ =	sdelay $0x3  }
0x34: {  	[smem:$0x3FB9] =	sst s10  }
0x35: {  	s10 =	sld [smem:$0x3FB8];
	_ =	sdelay $0x3  }
0x36: {  	p1 =	seq.s32 s10, $0x1;
	s10 =	sld [smem:$0x3FB9];
	_ =	sdelay $0x3  }
0x37: {  	[smem:$0x3FB9] =	sst s10  }
0x38: {  	s10 =	sld [smem:$0x3FBA]  }
0x39: {  	_ = 	snop;
	(pc) =	sbr.ind lr, $3  }
0x3a: {  	_ = 	snop  }
0x3b: {  	_ = 	snop  }
0x3c: {  	p2 =	seq.s32 s10, $0x1;
	s10 =	sld [smem:$0x3FB9]  }
0x3d: {  	_ =	shalt  }
0x3e: {  	_ =	shalt  }
0x3f: {  	_ =	shalt  }
0x40: {  	_ =	shalt  }
0x41: {  	_ =	shalt  }
0x42: {  	_ =	shalt  }
0x43: {  	_ =	shalt  }
0x44: {  	_ =	shalt  }
0x45: {  	_ =	shalt  }
0x46: {  	_ =	shalt  }
0x47: {  	_ =	shalt  }
0x48: {  	_ =	shalt  }
0x49: {  	_ =	shalt  }
0x4a: {  	_ =	shalt  }
0x4b: {  	_ =	shalt  }
0x4c: {  	_ =	shalt  }
0x4d: {  	_ =	shalt  }
0x4e: {  	_ =	shalt  }
0x4f: {  	_ =	shalt  }
0x50: {  	_ =	shalt  }
0x51: {  	_ =	shalt  }
0x52: {  	_ =	shalt  }
0x53: {  	_ =	shalt  }
0x54: {  	_ =	shalt  }
0x55: {  	_ =	shalt  }
0x56: {  	_ =	shalt  }
0x57: {  	_ =	shalt  }
0x58: {  	_ =	shalt  }
0x59: {  	_ =	shalt  }
0x5a: {  	_ =	shalt  }
0x5b: {  	_ =	shalt  }
0x5c: {  	_ =	shalt  }
0x5d: {  	_ =	shalt  }
0x5e: {  	_ =	shalt  }
0x5f: {  	_ =	shalt  }
0x60: {  	_ =	shalt  }
0x61: {  	_ =	shalt  }
0x62: {  	_ =	shalt  }
0x63: {  	_ =	shalt  }
0x64: {  	_ =	shalt  }
0x65: {  	_ =	shalt  }
0x66: {  	_ =	shalt  }
0x67: {  	_ =	shalt  }
0x68: {  	_ =	shalt  }
0x69: {  	_ =	shalt  }
0x6a: {  	_ =	shalt  }
0x6b: {  	_ =	shalt  }
0x6c: {  	_ =	shalt  }
0x6d: {  	_ =	shalt  }
0x6e: {  	_ =	shalt  }
0x6f: {  	_ =	shalt  }
0x70: {  	_ =	shalt  }
0x71: {  	_ =	shalt  }
0x72: {  	_ =	shalt  }
0x73: {  	_ =	shalt  }
0x74: {  	_ =	shalt  }
0x75: {  	_ =	shalt  }
0x76: {  	_ =	shalt  }
0x77: {  	_ =	shalt  }
0x78: {  	_ =	shalt  }
0x79: {  	_ =	shalt  }
0x7a: {  	_ =	shalt  }
0x7b: {  	_ =	shalt  }
0x7c: {  	_ =	shalt  }
0x7d: {  	_ =	shalt  }
0x7e: {  	_ =	shalt  }
0x7f: {  	_ =	shalt  }
0x80: {  	_ =	shalt  }
0x81: {  	_ =	shalt  }
0x82: {  	_ =	shalt  }
0x83: {  	_ =	shalt  }
0x84: {  	_ =	shalt  }
0x85: {  	_ =	shalt  }
0x86: {  	_ =	shalt  }
0x87: {  	_ =	shalt  }
.Lfunc_end0:
.L_simem_size_0:
called_computation.1_lowered:
.L_overlay_start_0:
0x88: {  	s2 =	sld [smem:$0x3FD9]  }
0x89: {  	s3 =	sld [smem:$0x3FFE];
	_ =	sdelay $0x1  }
0x8a: {  	s1 =	srdreg.scid  }
0x8b: {  	s0 =	sand.u32 $0x1, s1  }
0x8c: {  	s14 =	sshll.u32 s0, $0xA;
	s2 =	sadd.s32 s3, s2  }
0x8d: {  	s2 =	sadd.s32 s2, s14  }
0x8e: {  	[smem:$0x3FC5] =	sst s2  }
0x8f: {  	_ = 	snop  }
0x90: {  	s2 =	sld [smem:$0x3FD0];
	_ =	sdelay $0x2  }
0x91: {  	s15 =	simm.s32 $0xA;
	s4 =	simm.s32 $0x10  }
0x92: {  	[smem:s4], [sflag:s15] =	dma.local [hbm:s2], $0x1  }
0x93: {  	_ =	swait.eq [sflag:s15], $0x1  }
0x94: {  	[sflag:s15] =	ssyncset.done $0x0  }
0x95: {  	s16 =	sld [smem:$0x10];
	[sflag:s15] =	ssyncadd.s32 $0xFFFFFFFF  }
0x96: {  	s17 =	sld [smem:$0x11];
	(tm) =	ssettm $0x1  }
0x97: {  	s18 =	sld [smem:$0x3FFB];
	_ =	sdelay $0x3  }
0x98: {  	_ =	strace s18  }
0x99: {  	s4 =	sld [smem:$0x3FFC];
	_ =	sdelay $0x3  }
0x9a: {  	_ =	strace s4  }
0x9b: {  	s4 =	sld [smem:$0x3FFD];
	_ =	sdelay $0x3  }
0x9c: {  	_ =	strace s4  }
0x9d: {  	_ =	strace $0x8FFFFFFF  }
0x9e: {  	s19 =	sld [smem:$0x3FDB];
	_ =	sdelay $0x1  }
0x9f: {  	s5 =	simm.s32 $_scs_section_size  }
0xa0: {  	s6 =	simm.s32 $_size__tile_overlayer_lowered;
	s7 =	simm.s32 $_tile_overlayer_lowered  }
0xa1: {  	s22 =	simm.s32 $0x1BFF;
	s21 =	sshll.u32 s7, $0x1;
	s4 =	sadd.s32 s5, s19  }
0xa2: {  	s8 =	simm.s32 $0x0;
	s20 =	sshll.u32 s6, $0x1;
	s6 =	sadd.s32 s21, s4  }
0xa3: {  	[timem:s8], [sflag:s22] =	dma.local [hbm:s6], s20  }
0xa4: {  	_ =	swait.ge [sflag:s22], s20  }
0xa5: {  	s5 =	ssub.s32 $0x0, s20;
	[sflag:s22] =	ssyncset.done $0x0  }
0xa6: {  	[sflag:s22] =	ssyncadd.s32 s5;
	_ =	sdelay $0x1  }
0xa7: {  	s23 =	simm.s32 $0x1B8B  }
0xa8: {  	_ =	swait.ge [sflag:s23], $0x1  }
0xa9: {  	[sflag:s23] =	ssyncset.done $0x0  }
0xaa: {  	s25 =	simm.s32 $0x1B8E;
	s24 =	sld [smem:$0x3FFE];
	[sflag:s23] =	ssyncadd.s32 $0xFFFFFFFF  }
0xab: {  	s26 =	simm.s32 $execute0_lowered;
	[smem:$0x3FD2] =	sst s25  }
0xac: {  	s6 =	sshll.u32 s26, $0x1;
	_ =	strace $0x80000046;
	[dreg:$0x1] =	wrdreg $0xFFFFFFFF  }
0xad: {  	s28 =	simm.s32 $_size_execute0_lowered;
	s4 =	sadd.s32 s4, s6;
	[dreg:$0x0] =	wrdreg $0x0  }
0xae: {  	s6 =	sshll.u32 s28, $0x1;
	[dreg:$0x2] =	wrdreg s4  }
0xaf: {  	[dreg:$0x3] =	wrdreg s6  }
0xb0: {  	[dreg:$0x4] =	wrdreg $0xC0  }
0xb1: {  	_ =	task [dreg:s8], $0x5FFFF  }
0xb2: {  	[dreg:$0x1] =	wrdreg $0xFFFFFFFF  }
0xb3: {  	[dreg:$0x0] =	wrdreg $0x60  }
0xb4: {  	[dreg:$0x2] =	wrdreg s24  }
0xb5: {  	[dreg:$0x3] =	wrdreg s16  }
0xb6: {  	[dreg:$0x4] =	wrdreg s17  }
0xb7: {  	[dreg:$0x5] =	wrdreg $0x9  }
0xb8: {  	_ =	task.clear_ibuf [dreg:s8], $0x6FFFF;
	_ =	strace $0x90000046  }
0xb9: {  	s29 =	simm.s32 $0x9;
	_ =	strace $0x80000048  }
0xba: {  	_ =	swait.ge [sflag:s29], $0x1  }
0xbb: {  	[sflag:s29] =	ssyncadd.s32 $0xFFFFFFFF  }
0xbc: {  	_ =	strace $0x90000048  }
0xbd: {  	_ =	sfence  }
0xbe: {  	s30 =	sld [smem:$0x0];
	_ =	sdelay $0x2  }
0xbf: {  	s31 =	sshll.u32 s1, $0xD;
	s1 =	sshrl.u32 s1, $0x2  }
0xc0: {  	s3 =	sand.u32 $0x4000, s31;
	s1 =	sadd.s32 s1, s30  }
0xc1: {  	s0 =	sor.u32 s3, s0;
	s1 =	sshll.u32 s1, $0x11  }
0xc2: {  	s0 =	sor.u32 s1, s0  }
0xc3: {  	s0 =	sadd.s32 $0x8F2B, s0  }
0xc4: {  	[sflag:s0] =	ssyncadd.remote.s32 $0x1  }
0xc5: {  	_ =	sfence.sel $0xFFFF  }
0xc6: {  	[dreg:$0x0] =	wrdreg $0xFFFFFFFF;
	(pc) =	sbr.abs _section_cstart, $3  }
0xc7: {  	[dreg:$0x1] =	wrdreg $0xFFFFFFFF  }
0xc8: {  	_ =	task.clear_ibuf [dreg:s8], $0x2FFFF;
	_ =	strace $0x9FFFFFFF  }
0xc9: {  	(tm) =	ssettm $0x7FFFFFFF  }
tec
execute0_lowered:
.L_overlay_start_1:
0x0: {  	(tag) =	ssettag $0x1  }
0x1: {  	s0 =	rddreg [dreg:$0x0]  }
0x2: {  	s1 =	rddreg [dreg:$0x1]  }
0x3: {  	s4 =	rddreg [dreg:$0x2];
	s7 =	stileid.u32  }
0x4: {  	s2 =	simm.s32 $0x0;
	s21 =	srdreg.scid;
	s5 =	sshrl.u32 s7, $0x2  }
0x5: {  	[smem:$0x7FF] =	sst s2;
	s3 =	smul.u32 $0x600, s5  }
0x6: {  	s7 =	sshll.u32 s7, $0x1;
	s8 =	sadd.s32 $0xE00, s0;
	s10 =	smul.u32 $0xC00, s5  }
0x7: {  	_ =	strace $0x80000047;
	s7 =	sand.u32 $0x6, s7;
	s26 =	smul.u32 $0x18000, s5  }
0x8: {  	s29 =	sshll.u32 s5, $0x12;
	s6 =	sadd.s32 s3, s0;
	s3 =	sand.u32 $0x1, s21  }
0x9: {  	s9 =	ssub.s32 $0x2, s3;
	s7 =	sor.u32 s3, s7;
	s3 =	sadd.s32 $0x2C00, s0  }
0xa: {  	s6 =	sadd.s32 $0x1400, s6;
	s22 =	sshrl.u32 s9, $0x1;
	s11 =	sshll.u32 s7, $0x7  }
0xb: {  	s23 =	sshll.u32 s7, $0xF;
	[dreg:$0x4] =	wrdreg s6;
	s7 =	sshll.u32 s7, $0xC  }
0xc: {  	s0 =	ssub.s32 s9, s22;
	s10 =	sor.u32 s10, s11;
	s7 =	sor.u32 s26, s7  }
0xd: {  	s31 =	sor.u32 s29, s23;
	s24 =	sshrl.u32 s10, $0x3;
	s0 =	smax.u32 s0, $0x1  }
0xe: {  	s30 =	sshrl.u32 s7, $0x3;
	s6 =	sadd.s32 s8, s24;
	[dreg:$0x17] =	wrdreg s0  }
0xf: {  	s9 =	sadd.s32 s4, s31;
	s1 =	sadd.s32 s1, s30;
	[dreg:$0x5] =	wrdreg s6  }
0x10: {  	s11 =	sadd.s32 $0x400, s10;
	s7 =	sadd.s32 $0x400, s9;
	[dreg:$0x8] =	wrdreg s1  }
0x11: {  	s28 =	sadd.s32 $0x800, s10;
	s10 =	sadd.s32 $0xC00, s9;
	[dreg:$0x9] =	wrdreg s7  }
0x12: {  	s25 =	sshrl.u32 s11, $0x3;
	s11 =	sadd.s32 $0x1000, s9;
	[dreg:$0xb] =	wrdreg s10  }
0x13: {  	s12 =	sadd.s32 $0x1400, s9;
	[dreg:$0xc] =	wrdreg s11  }
0x14: {  	s13 =	sadd.s32 $0x1800, s9;
	[dreg:$0xd] =	wrdreg s12  }
0x15: {  	s14 =	sadd.s32 $0x1C00, s9;
	[dreg:$0xe] =	wrdreg s13  }
0x16: {  	s15 =	sadd.s32 $0x2000, s9;
	[dreg:$0xf] =	wrdreg s14  }
0x17: {  	s16 =	sadd.s32 $0x2400, s9;
	[dreg:$0x10] =	wrdreg s15  }
0x18: {  	s17 =	sadd.s32 $0x2800, s9;
	[dreg:$0x11] =	wrdreg s16  }
0x19: {  	s18 =	sadd.s32 $0x2C00, s9;
	[dreg:$0x12] =	wrdreg s17  }
0x1a: {  	s19 =	sadd.s32 $0x3000, s9;
	[dreg:$0x13] =	wrdreg s18  }
0x1b: {  	s20 =	sadd.s32 $0x3400, s9;
	[dreg:$0x14] =	wrdreg s19  }
0x1c: {  	s21 =	sadd.s32 $0x3800, s9;
	[dreg:$0x15] =	wrdreg s20  }
0x1d: {  	s22 =	sadd.s32 $0x3C00, s9;
	[dreg:$0x16] =	wrdreg s21  }
0x1e: {  	s23 =	sadd.s32 $0x4000, s9;
	[dreg:$0x18] =	wrdreg s22  }
0x1f: {  	s24 =	sshll.u32 s5, $0xC;
	s26 =	sadd.s32 $0x4800, s9;
	[dreg:$0x19] =	wrdreg s23  }
0x20: {  	s29 =	sadd.s32 $0x5000, s9;
	s30 =	sadd.s32 $0x5400, s9;
	[dreg:$0x1b] =	wrdreg s26  }
0x21: {  	s31 =	sadd.s32 $0x5800, s9;
	s4 =	sadd.s32 $0x5C00, s9;
	[dreg:$0x1d] =	wrdreg s29  }
0x22: {  	s5 =	sadd.s32 $0x6000, s9;
	s6 =	sadd.s32 s8, s25;
	[dreg:$0x1e] =	wrdreg s30  }
0x23: {  	s25 =	sadd.s32 $0x4400, s9;
	[dreg:$0x1f] =	wrdreg s31;
	s7 =	sadd.s32 $0x6800, s9  }
0x24: {  	s10 =	sadd.s32 $0x7000, s9;
	s11 =	sadd.s32 $0x7400, s9;
	s12 =	sadd.s32 $0x7800, s9  }
0x25: {  	s13 =	sadd.s32 $0x7C00, s9;
	s14 =	simm.s32 $0x6;
	s15 =	simm.s32 $0x3000  }
0x26: {  	s16 =	simm.s32 $0x3180;
	s17 =	simm.s32 $0x80;
	s18 =	simm.s32 $0x71D0  }
0x27: {  	s19 =	simm.s32 $0x91D0;
	s20 =	simm.s32 $0x1;
	s21 =	simm.s32 $0x3  }
0x28: {  	s22 =	simm.s32 $0x2;
	s23 =	simm.s32 $0x4;
	[dreg:$0x6] =	wrdreg s6  }
0x29: {  	s6 =	sshrl.u32 s28, $0x3;
	[dreg:$0x1a] =	wrdreg s25;
	s28 =	sadd.s32 $0x4C00, s9  }
0x2a: {  	v1 =	vmov s24;
	s24 =	simm.s32 $0x5;
	s6 =	sadd.s32 s8, s6;
	[dreg:$0x1c] =	wrdreg s28  }
0x2b: {  	v0 =	vlaneseq.u32;
	s25 =	simm.s32 $0x0;
	s8 =	sadd.s32 $0x800, s9;
	[dreg:$0x7] =	wrdreg s6  }
0x2c: {  	v2 =	vor.u32 $0x10, v0;
	[dreg:$0xa] =	wrdreg s8;
	s6 =	sadd.s32 $0x6400, s9;
	s8 =	sadd.s32 $0x6C00, s9  }
.LBB2_1:
0x2d: {  	s0 =	rddreg [dreg:$0x4]  }
0x2e: {  	[tilespmem:s2], [sflag:$0x6] =	stream.linear.gather [hbm4b:s0+s2], $0x3000, $0x38;
	[tilespmem:$0xB1D0] =	vst v63  }
0x2f: {  	_ =	swait.ge [sflag:s14], $0x3000  }
0x30: {  	[sflag:s14] =	ssyncset.done $0x0  }
0x31: {  	s28 =	rddreg [dreg:$0x5];
	[sflag:s14] =	ssyncadd.s32 $0xFFFFD000  }
0x32: {  	[tilespmem:s15], [sflag:$0x6] =	stream.linear.gather [hbm4b:s28+s2], $0x80, $0x38;
	[tilespmem:$0xB1D0] =	vst v63  }
0x33: {  	_ =	swait.ge [sflag:s14], $0x80  }
0x34: {  	[sflag:s14] =	ssyncset.done $0x0  }
0x35: {  	s1 =	simm.s32 $0x3080;
	s29 =	rddreg [dreg:$0x6];
	[sflag:s14] =	ssyncadd.s32 $0xFFFFFF80  }
0x36: {  	[tilespmem:s1], [sflag:$0x6] =	stream.linear.gather [hbm4b:s29+s2], $0x80, $0x38;
	[tilespmem:$0xB1D0] =	vst v63  }
0x37: {  	_ =	swait.ge [sflag:s14], $0x80  }
0x38: {  	[sflag:s14] =	ssyncset.done $0x0  }
0x39: {  	s31 =	simm.s32 $0x3100;
	s30 =	rddreg [dreg:$0x7];
	[sflag:s14] =	ssyncadd.s32 $0xFFFFFF80  }
0x3a: {  	[tilespmem:s31], [sflag:$0x6] =	stream.linear.gather [hbm4b:s30+s2], $0x80, $0x38;
	[tilespmem:$0xB1D0] =	vst v63  }
0x3b: {  	_ =	swait.ge [sflag:s14], $0x80  }
0x3c: {  	[sflag:s14] =	ssyncset.done $0x0  }
0x3d: {  	s26 =	simm.s32 $0x0;
	[sflag:s14] =	ssyncadd.s32 $0xFFFFFF80  }
.LBB2_2:
0x3e: {  	v3 =	vmov s26  }
0x3f: {  	v4 =	vor.u32 $0x80, v3  }
0x40: {  	v6 =	vor.u32 $0x100, v3;
	_ =	sdelay $0x2  }
0x41: {  	v5 =	vld.idx.msk [tilespmem:v3+s15+$0x0], $0xffff  }
0x42: {  	s28 =	simm.s32 $0x1010;
	v4 =	vld.idx.msk [tilespmem:v4+s15+$0x0], $0xffff  }
0x43: {  	s31 =	simm.s32 $0x0;
	s30 =	simm.s32 $0x0;
	s29 =	simm.s32 $0x0;
	v3 =	vld.idx.msk [tilespmem:v6+s15+$0x0], $0xffff  }
.LBB2_3:
0x44: {  	v6 =	vld [tilespmem:s28+$0xFFFFEFF0]  }
0x45: {  	v7 =	vld [tilespmem:s28+$0xFFFFFFF0]  }
0x46: {  	v8 =	vld [tilespmem:s28+$0xFF0]  }
0x47: {  	v9 =	vld [tilespmem:s28+$0xFFFFF000]  }
0x48: {  	v10 =	vld [tilespmem:s28+$0x0]  }
0x49: {  	v11 =	vld [tilespmem:s28+$0x1000];
	_ =	sdelay $0x1  }
0x4a: {  	v6 =	vsub.f32 v6, v5;
	v7 =	vsub.f32 v7, v4  }
0x4b: {  	v8 =	vsub.f32 v8, v3;
	v9 =	vsub.f32 v9, v5  }
0x4c: {  	v10 =	vsub.f32 v10, v4;
	v6 =	vmul.f32 v6, v6;
	v7 =	vmul.f32 v7, v7  }
0x4d: {  	v11 =	vsub.f32 v11, v3;
	v8 =	vmul.f32 v8, v8  }
0x4e: {  	v62 =	vmul.f32 v10, v10;
	v6 =	vadd.f32 v7, v6;
	v7 =	vmul.f32 v9, v9;
	_ =	sdelay $0x1  }
0x4f: {  	v63 =	vmul.f32 v11, v11;
	v6 =	vadd.f32 v8, v6;
	v7 =	vadd.f32 v62, v7;
	_ =	sdelay $0x1  }
0x50: {  	v7 =	vadd.f32 v63, v7;
	vm0 =	vlt.f32 v6, $9.000000350e-02  }
0x51: {  	v6 =	vmpcnt.ones.xlane vm0  }
0x52: {  	vm1 =	vlt.f32 v7, $9.000000350e-02  }
0x53: {  	v6 =	vxor.u32 $0x80000000, v6;
	v7 =	vmpcnt.ones.xlane vm1  }
0x54: {  	(xrf0) =	vmax.scan.msk.u32 $0xffff, v6  }
0x55: {  	v6 =	vxor.u32 $0x80000000, v7  }
0x56: {  	(xrf0) =	vmax.scan.msk.u32 $0xffff, v6;
	_ =	sdelay $0x3  }
0x57: {  	v6, _, _ =	vpop (xrf0)  }
0x58: {  	(v2sf) =	vpush v6, $0xF  }
0x59: {  	v6, _, _ =	vpop (xrf0)  }
0x5a: {  	(v2sf) =	vpush v6, $0xF;
	_ =	sdelay $0xc  }
0x5b: {  	s0 =	spop (v2sf)  }
0x5c: {  	s0 =	sadd.s32 s0, s29  }
0x5d: {  	s1 =	spop (v2sf);
	s0 =	sadd.s32 $0x80000000, s0  }
0x5e: {  	v6 =	vor.u32 s30, v0;
	s1 =	sadd.s32 s1, s0  }
0x5f: {  	p0 =	sgt.u32 s31, $0xFD;
	[tilespmem:s29+$0x3180] =	vst.msk vm0, v6;
	s29 =	sadd.s32 $0x80000000, s1  }
0x60: {  	p1 =	slt.s32 @!p0 s29, $0x20  }
0x61: {  	p0 =	por p0, !p1  }
.Ltmp0:
0x62: {  	_ = 	snop;
	(pc) =	sbr.rel @!p0 .LBB2_3-.Ltmp0, $3  }
0x63: {  	_ =	sdelay $0x1  }
0x64: {  	v6 =	vor.u32 s30, v2  }
0x65: {  	s31 =	sadd.s32 $0x2, s31;
	s28 =	sadd.s32 $0x20, s28;
	s30 =	sadd.s32 $0x20, s30;
	[tilespmem:s0+$0x3180] =	vst.msk vm1, v6  }
0x66: {  	v6 =	vld.msk [tilespmem:s16+$0x0], $0xffff  }
0x67: {  	v7 =	vld [tilespmem:$0x3180]  }
0x68: {  	v8 =	vld [tilespmem:$0x3190]  }
0x69: {  	v9 =	vmov s29  }
0x6a: {  	vm0 =	vgt.s32 v9, $0x0  }
0x6b: {  	vm14 =	vgt.s32 v9, v0;
	v6 =	vnsel vm0, $0xFFF, v6  }
0x6c: {  	vm15 =	vgt.s32 v9, v2;
	v7 =	vsel vm14, v7, v6  }
0x6d: {  	v6 =	vsel vm15, v8, v6;
	_ =	sdelay $0x3  }
0x6e: {  	v58 =	vld.idx.msk [tilespmem:v7+s2+$0x0], $0xffff  }
0x6f: {  	v59 =	vld.idx.msk [tilespmem:v6+s2+$0x0], $0xffff;
	_ =	sdelay $0x2  }
0x70: {  	v10 =	vadd.s32 $0x1000, v7  }
0x71: {  	v11 =	vadd.s32 $0x1000, v6;
	v8 =	vsub.f32 v58, v5  }
0x72: {  	s0 =	sshll.u32 s26, $0x5;
	v60 =	vsub.f32 v59, v5  }
0x73: {  	[tilespmem:s0+$0x41D0] =	vst v8  }
0x74: {  	[tilespmem:s0+$0x41E0] =	vst v60  }
0x75: {  	v5 =	vld.idx.msk [tilespmem:v10+s2+$0x0], $0xffff  }
0x76: {  	v8 =	vld.idx.msk [tilespmem:v11+s2+$0x0], $0xffff;
	_ =	sdelay $0x2  }
0x77: {  	v61 =	vadd.s32 $0x2000, v7  }
0x78: {  	v62 =	vadd.s32 $0x2000, v6;
	v5 =	vsub.f32 v5, v4  }
0x79: {  	v63 =	vsub.f32 v8, v4  }
0x7a: {  	[tilespmem:s0+$0x51D0] =	vst v5  }
0x7b: {  	[tilespmem:s0+$0x51E0] =	vst v63  }
0x7c: {  	v4 =	vld.idx.msk [tilespmem:v61+s2+$0x0], $0xffff  }
0x7d: {  	v5 =	vld.idx.msk [tilespmem:v62+s2+$0x0], $0xffff;
	_ =	sdelay $0x2  }
0x7e: {  	s26 =	sadd.s32 $0x1, s26  }
0x7f: {  	p0 =	sne.s32 s26, $0x80;
	v4 =	vsub.f32 v4, v3  }
.Ltmp1:
0x80: {  	v3 =	vsub.f32 v5, v3;
	(pc) =	sbr.rel @p0 .LBB2_2-.Ltmp1, $4  }
0x81: {  	[tilespmem:s0+$0x61D0] =	vst v4  }
0x82: {  	[tilespmem:s0+$0x61E0] =	vst v3;
	v3 =	vadd.s32 v1, v7  }
0x83: {  	[tilespmem:s0+$0x31D0] =	vst v3;
	v3 =	vadd.s32 v1, v6  }
0x84: {  	[tilespmem:s0+$0x31E0] =	vst v3  }
0x85: {  	s0 =	rddreg [dreg:$0x8]  }
0x86: {  	s1 =	simm.s32 $0x1000;
	s26 =	simm.s32 $0x8000;
	s28 =	simm.s32 $0x41D0  }
0x87: {  	[hbm4b:s0+s1] =	stream.strided.scatter [tilespmem:s28], [sflag:$0x5], $0x3000, s26, s1, $0x38;
	[tilespmem:$0xB1D0] =	vst v63  }
0x88: {  	s31 =	simm.s32 $0x31D0  }
0x89: {  	[tilespmem:s18], [sflag:$0x1] =	stream.indirect.gather [hbm4b:s3+s17], $0x40, s31, s17, $0xb8;
	[tilespmem:$0xB1D0] =	vst v63  }
0x8a: {  	s1 =	simm.s32 $0x3250  }
0x8b: {  	[tilespmem:s19], [sflag:$0x2] =	stream.indirect.gather [hbm4b:s3+s17], $0x40, s1, s17, $0xb8;
	[tilespmem:$0xB1D0] =	vst v63  }
0x8c: {  	_ =	swait.ge [sflag:s20], $0x2000  }
0x8d: {  	[sflag:s20] =	ssyncset.done $0x0  }
0x8e: {  	[sflag:s20] =	ssyncadd.s32 $0xFFFFE000  }
0x8f: {  	[hbm4b:s9+s2] =	stream.linear.scatter [tilespmem:s18], [sflag:$0x3], $0x2000, $0x38;
	[tilespmem:$0xB1D0] =	vst v63  }
0x90: {  	_ =	swait.ge [sflag:s21], $0x2000  }
0x91: {  	[sflag:s21] =	ssyncset.done $0x0  }
0x92: {  	s26 =	simm.s32 $0x32D0;
	[sflag:s21] =	ssyncadd.s32 $0xFFFFE000  }
0x93: {  	[tilespmem:s18], [sflag:$0x1] =	stream.indirect.gather [hbm4b:s3+s17], $0x40, s26, s17, $0xb8;
	[tilespmem:$0xB1D0] =	vst v63  }
0x94: {  	_ =	swait.ge [sflag:s22], $0x2000  }
0x95: {  	[sflag:s22] =	ssyncset.done $0x0  }
0x96: {  	s28 =	rddreg [dreg:$0x9];
	[sflag:s22] =	ssyncadd.s32 $0xFFFFE000  }
0x97: {  	[hbm4b:s28+s2] =	stream.linear.scatter [tilespmem:s19], [sflag:$0x4], $0x2000, $0x38;
	[tilespmem:$0xB1D0] =	vst v63  }
0x98: {  	_ =	swait.ge [sflag:s23], $0x2000  }
0x99: {  	[sflag:s23] =	ssyncset.done $0x0  }
0x9a: {  	s29 =	simm.s32 $0x3350;
	[sflag:s23] =	ssyncadd.s32 $0xFFFFE000  }
0x9b: {  	[tilespmem:s19], [sflag:$0x2] =	stream.indirect.gather [hbm4b:s3+s17], $0x40, s29, s17, $0xb8;
	[tilespmem:$0xB1D0] =	vst v63  }
0x9c: {  	_ =	swait.ge [sflag:s20], $0x2000  }
0x9d: {  	[sflag:s20] =	ssyncset.done $0x0  }
0x9e: {  	s30 =	rddreg [dreg:$0xa];
	[sflag:s20] =	ssyncadd.s32 $0xFFFFE000  }
0x9f: {  	[hbm4b:s30+s2] =	stream.linear.scatter [tilespmem:s18], [sflag:$0x3], $0x2000, $0x38;
	[tilespmem:$0xB1D0] =	vst v63  }
0xa0: {  	_ =	swait.ge [sflag:s21], $0x2000  }
0xa1: {  	[sflag:s21] =	ssyncset.done $0x0  }
0xa2: {  	s31 =	simm.s32 $0x33D0;
	[sflag:s21] =	ssyncadd.s32 $0xFFFFE000  }
0xa3: {  	[tilespmem:s18], [sflag:$0x1] =	stream.indirect.gather [hbm4b:s3+s17], $0x40, s31, s17, $0xb8;
	[tilespmem:$0xB1D0] =	vst v63  }
0xa4: {  	_ =	swait.ge [sflag:s22], $0x2000  }
0xa5: {  	[sflag:s22] =	ssyncset.done $0x0  }
0xa6: {  	s1 =	rddreg [dreg:$0xb];
	[sflag:s22] =	ssyncadd.s32 $0xFFFFE000  }
0xa7: {  	[hbm4b:s1+s2] =	stream.linear.scatter [tilespmem:s19], [sflag:$0x4], $0x2000, $0x38;
	[tilespmem:$0xB1D0] =	vst v63  }
0xa8: {  	_ =	swait.ge [sflag:s23], $0x2000  }
0xa9: {  	[sflag:s23] =	ssyncset.done $0x0  }
0xaa: {  	s26 =	simm.s32 $0x3450;
	[sflag:s23] =	ssyncadd.s32 $0xFFFFE000  }
0xab: {  	[tilespmem:s19], [sflag:$0x2] =	stream.indirect.gather [hbm4b:s3+s17], $0x40, s26, s17, $0xb8;
	[tilespmem:$0xB1D0] =	vst v63  }
0xac: {  	_ =	swait.ge [sflag:s20], $0x2000  }
0xad: {  	[sflag:s20] =	ssyncset.done $0x0  }
0xae: {  	s28 =	rddreg [dreg:$0xc];
	[sflag:s20] =	ssyncadd.s32 $0xFFFFE000  }
0xaf: {  	[hbm4b:s28+s2] =	stream.linear.scatter [tilespmem:s18], [sflag:$0x3], $0x2000, $0x38;
	[tilespmem:$0xB1D0] =	vst v63  }
0xb0: {  	_ =	swait.ge [sflag:s21], $0x2000  }
0xb1: {  	[sflag:s21] =	ssyncset.done $0x0  }
0xb2: {  	s29 =	simm.s32 $0x34D0;
	[sflag:s21] =	ssyncadd.s32 $0xFFFFE000  }
0xb3: {  	[tilespmem:s18], [sflag:$0x1] =	stream.indirect.gather [hbm4b:s3+s17], $0x40, s29, s17, $0xb8;
	[tilespmem:$0xB1D0] =	vst v63  }
0xb4: {  	_ =	swait.ge [sflag:s22], $0x2000  }
0xb5: {  	[sflag:s22] =	ssyncset.done $0x0  }
0xb6: {  	s30 =	rddreg [dreg:$0xd];
	[sflag:s22] =	ssyncadd.s32 $0xFFFFE000  }
0xb7: {  	[hbm4b:s30+s2] =	stream.linear.scatter [tilespmem:s19], [sflag:$0x4], $0x2000, $0x38;
	[tilespmem:$0xB1D0] =	vst v63  }
0xb8: {  	_ =	swait.ge [sflag:s23], $0x2000  }
0xb9: {  	[sflag:s23] =	ssyncset.done $0x0  }
0xba: {  	s31 =	simm.s32 $0x3550;
	[sflag:s23] =	ssyncadd.s32 $0xFFFFE000  }
0xbb: {  	[tilespmem:s19], [sflag:$0x2] =	stream.indirect.gather [hbm4b:s3+s17], $0x40, s31, s17, $0xb8;
	[tilespmem:$0xB1D0] =	vst v63  }
0xbc: {  	_ =	swait.ge [sflag:s20], $0x2000  }
0xbd: {  	[sflag:s20] =	ssyncset.done $0x0  }
0xbe: {  	s1 =	rddreg [dreg:$0xe];
	[sflag:s20] =	ssyncadd.s32 $0xFFFFE000  }
0xbf: {  	[hbm4b:s1+s2] =	stream.linear.scatter [tilespmem:s18], [sflag:$0x3], $0x2000, $0x38;
	[tilespmem:$0xB1D0] =	vst v63  }
0xc0: {  	_ =	swait.ge [sflag:s21], $0x2000  }
0xc1: {  	[sflag:s21] =	ssyncset.done $0x0  }
0xc2: {  	s26 =	simm.s32 $0x35D0;
	[sflag:s21] =	ssyncadd.s32 $0xFFFFE000  }
0xc3: {  	[tilespmem:s18], [sflag:$0x1] =	stream.indirect.gather [hbm4b:s3+s17], $0x40, s26, s17, $0xb8;
	[tilespmem:$0xB1D0] =	vst v63  }
0xc4: {  	_ =	swait.ge [sflag:s22], $0x2000  }
0xc5: {  	[sflag:s22] =	ssyncset.done $0x0  }
0xc6: {  	s28 =	rddreg [dreg:$0xf];
	[sflag:s22] =	ssyncadd.s32 $0xFFFFE000  }
0xc7: {  	[hbm4b:s28+s2] =	stream.linear.scatter [tilespmem:s19], [sflag:$0x4], $0x2000, $0x38;
	[tilespmem:$0xB1D0] =	vst v63  }
0xc8: {  	_ =	swait.ge [sflag:s23], $0x2000  }
0xc9: {  	[sflag:s23] =	ssyncset.done $0x0  }
0xca: {  	s29 =	simm.s32 $0x3650;
	[sflag:s23] =	ssyncadd.s32 $0xFFFFE000  }
0xcb: {  	[tilespmem:s19], [sflag:$0x2] =	stream.indirect.gather [hbm4b:s3+s17], $0x40, s29, s17, $0xb8;
	[tilespmem:$0xB1D0] =	vst v63  }
0xcc: {  	_ =	swait.ge [sflag:s20], $0x2000  }
0xcd: {  	[sflag:s20] =	ssyncset.done $0x0  }
0xce: {  	s30 =	rddreg [dreg:$0x10];
	[sflag:s20] =	ssyncadd.s32 $0xFFFFE000  }
0xcf: {  	[hbm4b:s30+s2] =	stream.linear.scatter [tilespmem:s18], [sflag:$0x3], $0x2000, $0x38;
	[tilespmem:$0xB1D0] =	vst v63  }
0xd0: {  	_ =	swait.ge [sflag:s21], $0x2000  }
0xd1: {  	[sflag:s21] =	ssyncset.done $0x0  }
0xd2: {  	s31 =	simm.s32 $0x36D0;
	[sflag:s21] =	ssyncadd.s32 $0xFFFFE000  }
0xd3: {  	[tilespmem:s18], [sflag:$0x1] =	stream.indirect.gather [hbm4b:s3+s17], $0x40, s31, s17, $0xb8;
	[tilespmem:$0xB1D0] =	vst v63  }
0xd4: {  	_ =	swait.ge [sflag:s22], $0x2000  }
0xd5: {  	[sflag:s22] =	ssyncset.done $0x0  }
0xd6: {  	s1 =	rddreg [dreg:$0x11];
	[sflag:s22] =	ssyncadd.s32 $0xFFFFE000  }
0xd7: {  	[hbm4b:s1+s2] =	stream.linear.scatter [tilespmem:s19], [sflag:$0x4], $0x2000, $0x38;
	[tilespmem:$0xB1D0] =	vst v63  }
0xd8: {  	_ =	swait.ge [sflag:s23], $0x2000  }
0xd9: {  	[sflag:s23] =	ssyncset.done $0x0  }
0xda: {  	s26 =	simm.s32 $0x3750;
	[sflag:s23] =	ssyncadd.s32 $0xFFFFE000  }
0xdb: {  	[tilespmem:s19], [sflag:$0x2] =	stream.indirect.gather [hbm4b:s3+s17], $0x40, s26, s17, $0xb8;
	[tilespmem:$0xB1D0] =	vst v63  }
0xdc: {  	_ =	swait.ge [sflag:s20], $0x2000  }
0xdd: {  	[sflag:s20] =	ssyncset.done $0x0  }
0xde: {  	s28 =	rddreg [dreg:$0x12];
	[sflag:s20] =	ssyncadd.s32 $0xFFFFE000  }
0xdf: {  	[hbm4b:s28+s2] =	stream.linear.scatter [tilespmem:s18], [sflag:$0x3], $0x2000, $0x38;
	[tilespmem:$0xB1D0] =	vst v63  }
0xe0: {  	_ =	swait.ge [sflag:s21], $0x2000  }
0xe1: {  	[sflag:s21] =	ssyncset.done $0x0  }
0xe2: {  	s29 =	simm.s32 $0x37D0;
	[sflag:s21] =	ssyncadd.s32 $0xFFFFE000  }
0xe3: {  	[tilespmem:s18], [sflag:$0x1] =	stream.indirect.gather [hbm4b:s3+s17], $0x40, s29, s17, $0xb8;
	[tilespmem:$0xB1D0] =	vst v63  }
0xe4: {  	_ =	swait.ge [sflag:s22], $0x2000  }
0xe5: {  	[sflag:s22] =	ssyncset.done $0x0  }
0xe6: {  	s30 =	rddreg [dreg:$0x13];
	[sflag:s22] =	ssyncadd.s32 $0xFFFFE000  }
0xe7: {  	[hbm4b:s30+s2] =	stream.linear.scatter [tilespmem:s19], [sflag:$0x4], $0x2000, $0x38;
	[tilespmem:$0xB1D0] =	vst v63  }
0xe8: {  	_ =	swait.ge [sflag:s23], $0x2000  }
0xe9: {  	[sflag:s23] =	ssyncset.done $0x0  }
0xea: {  	s31 =	simm.s32 $0x3850;
	[sflag:s23] =	ssyncadd.s32 $0xFFFFE000  }
0xeb: {  	[tilespmem:s19], [sflag:$0x2] =	stream.indirect.gather [hbm4b:s3+s17], $0x40, s31, s17, $0xb8;
	[tilespmem:$0xB1D0] =	vst v63  }
0xec: {  	_ =	swait.ge [sflag:s20], $0x2000  }
0xed: {  	[sflag:s20] =	ssyncset.done $0x0  }
0xee: {  	s1 =	rddreg [dreg:$0x14];
	[sflag:s20] =	ssyncadd.s32 $0xFFFFE000  }
0xef: {  	[hbm4b:s1+s2] =	stream.linear.scatter [tilespmem:s18], [sflag:$0x3], $0x2000, $0x38;
	[tilespmem:$0xB1D0] =	vst v63  }
0xf0: {  	_ =	swait.ge [sflag:s21], $0x2000  }
0xf1: {  	[sflag:s21] =	ssyncset.done $0x0  }
0xf2: {  	s26 =	simm.s32 $0x38D0;
	[sflag:s21] =	ssyncadd.s32 $0xFFFFE000  }
0xf3: {  	[tilespmem:s18], [sflag:$0x1] =	stream.indirect.gather [hbm4b:s3+s17], $0x40, s26, s17, $0xb8;
	[tilespmem:$0xB1D0] =	vst v63  }
0xf4: {  	_ =	swait.ge [sflag:s22], $0x2000  }
0xf5: {  	[sflag:s22] =	ssyncset.done $0x0  }
0xf6: {  	s28 =	rddreg [dreg:$0x15];
	[sflag:s22] =	ssyncadd.s32 $0xFFFFE000  }
0xf7: {  	[hbm4b:s28+s2] =	stream.linear.scatter [tilespmem:s19], [sflag:$0x4], $0x2000, $0x38;
	[tilespmem:$0xB1D0] =	vst v63  }
0xf8: {  	_ =	swait.ge [sflag:s23], $0x2000  }
0xf9: {  	[sflag:s23] =	ssyncset.done $0x0  }
0xfa: {  	s29 =	simm.s32 $0x3950;
	[sflag:s23] =	ssyncadd.s32 $0xFFFFE000  }
0xfb: {  	[tilespmem:s19], [sflag:$0x2] =	stream.indirect.gather [hbm4b:s3+s17], $0x40, s29, s17, $0xb8;
	[tilespmem:$0xB1D0] =	vst v63  }
0xfc: {  	_ =	swait.ge [sflag:s20], $0x2000  }
0xfd: {  	[sflag:s20] =	ssyncset.done $0x0  }
0xfe: {  	s30 =	rddreg [dreg:$0x16];
	[sflag:s20] =	ssyncadd.s32 $0xFFFFE000  }
0xff: {  	[hbm4b:s30+s2] =	stream.linear.scatter [tilespmem:s18], [sflag:$0x3], $0x2000, $0x38;
	[tilespmem:$0xB1D0] =	vst v63  }
0x100: {  	_ =	swait.ge [sflag:s21], $0x2000  }
0x101: {  	[sflag:s21] =	ssyncset.done $0x0  }
0x102: {  	s31 =	simm.s32 $0x39D0;
	[sflag:s21] =	ssyncadd.s32 $0xFFFFE000  }
0x103: {  	[tilespmem:s18], [sflag:$0x1] =	stream.indirect.gather [hbm4b:s3+s17], $0x40, s31, s17, $0xb8;
	[tilespmem:$0xB1D0] =	vst v63  }
0x104: {  	_ =	swait.ge [sflag:s22], $0x2000  }
0x105: {  	[sflag:s22] =	ssyncset.done $0x0  }
0x106: {  	s1 =	rddreg [dreg:$0x18];
	[sflag:s22] =	ssyncadd.s32 $0xFFFFE000  }
0x107: {  	[hbm4b:s1+s2] =	stream.linear.scatter [tilespmem:s19], [sflag:$0x4], $0x2000, $0x38;
	[tilespmem:$0xB1D0] =	vst v63  }
0x108: {  	_ =	swait.ge [sflag:s23], $0x2000  }
0x109: {  	[sflag:s23] =	ssyncset.done $0x0  }
0x10a: {  	s26 =	simm.s32 $0x3A50;
	[sflag:s23] =	ssyncadd.s32 $0xFFFFE000  }
0x10b: {  	[tilespmem:s19], [sflag:$0x2] =	stream.indirect.gather [hbm4b:s3+s17], $0x40, s26, s17, $0xb8;
	[tilespmem:$0xB1D0] =	vst v63  }
0x10c: {  	_ =	swait.ge [sflag:s20], $0x2000  }
0x10d: {  	[sflag:s20] =	ssyncset.done $0x0  }
0x10e: {  	s28 =	rddreg [dreg:$0x19];
	[sflag:s20] =	ssyncadd.s32 $0xFFFFE000  }
0x10f: {  	[hbm4b:s28+s2] =	stream.linear.scatter [tilespmem:s18], [sflag:$0x3], $0x2000, $0x38;
	[tilespmem:$0xB1D0] =	vst v63  }
0x110: {  	_ =	swait.ge [sflag:s21], $0x2000  }
0x111: {  	[sflag:s21] =	ssyncset.done $0x0  }
0x112: {  	s29 =	simm.s32 $0x3AD0;
	[sflag:s21] =	ssyncadd.s32 $0xFFFFE000  }
0x113: {  	[tilespmem:s18], [sflag:$0x1] =	stream.indirect.gather [hbm4b:s3+s17], $0x40, s29, s17, $0xb8;
	[tilespmem:$0xB1D0] =	vst v63  }
0x114: {  	_ =	swait.ge [sflag:s22], $0x2000  }
0x115: {  	[sflag:s22] =	ssyncset.done $0x0  }
0x116: {  	s30 =	rddreg [dreg:$0x1a];
	[sflag:s22] =	ssyncadd.s32 $0xFFFFE000  }
0x117: {  	[hbm4b:s30+s2] =	stream.linear.scatter [tilespmem:s19], [sflag:$0x4], $0x2000, $0x38;
	[tilespmem:$0xB1D0] =	vst v63  }
0x118: {  	_ =	swait.ge [sflag:s23], $0x2000  }
0x119: {  	[sflag:s23] =	ssyncset.done $0x0  }
0x11a: {  	s31 =	simm.s32 $0x3B50;
	[sflag:s23] =	ssyncadd.s32 $0xFFFFE000  }
0x11b: {  	[tilespmem:s19], [sflag:$0x2] =	stream.indirect.gather [hbm4b:s3+s17], $0x40, s31, s17, $0xb8;
	[tilespmem:$0xB1D0] =	vst v63  }
0x11c: {  	_ =	swait.ge [sflag:s20], $0x2000  }
0x11d: {  	[sflag:s20] =	ssyncset.done $0x0  }
0x11e: {  	s1 =	rddreg [dreg:$0x1b];
	[sflag:s20] =	ssyncadd.s32 $0xFFFFE000  }
0x11f: {  	[hbm4b:s1+s2] =	stream.linear.scatter [tilespmem:s18], [sflag:$0x3], $0x2000, $0x38;
	[tilespmem:$0xB1D0] =	vst v63  }
0x120: {  	_ =	swait.ge [sflag:s21], $0x2000  }
0x121: {  	[sflag:s21] =	ssyncset.done $0x0  }
0x122: {  	s26 =	simm.s32 $0x3BD0;
	[sflag:s21] =	ssyncadd.s32 $0xFFFFE000  }
0x123: {  	[tilespmem:s18], [sflag:$0x1] =	stream.indirect.gather [hbm4b:s3+s17], $0x40, s26, s17, $0xb8;
	[tilespmem:$0xB1D0] =	vst v63  }
0x124: {  	_ =	swait.ge [sflag:s22], $0x2000  }
0x125: {  	[sflag:s22] =	ssyncset.done $0x0  }
0x126: {  	s28 =	rddreg [dreg:$0x1c];
	[sflag:s22] =	ssyncadd.s32 $0xFFFFE000  }
0x127: {  	[hbm4b:s28+s2] =	stream.linear.scatter [tilespmem:s19], [sflag:$0x4], $0x2000, $0x38;
	[tilespmem:$0xB1D0] =	vst v63  }
0x128: {  	_ =	swait.ge [sflag:s23], $0x2000  }
0x129: {  	[sflag:s23] =	ssyncset.done $0x0  }
0x12a: {  	s29 =	simm.s32 $0x3C50;
	[sflag:s23] =	ssyncadd.s32 $0xFFFFE000  }
0x12b: {  	[tilespmem:s19], [sflag:$0x2] =	stream.indirect.gather [hbm4b:s3+s17], $0x40, s29, s17, $0xb8;
	[tilespmem:$0xB1D0] =	vst v63  }
0x12c: {  	_ =	swait.ge [sflag:s20], $0x2000  }
0x12d: {  	[sflag:s20] =	ssyncset.done $0x0  }
0x12e: {  	s30 =	rddreg [dreg:$0x1d];
	[sflag:s20] =	ssyncadd.s32 $0xFFFFE000  }
0x12f: {  	[hbm4b:s30+s2] =	stream.linear.scatter [tilespmem:s18], [sflag:$0x3], $0x2000, $0x38;
	[tilespmem:$0xB1D0] =	vst v63  }
0x130: {  	_ =	swait.ge [sflag:s21], $0x2000  }
0x131: {  	[sflag:s21] =	ssyncset.done $0x0  }
0x132: {  	s31 =	simm.s32 $0x3CD0;
	[sflag:s21] =	ssyncadd.s32 $0xFFFFE000  }
0x133: {  	[tilespmem:s18], [sflag:$0x1] =	stream.indirect.gather [hbm4b:s3+s17], $0x40, s31, s17, $0xb8;
	[tilespmem:$0xB1D0] =	vst v63  }
0x134: {  	_ =	swait.ge [sflag:s22], $0x2000  }
0x135: {  	[sflag:s22] =	ssyncset.done $0x0  }
0x136: {  	s1 =	rddreg [dreg:$0x1e];
	[sflag:s22] =	ssyncadd.s32 $0xFFFFE000  }
0x137: {  	[hbm4b:s1+s2] =	stream.linear.scatter [tilespmem:s19], [sflag:$0x4], $0x2000, $0x38;
	[tilespmem:$0xB1D0] =	vst v63  }
0x138: {  	_ =	swait.ge [sflag:s23], $0x2000  }
0x139: {  	[sflag:s23] =	ssyncset.done $0x0  }
0x13a: {  	s26 =	simm.s32 $0x3D50;
	[sflag:s23] =	ssyncadd.s32 $0xFFFFE000  }
0x13b: {  	[tilespmem:s19], [sflag:$0x2] =	stream.indirect.gather [hbm4b:s3+s17], $0x40, s26, s17, $0xb8;
	[tilespmem:$0xB1D0] =	vst v63  }
0x13c: {  	_ =	swait.ge [sflag:s20], $0x2000  }
0x13d: {  	[sflag:s20] =	ssyncset.done $0x0  }
0x13e: {  	s28 =	rddreg [dreg:$0x1f];
	[sflag:s20] =	ssyncadd.s32 $0xFFFFE000  }
0x13f: {  	[hbm4b:s28+s2] =	stream.linear.scatter [tilespmem:s18], [sflag:$0x3], $0x2000, $0x38;
	[tilespmem:$0xB1D0] =	vst v63  }
0x140: {  	_ =	swait.ge [sflag:s21], $0x2000  }
0x141: {  	[sflag:s21] =	ssyncset.done $0x0  }
0x142: {  	s29 =	simm.s32 $0x3DD0;
	[sflag:s21] =	ssyncadd.s32 $0xFFFFE000  }
0x143: {  	[tilespmem:s18], [sflag:$0x1] =	stream.indirect.gather [hbm4b:s3+s17], $0x40, s29, s17, $0xb8;
	[tilespmem:$0xB1D0] =	vst v63  }
0x144: {  	_ =	swait.ge [sflag:s22], $0x2000  }
0x145: {  	[sflag:s22] =	ssyncset.done $0x0  }
0x146: {  	[sflag:s22] =	ssyncadd.s32 $0xFFFFE000  }
0x147: {  	[hbm4b:s4+s2] =	stream.linear.scatter [tilespmem:s19], [sflag:$0x4], $0x2000, $0x38;
	[tilespmem:$0xB1D0] =	vst v63  }
0x148: {  	_ =	swait.ge [sflag:s23], $0x2000  }
0x149: {  	[sflag:s23] =	ssyncset.done $0x0  }
0x14a: {  	s30 =	simm.s32 $0x3E50;
	[sflag:s23] =	ssyncadd.s32 $0xFFFFE000  }
0x14b: {  	[tilespmem:s19], [sflag:$0x2] =	stream.indirect.gather [hbm4b:s3+s17], $0x40, s30, s17, $0xb8;
	[tilespmem:$0xB1D0] =	vst v63  }
0x14c: {  	_ =	swait.ge [sflag:s20], $0x2000  }
0x14d: {  	[sflag:s20] =	ssyncset.done $0x0  }
0x14e: {  	[sflag:s20] =	ssyncadd.s32 $0xFFFFE000  }
0x14f: {  	[hbm4b:s5+s2] =	stream.linear.scatter [tilespmem:s18], [sflag:$0x3], $0x2000, $0x38;
	[tilespmem:$0xB1D0] =	vst v63  }
0x150: {  	_ =	swait.ge [sflag:s21], $0x2000  }
0x151: {  	[sflag:s21] =	ssyncset.done $0x0  }
0x152: {  	s31 =	simm.s32 $0x3ED0;
	[sflag:s21] =	ssyncadd.s32 $0xFFFFE000  }
0x153: {  	[tilespmem:s18], [sflag:$0x1] =	stream.indirect.gather [hbm4b:s3+s17], $0x40, s31, s17, $0xb8;
	[tilespmem:$0xB1D0] =	vst v63  }
0x154: {  	_ =	swait.ge [sflag:s22], $0x2000  }
0x155: {  	[sflag:s22] =	ssyncset.done $0x0  }
0x156: {  	[sflag:s22] =	ssyncadd.s32 $0xFFFFE000  }
0x157: {  	[hbm4b:s6+s2] =	stream.linear.scatter [tilespmem:s19], [sflag:$0x4], $0x2000, $0x38;
	[tilespmem:$0xB1D0] =	vst v63  }
0x158: {  	_ =	swait.ge [sflag:s23], $0x2000  }
0x159: {  	[sflag:s23] =	ssyncset.done $0x0  }
0x15a: {  	s1 =	simm.s32 $0x3F50;
	[sflag:s23] =	ssyncadd.s32 $0xFFFFE000  }
0x15b: {  	[tilespmem:s19], [sflag:$0x2] =	stream.indirect.gather [hbm4b:s3+s17], $0x40, s1, s17, $0xb8;
	[tilespmem:$0xB1D0] =	vst v63  }
0x15c: {  	_ =	swait.ge [sflag:s20], $0x2000  }
0x15d: {  	[sflag:s20] =	ssyncset.done $0x0  }
0x15e: {  	[sflag:s20] =	ssyncadd.s32 $0xFFFFE000  }
0x15f: {  	[hbm4b:s7+s2] =	stream.linear.scatter [tilespmem:s18], [sflag:$0x3], $0x2000, $0x38;
	[tilespmem:$0xB1D0] =	vst v63  }
0x160: {  	_ =	swait.ge [sflag:s21], $0x2000  }
0x161: {  	[sflag:s21] =	ssyncset.done $0x0  }
0x162: {  	s26 =	simm.s32 $0x3FD0;
	[sflag:s21] =	ssyncadd.s32 $0xFFFFE000  }
0x163: {  	[tilespmem:s18], [sflag:$0x1] =	stream.indirect.gather [hbm4b:s3+s17], $0x40, s26, s17, $0xb8;
	[tilespmem:$0xB1D0] =	vst v63  }
0x164: {  	_ =	swait.ge [sflag:s22], $0x2000  }
0x165: {  	[sflag:s22] =	ssyncset.done $0x0  }
0x166: {  	[sflag:s22] =	ssyncadd.s32 $0xFFFFE000  }
0x167: {  	[hbm4b:s8+s2] =	stream.linear.scatter [tilespmem:s19], [sflag:$0x4], $0x2000, $0x38;
	[tilespmem:$0xB1D0] =	vst v63  }
0x168: {  	_ =	swait.ge [sflag:s23], $0x2000  }
0x169: {  	[sflag:s23] =	ssyncset.done $0x0  }
0x16a: {  	s28 =	simm.s32 $0x4050;
	[sflag:s23] =	ssyncadd.s32 $0xFFFFE000  }
0x16b: {  	[tilespmem:s19], [sflag:$0x2] =	stream.indirect.gather [hbm4b:s3+s17], $0x40, s28, s17, $0xb8;
	[tilespmem:$0xB1D0] =	vst v63  }
0x16c: {  	_ =	swait.ge [sflag:s20], $0x2000  }
0x16d: {  	[sflag:s20] =	ssyncset.done $0x0  }
0x16e: {  	[sflag:s20] =	ssyncadd.s32 $0xFFFFE000  }
0x16f: {  	[hbm4b:s10+s2] =	stream.linear.scatter [tilespmem:s18], [sflag:$0x3], $0x2000, $0x38;
	[tilespmem:$0xB1D0] =	vst v63  }
0x170: {  	_ =	swait.ge [sflag:s21], $0x2000  }
0x171: {  	[sflag:s21] =	ssyncset.done $0x0  }
0x172: {  	s29 =	simm.s32 $0x40D0;
	[sflag:s21] =	ssyncadd.s32 $0xFFFFE000  }
0x173: {  	[tilespmem:s18], [sflag:$0x1] =	stream.indirect.gather [hbm4b:s3+s17], $0x40, s29, s17, $0xb8;
	[tilespmem:$0xB1D0] =	vst v63  }
0x174: {  	_ =	swait.ge [sflag:s22], $0x2000  }
0x175: {  	[sflag:s22] =	ssyncset.done $0x0  }
0x176: {  	[sflag:s22] =	ssyncadd.s32 $0xFFFFE000  }
0x177: {  	[hbm4b:s11+s2] =	stream.linear.scatter [tilespmem:s19], [sflag:$0x4], $0x2000, $0x38;
	[tilespmem:$0xB1D0] =	vst v63  }
0x178: {  	_ =	swait.ge [sflag:s23], $0x2000  }
0x179: {  	[sflag:s23] =	ssyncset.done $0x0  }
0x17a: {  	s30 =	simm.s32 $0x4150;
	[sflag:s23] =	ssyncadd.s32 $0xFFFFE000  }
0x17b: {  	[tilespmem:s19], [sflag:$0x2] =	stream.indirect.gather [hbm4b:s3+s17], $0x40, s30, s17, $0xb8;
	[tilespmem:$0xB1D0] =	vst v63  }
0x17c: {  	_ =	swait.ge [sflag:s20], $0x2000  }
0x17d: {  	[sflag:s20] =	ssyncset.done $0x0  }
0x17e: {  	[sflag:s20] =	ssyncadd.s32 $0xFFFFE000  }
0x17f: {  	[hbm4b:s12+s2] =	stream.linear.scatter [tilespmem:s18], [sflag:$0x3], $0x2000, $0x38;
	[tilespmem:$0xB1D0] =	vst v63  }
0x180: {  	_ =	swait.ge [sflag:s22], $0x2000  }
0x181: {  	[sflag:s22] =	ssyncset.done $0x0  }
0x182: {  	[sflag:s22] =	ssyncadd.s32 $0xFFFFE000  }
0x183: {  	[hbm4b:s13+s2] =	stream.linear.scatter [tilespmem:s19], [sflag:$0x4], $0x2000, $0x38;
	[tilespmem:$0xB1D0] =	vst v63  }
0x184: {  	_ =	swait.ge [sflag:s21], $0x2000  }
0x185: {  	[sflag:s21] =	ssyncset.done $0x0  }
0x186: {  	[sflag:s21] =	ssyncadd.s32 $0xFFFFE000  }
0x187: {  	_ =	swait.ge [sflag:s23], $0x2000  }
0x188: {  	[sflag:s23] =	ssyncset.done $0x0  }
0x189: {  	[sflag:s23] =	ssyncadd.s32 $0xFFFFE000  }
0x18a: {  	_ =	swait.ge [sflag:s24], $0x3000  }
0x18b: {  	s25 =	sadd.s32 $0x1, s25;
	s31 =	rddreg [dreg:$0x17]  }
0x18c: {  	p0 =	sne.s32 s25, s31  }
.Ltmp2:
0x18d: {  	_ = 	snop;
	(pc) =	sbr.rel @p0 .LBB2_1-.Ltmp2, $3  }
0x18e: {  	_ =	sdelay $0x1  }
0x18f: {  	[sflag:s24] =	ssyncset.done $0x0  }
0x190: {  	[sflag:s24] =	ssyncadd.s32 $0xFFFFD000  }
0x191: {  	_ =	sfence.sel $0x180000  }
0x192: {  	[bflag:$0x0] =	sbarrier.arrive $0xFFFF  }
0x193: {  	_ =	strace $0x90000047  }
0x194: {  	s0 =	stileid.u32;
	[bflag:$0x2] =	sbarrier.arrive $0xFFFF  }
0x195: {  	p0 =	sne.s32 s0, $0x0;
	s0 =	rddreg [dreg:$0x3]  }
0x196: {  	s0 =	sadd.s32 @!p0 $0x100000, s0  }
0x197: {  	[sflag:s0] =	ssyncadd.tile.s32 @!p0 $0x1;
	_ =	shalt  }
.Lfunc_end2:
_tile_overlayer_lowered:
.L_overlay_start_2:
0x198: {  	(tag) =	ssettag $0x2  }
0x199: {  	s0 =	rddreg [dreg:$0x0];
	s2 =	stileid.u32  }
0x19a: {  	s1 =	rddreg [dreg:$0x1];
	p0 =	sne.s32 s2, $0x0  }
0x19b: {  	s3 =	rddreg [dreg:$0x2];
	[bflag:$0x3] =	sbarrier.arrive $0xFFFF;
	s2 =	simm.s32 @!p0 $0x1C06  }
0x19c: {  	[timem:s3], [sflag:s2] =	dma.local @!p0 [hbm:s0], s1  }
0x19d: {  	s0 =	simm.s32 @!p0 $0x6  }
0x19e: {  	_ =	swait.ge @!p0 [sflag:s0], s1  }
0x19f: {  	s1 =	ssub.s32 @!p0 $0x0, s1;
	[sflag:s0] =	ssyncset.done @!p0 $0x0  }
0x1a0: {  	[sflag:s0] =	ssyncadd.s32 @!p0 s1  }
0x1a1: {  	[bflag:$0x3] =	sbarrier.arrive $0xFFFF  }
0x1a2: {  	_ =	shalt  }

// kernel: sparse-core-data-format-call.cloned.1.call-start
scs
called_computation_lowered:
.L_overlay_start_0:
0x0: {  	s2 =	sld [smem:$0x3FD9]  }
0x1: {  	s3 =	sld [smem:$0x3FFE];
	_ =	sdelay $0x1  }
0x2: {  	s1 =	srdreg.scid  }
0x3: {  	s0 =	sand.u32 $0x1, s1  }
0x4: {  	s15 =	sshll.u32 s0, $0xA;
	s2 =	sadd.s32 s3, s2  }
0x5: {  	s2 =	sadd.s32 s2, s15  }
0x6: {  	[smem:$0x3FC5] =	sst s2  }
0x7: {  	_ = 	snop  }
0x8: {  	s2 =	sld [smem:$0x3FD0];
	_ =	sdelay $0x2  }
0x9: {  	s16 =	simm.s32 $0xA;
	s4 =	simm.s32 $0x10  }
0xa: {  	[smem:s4], [sflag:s16] =	dma.local [hbm:s2], $0x1  }
0xb: {  	_ =	swait.eq [sflag:s16], $0x1  }
0xc: {  	[sflag:s16] =	ssyncset.done $0x0  }
0xd: {  	[sflag:s16] =	ssyncadd.s32 $0xFFFFFFFF  }
0xe: {  	s17 =	sld [smem:$0x11];
	(tm) =	ssettm $0x1  }
0xf: {  	s18 =	sld [smem:$0x3FFB];
	_ =	sdelay $0x3  }
0x10: {  	_ =	strace s18  }
0x11: {  	s3 =	sld [smem:$0x3FFC];
	_ =	sdelay $0x3  }
0x12: {  	_ =	strace s3  }
0x13: {  	s3 =	sld [smem:$0x3FFD];
	_ =	sdelay $0x3  }
0x14: {  	_ =	strace s3  }
0x15: {  	_ =	strace $0x8FFFFFFF  }
0x16: {  	s19 =	sld [smem:$0x3FDB];
	_ =	sdelay $0x1  }
0x17: {  	s20 =	simm.s32 $_scs_section_size  }
0x18: {  	s5 =	simm.s32 $_size__tile_overlayer_lowered;
	s6 =	simm.s32 $_tile_overlayer_lowered  }
0x19: {  	s23 =	simm.s32 $0x1BFF;
	s22 =	sshll.u32 s6, $0x1;
	s3 =	sadd.s32 s20, s19  }
0x1a: {  	s7 =	simm.s32 $0x0;
	s21 =	sshll.u32 s5, $0x1;
	s5 =	sadd.s32 s22, s3  }
0x1b: {  	[timem:s7], [sflag:s23] =	dma.local [hbm:s5], s21  }
0x1c: {  	_ =	swait.ge [sflag:s23], s21  }
0x1d: {  	s4 =	ssub.s32 $0x0, s21;
	[sflag:s23] =	ssyncset.done $0x0  }
0x1e: {  	[sflag:s23] =	ssyncadd.s32 s4;
	_ =	sdelay $0x1  }
0x1f: {  	s24 =	simm.s32 $0x1B8B  }
0x20: {  	_ =	swait.ge [sflag:s24], $0x1  }
0x21: {  	[sflag:s24] =	ssyncset.done $0x0  }
0x22: {  	s26 =	simm.s32 $0x1B8E;
	s25 =	sld [smem:$0x3FFE];
	[sflag:s24] =	ssyncadd.s32 $0xFFFFFFFF  }
0x23: {  	s27 =	simm.s32 $execute0_lowered;
	[smem:$0x3FD2] =	sst s26  }
0x24: {  	s5 =	sshll.u32 s27, $0x1;
	_ =	strace $0x80000049;
	[dreg:$0x1] =	wrdreg $0xFFFFFFFF  }
0x25: {  	s28 =	simm.s32 $_size_execute0_lowered;
	s3 =	sadd.s32 s3, s5;
	[dreg:$0x0] =	wrdreg $0x0  }
0x26: {  	s5 =	sshll.u32 s28, $0x1;
	[dreg:$0x2] =	wrdreg s3  }
0x27: {  	[dreg:$0x3] =	wrdreg s5  }
0x28: {  	[dreg:$0x4] =	wrdreg $0xC0  }
0x29: {  	_ =	task [dreg:s7], $0x5FFFF  }
0x2a: {  	[dreg:$0x1] =	wrdreg $0xFFFFFFFF  }
0x2b: {  	[dreg:$0x0] =	wrdreg $0x60  }
0x2c: {  	[dreg:$0x2] =	wrdreg s25  }
0x2d: {  	[dreg:$0x3] =	wrdreg s17  }
0x2e: {  	[dreg:$0x4] =	wrdreg $0x9  }
0x2f: {  	_ =	task.clear_ibuf [dreg:s7], $0x5FFFF;
	_ =	strace $0x90000049  }
0x30: {  	s29 =	simm.s32 $0x9;
	_ =	strace $0x8000004B  }
0x31: {  	_ =	swait.ge [sflag:s29], $0x1  }
0x32: {  	[sflag:s29] =	ssyncadd.s32 $0xFFFFFFFF  }
0x33: {  	_ =	strace $0x9000004B  }
0x34: {  	_ =	sfence  }
0x35: {  	s30 =	sld [smem:$0x0];
	_ =	sdelay $0x2  }
0x36: {  	s31 =	sshll.u32 s1, $0xD;
	s1 =	sshrl.u32 s1, $0x2  }
0x37: {  	s3 =	sand.u32 $0x4000, s31;
	s1 =	sadd.s32 s1, s30  }
0x38: {  	s0 =	sor.u32 s3, s0;
	s1 =	sshll.u32 s1, $0x11  }
0x39: {  	s0 =	sor.u32 s1, s0  }
0x3a: {  	s0 =	sadd.s32 $0x8F2B, s0  }
0x3b: {  	[sflag:s0] =	ssyncadd.remote.s32 $0x1  }
0x3c: {  	_ =	sfence.sel $0xFFFF  }
0x3d: {  	[dreg:$0x0] =	wrdreg $0xFFFFFFFF;
	(pc) =	sbr.abs _section_cstart, $3  }
0x3e: {  	[dreg:$0x1] =	wrdreg $0xFFFFFFFF  }
0x3f: {  	_ =	task.clear_ibuf [dreg:s7], $0x2FFFF;
	_ =	strace $0x9FFFFFFF  }
0x40: {  	(tm) =	ssettm $0x7FFFFFFF  }
0x41: {  	_ =	shalt  }
tec
execute0_lowered:
.L_overlay_start_1:
0x0: {  	(tag) =	ssettag $0x1  }
0x1: {  	s0 =	stileid.u32  }
0x2: {  	s1 =	srdreg.scid;
	s8 =	rddreg [dreg:$0x0];
	s31 =	simm.s32 $0x2  }
0x3: {  	s14 =	simm.s32 $0x0;
	s15 =	simm.s32 $0x0;
	s13 =	simm.s32 $0x0  }
0x4: {  	s2 =	sshll.u32 s0, $0x6;
	s1 =	sshll.u32 s1, $0xA;
	s3 =	sshll.u32 s0, $0x1  }
0x5: {  	s1 =	sor.u32 s2, s1;
	s2 =	rddreg [dreg:$0x1];
	s3 =	sand.u32 $0x2, s3  }
0x6: {  	s4 =	sand.u32 $0x780, s1;
	s1 =	rddreg [dreg:$0x2];
	s5 =	ssub.s32 $0x4, s3  }
0x7: {  	_ =	strace $0x8000004A;
	s12 =	smov.u32 s3;
	s6 =	ssub.s32 $0x8000, s4  }
0x8: {  	s7 =	sshrl.u32 s5, $0x2;
	s5 =	sshrl.u32 s5, $0x1;
	s9 =	sand.u32 $0x780, s6  }
0x9: {  	s10 =	sand.u32 $0x1, s5;
	p0 =	sne.s32 s9, $0x0;
	s9 =	simm.s32 $0x1  }
.Ltmp0:
0xa: {  	s6 =	sshrl.u32 s6, $0xB;
	s9 =	simm.s32 @!p0 $0x0;
	(pc) =	sbr.rel .LBB1_1-.Ltmp0, $4  }
0xb: {  	s5 =	simm.s32 $0x1;
	s7 =	sadd.s32 s7, s10;
	s6 =	sadd.s32 s9, s6  }
0xc: {  	s11 =	smov.u32 s4;
	[sflag:s5] =	ssyncpa.u1 $0x0;
	s6 =	smul.u32 s7, s6  }
0xd: {  	s10 =	simm.s32 $0x40000;
	[sflag:s31] =	ssyncpa.u1 $0x0;
	p0 =	por $0x0, $0x0  }
0xe: {  	s7 =	sadd.s32 $0xE00, s8;
	s8 =	sadd.s32 $0x80E00, s8;
	s9 =	sadd.s32 $0x1, s6  }
.LBB1_7:
0xf: {  	s16 =	sadd.s32 $0x800, s11  }
0x10: {  	s14 =	sadd.s32 $0x4, s12;
	s18 =	smov.u32 s12;
	p2 =	sgt.s32 s16, $0x7FFF  }
0x11: {  	s18 =	smov.u32 @p2 s14  }
0x12: {  	s16 =	smov.u32 @p2 s4;
	p2 =	sgt.s32 s18, $0x3  }
0x13: {  	s18 =	smov.u32 @p2 s3;
	p2 =	sne.s32 s13, s9  }
.Ltmp1:
0x14: {  	p1 =	slt.u32 s13, $0x2;
	(pc) =	sbr.rel @!p2 .LBB1_8-.Ltmp1, $4  }
0x15: {  	s17 =	simm.s32 @!p1 $0x2  }
0x16: {  	s15 =	smov.u32 s12;
	p0 =	por !p0, !p0;
	_ =	swait.ge @!p1 [sflag:s17], $0x4000  }
0x17: {  	s14 =	smov.u32 s11;
	[sflag:s17] =	ssyncset.done @!p1 $0x0;
	s11 =	smov.u32 s16  }
0x18: {  	s13 =	sadd.s32 $0x1, s13;
	[sflag:s17] =	ssyncadd.s32 @!p1 $0xFFFFC000;
	s12 =	smov.u32 s18  }
.LBB1_1:
0x19: {  	p1 =	sge.u32 s13, s6  }
0x1a: {  	s16 =	sxor.u32 @!p1 $0xFFFFFFFF, s13;
	s17 =	sshll.u32 @!p1 s12, $0x13  }
0x1b: {  	s18 =	sshll.u32 @!p1 s11, $0x4;
	s20 =	simm.s32 @!p1 $0x40;
	s21 =	simm.s32 @!p1 $0x80  }
0x1c: {  	s16 =	sshll.u32 @!p1 s16, $0xE;
	s18 =	sand.u32 @!p1 $0x7FFF0, s18;
	s19 =	sadd.s32 @!p1 s7, s17  }
0x1d: {  	s17 =	sadd.s32 @!p1 s17, s8;
	s16 =	sand.u32 @!p1 $0x4000, s16;
	s19 =	sadd.s32 @!p1 s18, s19  }
0x1e: {  	[tilespmem:s16], [sflag:$0x1] =	stream.strided.gather @!p1 [hbm4b:s19+s20], $0x2000, s21, s20, $0x38;
	[tilespmem:$0x10100] =	vst v63  }
0x1f: {  	s31 =	sadd.s32 $0xFFFFFFFF, s13;
	s17 =	sadd.s32 @!p1 s18, s17;
	s16 =	sor.u32 @!p1 $0x2000, s16  }
0x20: {  	[tilespmem:s16], [sflag:$0x1] =	stream.strided.gather @!p1 [hbm4b:s17+s20], $0x2000, s21, s20, $0x38;
	[tilespmem:$0x10100] =	vst v63  }
0x21: {  	p1 =	sge.u32 s31, s6  }
.Ltmp2:
0x22: {  	_ = 	snop;
	(pc) =	sbr.rel @p1 .LBB1_7-.Ltmp2, $1  }
0x23: {  	_ =	sdelay $0x3  }
0x24: {  	s16 =	simm.s32 $0x1;
	s18 =	sand.u32 $0x1, s13  }
0x25: {  	_ =	swait.ge [sflag:s5], $0x4000;
	s16 =	simm.s32 @!p0 $0x0;
	s18 =	smul.u32 $0x10200, s18  }
0x26: {  	p2 =	por $0x1, $0x1;
	[sflag:s5] =	ssyncset.done $0x0;
	s17 =	smul.u32 $0x10200, s16  }
0x27: {  	s19 =	sshll.u32 s16, $0x10;
	[sflag:s5] =	ssyncadd.s32 $0xFFFFC000;
	s30 =	sshrl.u32 s18, $0x2  }
0x28: {  	s31 =	sshrl.u32 s19, $0x2;
	s19 =	simm.s32 $0x0;
	s17 =	sshrl.u32 s17, $0x2  }
0x29: {  	s16 =	sor.u32 $0x8000, s30;
	s18 =	sadd.s32 $0x20, s31;
	s17 =	sor.u32 $0x8000, s17  }
.LBB1_3:
0x2a: {  	s20 =	sshll.u32 s19, $0xD  }
0x2b: {  	s20 =	sand.u32 $0x3FFFE000, s20  }
0x2c: {  	s22 =	sadd.s32 s20, s18  }
0x2d: {  	s31 =	smul.u32 $0x8100, s19;
	v3 =	vld [tilespmem:s22+$0x10]  }
0x2e: {  	v1 =	vld [tilespmem:s22+$0xFFFFFFF0]  }
0x2f: {  	s19 =	sshra.s32 s31, $0x2;
	v0 =	vld [tilespmem:s22+$0x0]  }
0x30: {  	s19 =	sadd.s32 s19, s17;
	v2 =	vld [tilespmem:s22+$0xFFFFFFE0]  }
0x31: {  	s20 =	sadd.s32 $0x0, s19  }
0x32: {  	p1 =	por p2, p2;
	s21 =	simm.s32 $0x4;
	s22 =	sadd.s32 $0x40, s22;
	[tilespmem:s20+$0x1830 ss:$0x81] =	vst.msk $0xffff, v3  }
.LBB1_4:
0x33: {  	v3 =	vld [tilespmem:s22+$0x10];
	p2 =	sne.s32 s21, $0x1FC;
	[tilespmem:s20+$0x810 ss:$0x81] =	vst.msk $0xffff, v1;
	s23 =	smov.u32 s21;
	s21 =	sadd.s32 $0x4, s21  }
.Ltmp3:
0x34: {  	v1 =	vld [tilespmem:s22+$0xFFFFFFF0];
	[tilespmem:s20+$0x1020 ss:$0x81] =	vst.msk $0xffff, v0;
	(pc) =	sbr.rel @p2 .LBB1_4-.Ltmp3, $4  }
0x35: {  	v0 =	vld [tilespmem:s22+$0x0];
	[tilespmem:s20+$0x0 ss:$0x81] =	vst.msk $0xffff, v2  }
0x36: {  	s20 =	sshra.s32 s23, $0x2;
	v2 =	vld [tilespmem:s22+$0xFFFFFFE0]  }
0x37: {  	s20 =	sadd.s32 s20, s19  }
0x38: {  	s22 =	sadd.s32 $0x40, s22;
	[tilespmem:s20+$0x1830 ss:$0x81] =	vst.msk $0xffff, v3  }
.Ltmp4:
0x39: {  	(pc) =	sbr.rel @p1 .LBB1_3-.Ltmp4, $4  }
0x3a: {  	_ = 	snop  }
0x3b: {  	[tilespmem:s20+$0x810 ss:$0x81] =	vst.msk $0xffff, v1  }
0x3c: {  	[tilespmem:s20+$0x1020 ss:$0x81] =	vst.msk $0xffff, v0  }
0x3d: {  	s19 =	simm.s32 $0x1;
	p2 =	por $0x0, $0x0;
	[tilespmem:s20+$0x0 ss:$0x81] =	vst.msk $0xffff, v2  }
0x3e: {  	s17 =	sshll.u32 s14, $0x3;
	s18 =	sand.u32 $0x78, s14;
	s15 =	sshll.u32 s15, $0x12  }
.Ltmp5:
0x3f: {  	s30 =	sand.u32 $0x3F000, s14;
	s17 =	sand.u32 $0x7C00, s17;
	(pc) =	sbr.rel .LBB1_7-.Ltmp5, $4  }
0x40: {  	s31 =	sand.u32 $0x7, s14;
	s15 =	sadd.s32 s2, s15;
	s17 =	sor.u32 s18, s17  }
0x41: {  	s14 =	sshll.u32 s31, $0x12;
	s15 =	sadd.s32 s30, s15;
	s17 =	sshrl.u32 s17, $0x3  }
0x42: {  	s14 =	sor.u32 $0x400, s14;
	s15 =	sadd.s32 s17, s15  }
0x43: {  	[hbm4b:s15+s14] =	stream.strided.scatter [tilespmem:s16], [sflag:$0x2], $0x4000, s10, s14, $0x20;
	[tilespmem:$0x10100] =	vst v63  }
.LBB1_8:
0x44: {  	_ =	sfence.sel $0x180000  }
0x45: {  	s2 =	simm.s32 $0x1;
	[bflag:$0x0] =	sbarrier.arrive $0xFFFF  }
0x46: {  	s31 =	simm.s32 $0x2;
	[sflag:s2] =	ssyncpa.u1 $0x1  }
0x47: {  	[sflag:s31] =	ssyncpa.u1 $0x1  }
0x48: {  	p0 =	sne.s32 s0, $0x0;
	_ =	strace $0x9000004A  }
0x49: {  	s0 =	sadd.s32 @!p0 $0x100000, s1;
	[bflag:$0x2] =	sbarrier.arrive $0xFFFF  }
0x4a: {  	[sflag:s0] =	ssyncadd.tile.s32 @!p0 $0x1;
	_ =	shalt  }
.Lfunc_end1:
_tile_overlayer_lowered:
.L_overlay_start_2:
0x4b: {  	(tag) =	ssettag $0x2  }
0x4c: {  	s0 =	rddreg [dreg:$0x0];
	s2 =	stileid.u32  }
0x4d: {  	s1 =	rddreg [dreg:$0x1];
	p0 =	sne.s32 s2, $0x0  }
0x4e: {  	s3 =	rddreg [dreg:$0x2];
	[bflag:$0x3] =	sbarrier.arrive $0xFFFF;
	s2 =	simm.s32 @!p0 $0x1C01  }
0x4f: {  	[timem:s3], [sflag:s2] =	dma.local @!p0 [hbm:s0], s1  }
0x50: {  	s0 =	simm.s32 @!p0 $0x1  }
0x51: {  	_ =	swait.ge @!p0 [sflag:s0], s1  }
0x52: {  	s1 =	ssub.s32 @!p0 $0x0, s1;
	[sflag:s0] =	ssyncset.done @!p0 $0x0  }
0x53: {  	[sflag:s0] =	ssyncadd.s32 @!p0 s1  }
0x54: {  	[bflag:$0x3] =	sbarrier.arrive $0xFFFF  }
0x55: {  	_ =	shalt  }

</sc_bundles>
